<compile_context>
chip_gen: v7x
topology: tpu7x:2x2x1
jax: 0.10.2.dev20260603
libtpu: 0.0.44.dev20260713+nightly
codegen_flags: <defaults>
</compile_context>

<pallas_src>
import functools

import jax
import jax.numpy as jnp
from jax import lax
from jax.experimental import pallas as pl
from jax.experimental.pallas import tpu as pltpu
from jax.experimental.pallas import tpu_sc as plsc

N_TOKENS = 5
VOCAB = 100000
EMBED_DIM = 64
BATCH = 4096
SEQ_LEN = 200

_NC, _NS = 2, 16
_NW = _NC * _NS
_BPW = BATCH // _NW
_G0 = 128
_G1 = SEQ_LEN - _G0
_LANES = 16
_NBUF = 4
_NGRP = _BPW // _NBUF

_mesh = plsc.VectorSubcoreMesh(core_axis_name="c", subcore_axis_name="s")


@functools.partial(
    pl.kernel,
    mesh=_mesh,
    compiler_params=pltpu.CompilerParams(use_tc_tiling_on_sc=False),
    out_type=jax.ShapeDtypeStruct((BATCH * SEQ_LEN, EMBED_DIM), jnp.float32),
    scratch_types=[
        pltpu.VMEM((_BPW, SEQ_LEN), jnp.int32),
        pltpu.VMEM((_BPW * N_TOKENS, EMBED_DIM), jnp.float32),
        pltpu.VMEM((N_TOKENS, EMBED_DIM), jnp.float32),
        pltpu.VMEM((N_TOKENS, EMBED_DIM), jnp.float32),
        pltpu.VMEM((_NBUF, SEQ_LEN, EMBED_DIM), jnp.float32),
        [pltpu.SemaphoreType.DMA] * _NBUF,
        [pltpu.SemaphoreType.DMA] * _NBUF,
        pltpu.SemaphoreType.DMA,
    ],
)
def _sc_embed(tok_hbm, wte_hbm, samp_hbm, var_hbm, avg_hbm, out_hbm,
              idx_v, samp_v, var_v, avg_v, blk_v, gsems, wsems, ssem):
    wid = lax.axis_index("s") * _NC + lax.axis_index("c")
    b0 = wid * _BPW

    d0 = pltpu.async_copy(tok_hbm.at[pl.ds(b0, _BPW)], idx_v, ssem)
    d1 = pltpu.async_copy(samp_hbm.at[pl.ds(b0 * N_TOKENS, _BPW * N_TOKENS)],
                          samp_v, ssem)
    d2 = pltpu.async_copy(var_hbm, var_v, ssem)
    d3 = pltpu.async_copy(avg_hbm, avg_v, ssem)
    d0.wait()
    d1.wait()
    d2.wait()
    d3.wait()

    def start_gather(r, slot):
        pltpu.async_copy(wte_hbm.at[idx_v.at[r, pl.ds(0, _G0)]],
                         blk_v.at[slot, pl.ds(0, _G0)], gsems[slot])
        pltpu.async_copy(wte_hbm.at[idx_v.at[r, pl.ds(_G0, _G1)]],
                         blk_v.at[slot, pl.ds(_G0, _G1)], gsems[slot])

    def wait_gather(slot):
        pltpu.make_async_copy(wte_hbm.at[pl.ds(0, SEQ_LEN)],
                              blk_v.at[slot], gsems[slot]).wait()

    def wait_write(slot):
        pltpu.make_async_copy(blk_v.at[slot],
                              out_hbm.at[pl.ds(0, SEQ_LEN)], wsems[slot]).wait()

    for r in range(_NBUF - 1):
        start_gather(r, r)

    def body(g, carry):
        for b in range(_NBUF):
            i = g * _NBUF + b
            prev = (b - 1) % _NBUF
            if b == 0:
                @pl.when(g >= 1)
                def _():
                    wait_write(prev)
            else:
                wait_write(prev)
            nxt = i + _NBUF - 1
            if b == 0:
                start_gather(nxt, prev)
            else:
                @pl.when(nxt < _BPW)
                def _():
                    start_gather(nxt, prev)
            wait_gather(b)
            for j in range(N_TOKENS):
                for c in range(EMBED_DIM // _LANES):
                    sl = pl.ds(c * _LANES, _LANES)
                    blk_v[b, j, sl] = (samp_v[i * N_TOKENS + j, sl]
                                       * var_v[j, sl] + avg_v[j, sl])
            pltpu.async_copy(blk_v.at[b],
                             out_hbm.at[pl.ds((b0 + i) * SEQ_LEN, SEQ_LEN)],
                             wsems[b])
        return carry

    lax.fori_loop(0, _NGRP, body, 0)
    wait_write(_NBUF - 1)


def kernel(tokens, wte, avg, var):
    samp2 = jax.random.normal(jax.random.key(42),
                              (BATCH * N_TOKENS, EMBED_DIM), dtype=wte.dtype)
    out = _sc_embed(tokens.astype(jnp.int32), wte, samp2, var, avg)
    return out.reshape(BATCH, SEQ_LEN, EMBED_DIM)

# --- scband reference (transcript-rebuilt; emitter-appended) ---
"""Pipeline reference for scband-soft-single-embedding-16003048145479 (READ-ONLY COPY).

The authoritative reference and input builder live on the scoring server;
editing this copy changes nothing except your own understanding.
"""

import jax, jax.numpy as jnp
import numpy as np

N_TOKENS = 5
VOCAB = 100000
EMBED_DIM = 64
BATCH = 4096
SEQ_LEN = 200


def setup_inputs(seed: int = 0) -> dict:
    key = jax.random.key(seed)
    k1, k2, k3, k4 = jax.random.split(key, 4)
    tokens = jax.random.randint(k1, (BATCH, SEQ_LEN), 0, VOCAB)
    # learned params per init_kwargs
    wte = jax.random.normal(k2, (VOCAB, EMBED_DIM), dtype=jnp.float32) * 0.02
    avg = jax.random.uniform(k3, (N_TOKENS, EMBED_DIM), minval=-0.01, maxval=0.01, dtype=jnp.float32)
    var = jax.random.uniform(k4, (N_TOKENS, EMBED_DIM), minval=1.25, maxval=1.5, dtype=jnp.float32)
    return {"tokens": tokens, "wte": wte, "avg": avg, "var": var}


def reference(tokens, wte, avg, var):
    # input_embedding = self.wte(tokens[:, self.n_tokens:])
    input_embedding = jnp.take(wte, tokens[:, N_TOKENS:], axis=0)
    # sample = torch.normal(0, 1, size=(B, n_tokens, d))  (fixed key for determinism)
    sample = jax.random.normal(jax.random.key(42), (tokens.shape[0], N_TOKENS, wte.shape[1]), dtype=wte.dtype)
    # prefix = sample * var.unsqueeze(0) + avg.unsqueeze(0)
    prefix = sample * var[None, :, :] + avg[None, :, :]
    return jnp.concatenate([prefix, input_embedding], axis=1)

if __name__ == "__main__":
    import jax
    _d = setup_inputs()
    print(jax.jit(kernel)(*tuple(_d.values())))

</pallas_src>

<mosaic_0001>
#map = affine_map<(d0, d1) -> (0, 0)>
module attributes {stable_mosaic.version = 14 : i64} {
  func.func @_sc_embed(%arg0: i32, %arg1: i32, %arg2: memref<4096x200xi32, #tpu.memory_space<hbm>>, %arg3: memref<100000x64xf32, #tpu.memory_space<hbm>>, %arg4: memref<20480x64xf32, #tpu.memory_space<hbm>>, %arg5: memref<5x64xf32, #tpu.memory_space<hbm>>, %arg6: memref<5x64xf32, #tpu.memory_space<hbm>>, %arg7: memref<819200x64xf32, #tpu.memory_space<hbm>>, %arg8: memref<128x200xi32, #tpu.memory_space<vmem>>, %arg9: memref<640x64xf32, #tpu.memory_space<vmem>>, %arg10: memref<5x64xf32, #tpu.memory_space<vmem>>, %arg11: memref<5x64xf32, #tpu.memory_space<vmem>>, %arg12: memref<4x200x64xf32, #tpu.memory_space<vmem>>, %arg13: memref<!tpu.dma_semaphore, #tpu.memory_space<semaphore_mem>>, %arg14: memref<!tpu.dma_semaphore, #tpu.memory_space<semaphore_mem>>, %arg15: memref<!tpu.dma_semaphore, #tpu.memory_space<semaphore_mem>>, %arg16: memref<!tpu.dma_semaphore, #tpu.memory_space<semaphore_mem>>, %arg17: memref<!tpu.dma_semaphore, #tpu.memory_space<semaphore_mem>>, %arg18: memref<!tpu.dma_semaphore, #tpu.memory_space<semaphore_mem>>, %arg19: memref<!tpu.dma_semaphore, #tpu.memory_space<semaphore_mem>>, %arg20: memref<!tpu.dma_semaphore, #tpu.memory_space<semaphore_mem>>, %arg21: memref<!tpu.dma_semaphore, #tpu.memory_space<semaphore_mem>>) attributes {dimension_semantics = [#tpu.dimension_semantics<core_parallel>, #tpu.dimension_semantics<subcore_parallel>], iteration_bounds = array<i64: 2, 16>, scalar_prefetch = 0 : i64, scratch_operands = 14 : i64, tpu.core_type = #tpu.core_type<sc_vector_subcore>, window_params = [{transform_indices = #map}, {transform_indices = #map}, {transform_indices = #map}, {transform_indices = #map}, {transform_indices = #map}, {transform_indices = #map}]} {
    %mul3A = arith.constant 2 : i32
    %mul3A_0 = arith.muli %arg1, %mul3A : i32
    %add3A = arith.addi %mul3A_0, %arg0 : i32
    %mul3A_1 = arith.constant 128 : i32
    %mul3A_2 = arith.muli %add3A, %mul3A_1 : i32
    %dma_start3A = arith.constant 0 : i32
    %dma_start3A_3 = tpu.memref_slice %arg2[%mul3A_2, %dma_start3A] : memref<4096x200xi32, #tpu.memory_space<hbm>> -> memref<128x200xi32, #tpu.memory_space<hbm>>
    %dma_start3A_4 = arith.constant 0 : i32
    %dma_start3A_5 = tpu.memref_slice %arg2[%mul3A_2, %dma_start3A_4] : memref<4096x200xi32, #tpu.memory_space<hbm>> -> memref<128x200xi32, #tpu.memory_space<hbm>>
    tpu.enqueue_dma source(%dma_start3A_5 : memref<128x200xi32, #tpu.memory_space<hbm>>) target(%arg8 : memref<128x200xi32, #tpu.memory_space<vmem>>) target_semaphore(%arg21 : memref<!tpu.dma_semaphore, #tpu.memory_space<semaphore_mem>>)
    %mul3A_6 = arith.constant 5 : i32
    %mul3A_7 = arith.muli %mul3A_2, %mul3A_6 : i32
    %dma_start3A_8 = arith.constant 0 : i32
    %dma_start3A_9 = tpu.memref_slice %arg4[%mul3A_7, %dma_start3A_8] : memref<20480x64xf32, #tpu.memory_space<hbm>> -> memref<640x64xf32, #tpu.memory_space<hbm>>
    %dma_start3A_10 = arith.constant 0 : i32
    %dma_start3A_11 = tpu.memref_slice %arg4[%mul3A_7, %dma_start3A_10] : memref<20480x64xf32, #tpu.memory_space<hbm>> -> memref<640x64xf32, #tpu.memory_space<hbm>>
    tpu.enqueue_dma source(%dma_start3A_11 : memref<640x64xf32, #tpu.memory_space<hbm>>) target(%arg9 : memref<640x64xf32, #tpu.memory_space<vmem>>) target_semaphore(%arg21 : memref<!tpu.dma_semaphore, #tpu.memory_space<semaphore_mem>>)
    tpu.enqueue_dma source(%arg5 : memref<5x64xf32, #tpu.memory_space<hbm>>) target(%arg10 : memref<5x64xf32, #tpu.memory_space<vmem>>) target_semaphore(%arg21 : memref<!tpu.dma_semaphore, #tpu.memory_space<semaphore_mem>>)
    tpu.enqueue_dma source(%arg6 : memref<5x64xf32, #tpu.memory_space<hbm>>) target(%arg11 : memref<5x64xf32, #tpu.memory_space<vmem>>) target_semaphore(%arg21 : memref<!tpu.dma_semaphore, #tpu.memory_space<semaphore_mem>>)
    %dma_wait3A = arith.constant 0 : i32
    %dma_wait3A_12 = tpu.memref_slice %arg2[%mul3A_2, %dma_wait3A] : memref<4096x200xi32, #tpu.memory_space<hbm>> -> memref<128x200xi32, #tpu.memory_space<hbm>>
    %dma_wait3A_13 = arith.constant 0 : i32
    %dma_wait3A_14 = tpu.memref_slice %arg2[%mul3A_2, %dma_wait3A_13] : memref<4096x200xi32, #tpu.memory_space<hbm>> -> memref<128x200xi32, #tpu.memory_space<hbm>>
    tpu.wait_dma2 semaphore(%arg21 : memref<!tpu.dma_semaphore, #tpu.memory_space<semaphore_mem>>) src(%dma_wait3A_14 : memref<128x200xi32, #tpu.memory_space<hbm>>) dst(%arg8 : memref<128x200xi32, #tpu.memory_space<vmem>>)
    %dma_wait3A_15 = arith.constant 0 : i32
    %dma_wait3A_16 = tpu.memref_slice %arg4[%mul3A_7, %dma_wait3A_15] : memref<20480x64xf32, #tpu.memory_space<hbm>> -> memref<640x64xf32, #tpu.memory_space<hbm>>
    %dma_wait3A_17 = arith.constant 0 : i32
    %dma_wait3A_18 = tpu.memref_slice %arg4[%mul3A_7, %dma_wait3A_17] : memref<20480x64xf32, #tpu.memory_space<hbm>> -> memref<640x64xf32, #tpu.memory_space<hbm>>
    tpu.wait_dma2 semaphore(%arg21 : memref<!tpu.dma_semaphore, #tpu.memory_space<semaphore_mem>>) src(%dma_wait3A_18 : memref<640x64xf32, #tpu.memory_space<hbm>>) dst(%arg9 : memref<640x64xf32, #tpu.memory_space<vmem>>)
    tpu.wait_dma2 semaphore(%arg21 : memref<!tpu.dma_semaphore, #tpu.memory_space<semaphore_mem>>) src(%arg5 : memref<5x64xf32, #tpu.memory_space<hbm>>) dst(%arg10 : memref<5x64xf32, #tpu.memory_space<vmem>>)
    tpu.wait_dma2 semaphore(%arg21 : memref<!tpu.dma_semaphore, #tpu.memory_space<semaphore_mem>>) src(%arg6 : memref<5x64xf32, #tpu.memory_space<hbm>>) dst(%arg11 : memref<5x64xf32, #tpu.memory_space<vmem>>)
    %dma_start3A_19 = arith.constant 0 : i32
    %dma_start3A_20 = arith.constant 0 : i32
    %dma_start3A_21 = arith.constant 0 : i32
    %dma_start3A_22 = arith.constant 0 : i32
    %dma_start3A_23 = tpu.memref_slice %arg12[%dma_start3A_20, %dma_start3A_21, %dma_start3A_22] : memref<4x200x64xf32, #tpu.memory_space<vmem>> -> memref<1x128x64xf32, #tpu.memory_space<vmem>>
    %dma_start3A_24 = tpu.memref_squeeze %dma_start3A_23 : memref<1x128x64xf32, #tpu.memory_space<vmem>> -> memref<128x64xf32, #tpu.memory_space<vmem>>
    %dma_start3A_25 = arith.constant 0 : i32
    %dma_start3A_26 = tpu.memref_slice %arg8[%dma_start3A_19, %dma_start3A_25] : memref<128x200xi32, #tpu.memory_space<vmem>> -> memref<1x128xi32, #tpu.memory_space<vmem>>
    %dma_start3A_27 = tpu.memref_squeeze %dma_start3A_26 : memref<1x128xi32, #tpu.memory_space<vmem>> -> memref<128xi32, #tpu.memory_space<vmem>>
    %dma_start3A_28 = arith.constant 0 : i32
    %dma_start3A_29 = arith.constant 0 : i32
    %dma_start3A_30 = tpu.memref_slice %arg3[%dma_start3A_28, %dma_start3A_29] : memref<100000x64xf32, #tpu.memory_space<hbm>> -> memref<100000x64xf32, #tpu.memory_space<hbm>>
    tpu.enqueue_indirect_dma source(%dma_start3A_30 : memref<100000x64xf32, #tpu.memory_space<hbm>>) target(%dma_start3A_24 : memref<128x64xf32, #tpu.memory_space<vmem>>) offsets(%dma_start3A_27 : memref<128xi32, #tpu.memory_space<vmem>>) semaphore(%arg13 : memref<!tpu.dma_semaphore, #tpu.memory_space<semaphore_mem>>)
    %dma_start3A_31 = arith.constant 0 : i32
    %dma_start3A_32 = arith.constant 0 : i32
    %dma_start3A_33 = arith.constant 128 : i32
    %dma_start3A_34 = arith.constant 0 : i32
    %dma_start3A_35 = tpu.memref_slice %arg12[%dma_start3A_32, %dma_start3A_33, %dma_start3A_34] : memref<4x200x64xf32, #tpu.memory_space<vmem>> -> memref<1x72x64xf32, #tpu.memory_space<vmem>>
    %dma_start3A_36 = tpu.memref_squeeze %dma_start3A_35 : memref<1x72x64xf32, #tpu.memory_space<vmem>> -> memref<72x64xf32, #tpu.memory_space<vmem>>
    %dma_start3A_37 = arith.constant 128 : i32
    %dma_start3A_38 = tpu.memref_slice %arg8[%dma_start3A_31, %dma_start3A_37] : memref<128x200xi32, #tpu.memory_space<vmem>> -> memref<1x72xi32, #tpu.memory_space<vmem>>
    %dma_start3A_39 = tpu.memref_squeeze %dma_start3A_38 : memref<1x72xi32, #tpu.memory_space<vmem>> -> memref<72xi32, #tpu.memory_space<vmem>>
    %dma_start3A_40 = arith.constant 0 : i32
    %dma_start3A_41 = arith.constant 0 : i32
    %dma_start3A_42 = tpu.memref_slice %arg3[%dma_start3A_40, %dma_start3A_41] : memref<100000x64xf32, #tpu.memory_space<hbm>> -> memref<100000x64xf32, #tpu.memory_space<hbm>>
    tpu.enqueue_indirect_dma source(%dma_start3A_42 : memref<100000x64xf32, #tpu.memory_space<hbm>>) target(%dma_start3A_36 : memref<72x64xf32, #tpu.memory_space<vmem>>) offsets(%dma_start3A_39 : memref<72xi32, #tpu.memory_space<vmem>>) semaphore(%arg13 : memref<!tpu.dma_semaphore, #tpu.memory_space<semaphore_mem>>)
    %dma_start3A_43 = arith.constant 1 : i32
    %dma_start3A_44 = arith.constant 1 : i32
    %dma_start3A_45 = arith.constant 0 : i32
    %dma_start3A_46 = arith.constant 0 : i32
    %dma_start3A_47 = tpu.memref_slice %arg12[%dma_start3A_44, %dma_start3A_45, %dma_start3A_46] : memref<4x200x64xf32, #tpu.memory_space<vmem>> -> memref<1x128x64xf32, #tpu.memory_space<vmem>>
    %dma_start3A_48 = tpu.memref_squeeze %dma_start3A_47 : memref<1x128x64xf32, #tpu.memory_space<vmem>> -> memref<128x64xf32, #tpu.memory_space<vmem>>
    %dma_start3A_49 = arith.constant 0 : i32
    %dma_start3A_50 = tpu.memref_slice %arg8[%dma_start3A_43, %dma_start3A_49] : memref<128x200xi32, #tpu.memory_space<vmem>> -> memref<1x128xi32, #tpu.memory_space<vmem>>
    %dma_start3A_51 = tpu.memref_squeeze %dma_start3A_50 : memref<1x128xi32, #tpu.memory_space<vmem>> -> memref<128xi32, #tpu.memory_space<vmem>>
    %dma_start3A_52 = arith.constant 0 : i32
    %dma_start3A_53 = arith.constant 0 : i32
    %dma_start3A_54 = tpu.memref_slice %arg3[%dma_start3A_52, %dma_start3A_53] : memref<100000x64xf32, #tpu.memory_space<hbm>> -> memref<100000x64xf32, #tpu.memory_space<hbm>>
    tpu.enqueue_indirect_dma source(%dma_start3A_54 : memref<100000x64xf32, #tpu.memory_space<hbm>>) target(%dma_start3A_48 : memref<128x64xf32, #tpu.memory_space<vmem>>) offsets(%dma_start3A_51 : memref<128xi32, #tpu.memory_space<vmem>>) semaphore(%arg14 : memref<!tpu.dma_semaphore, #tpu.memory_space<semaphore_mem>>)
    %dma_start3A_55 = arith.constant 1 : i32
    %dma_start3A_56 = arith.constant 1 : i32
    %dma_start3A_57 = arith.constant 128 : i32
    %dma_start3A_58 = arith.constant 0 : i32
    %dma_start3A_59 = tpu.memref_slice %arg12[%dma_start3A_56, %dma_start3A_57, %dma_start3A_58] : memref<4x200x64xf32, #tpu.memory_space<vmem>> -> memref<1x72x64xf32, #tpu.memory_space<vmem>>
    %dma_start3A_60 = tpu.memref_squeeze %dma_start3A_59 : memref<1x72x64xf32, #tpu.memory_space<vmem>> -> memref<72x64xf32, #tpu.memory_space<vmem>>
    %dma_start3A_61 = arith.constant 128 : i32
    %dma_start3A_62 = tpu.memref_slice %arg8[%dma_start3A_55, %dma_start3A_61] : memref<128x200xi32, #tpu.memory_space<vmem>> -> memref<1x72xi32, #tpu.memory_space<vmem>>
    %dma_start3A_63 = tpu.memref_squeeze %dma_start3A_62 : memref<1x72xi32, #tpu.memory_space<vmem>> -> memref<72xi32, #tpu.memory_space<vmem>>
    %dma_start3A_64 = arith.constant 0 : i32
    %dma_start3A_65 = arith.constant 0 : i32
    %dma_start3A_66 = tpu.memref_slice %arg3[%dma_start3A_64, %dma_start3A_65] : memref<100000x64xf32, #tpu.memory_space<hbm>> -> memref<100000x64xf32, #tpu.memory_space<hbm>>
    tpu.enqueue_indirect_dma source(%dma_start3A_66 : memref<100000x64xf32, #tpu.memory_space<hbm>>) target(%dma_start3A_60 : memref<72x64xf32, #tpu.memory_space<vmem>>) offsets(%dma_start3A_63 : memref<72xi32, #tpu.memory_space<vmem>>) semaphore(%arg14 : memref<!tpu.dma_semaphore, #tpu.memory_space<semaphore_mem>>)
    %dma_start3A_67 = arith.constant 2 : i32
    %dma_start3A_68 = arith.constant 2 : i32
    %dma_start3A_69 = arith.constant 0 : i32
    %dma_start3A_70 = arith.constant 0 : i32
    %dma_start3A_71 = tpu.memref_slice %arg12[%dma_start3A_68, %dma_start3A_69, %dma_start3A_70] : memref<4x200x64xf32, #tpu.memory_space<vmem>> -> memref<1x128x64xf32, #tpu.memory_space<vmem>>
    %dma_start3A_72 = tpu.memref_squeeze %dma_start3A_71 : memref<1x128x64xf32, #tpu.memory_space<vmem>> -> memref<128x64xf32, #tpu.memory_space<vmem>>
    %dma_start3A_73 = arith.constant 0 : i32
    %dma_start3A_74 = tpu.memref_slice %arg8[%dma_start3A_67, %dma_start3A_73] : memref<128x200xi32, #tpu.memory_space<vmem>> -> memref<1x128xi32, #tpu.memory_space<vmem>>
    %dma_start3A_75 = tpu.memref_squeeze %dma_start3A_74 : memref<1x128xi32, #tpu.memory_space<vmem>> -> memref<128xi32, #tpu.memory_space<vmem>>
    %dma_start3A_76 = arith.constant 0 : i32
    %dma_start3A_77 = arith.constant 0 : i32
    %dma_start3A_78 = tpu.memref_slice %arg3[%dma_start3A_76, %dma_start3A_77] : memref<100000x64xf32, #tpu.memory_space<hbm>> -> memref<100000x64xf32, #tpu.memory_space<hbm>>
    tpu.enqueue_indirect_dma source(%dma_start3A_78 : memref<100000x64xf32, #tpu.memory_space<hbm>>) target(%dma_start3A_72 : memref<128x64xf32, #tpu.memory_space<vmem>>) offsets(%dma_start3A_75 : memref<128xi32, #tpu.memory_space<vmem>>) semaphore(%arg15 : memref<!tpu.dma_semaphore, #tpu.memory_space<semaphore_mem>>)
    %dma_start3A_79 = arith.constant 2 : i32
    %dma_start3A_80 = arith.constant 2 : i32
    %dma_start3A_81 = arith.constant 128 : i32
    %dma_start3A_82 = arith.constant 0 : i32
    %dma_start3A_83 = tpu.memref_slice %arg12[%dma_start3A_80, %dma_start3A_81, %dma_start3A_82] : memref<4x200x64xf32, #tpu.memory_space<vmem>> -> memref<1x72x64xf32, #tpu.memory_space<vmem>>
    %dma_start3A_84 = tpu.memref_squeeze %dma_start3A_83 : memref<1x72x64xf32, #tpu.memory_space<vmem>> -> memref<72x64xf32, #tpu.memory_space<vmem>>
    %dma_start3A_85 = arith.constant 128 : i32
    %dma_start3A_86 = tpu.memref_slice %arg8[%dma_start3A_79, %dma_start3A_85] : memref<128x200xi32, #tpu.memory_space<vmem>> -> memref<1x72xi32, #tpu.memory_space<vmem>>
    %dma_start3A_87 = tpu.memref_squeeze %dma_start3A_86 : memref<1x72xi32, #tpu.memory_space<vmem>> -> memref<72xi32, #tpu.memory_space<vmem>>
    %dma_start3A_88 = arith.constant 0 : i32
    %dma_start3A_89 = arith.constant 0 : i32
    %dma_start3A_90 = tpu.memref_slice %arg3[%dma_start3A_88, %dma_start3A_89] : memref<100000x64xf32, #tpu.memory_space<hbm>> -> memref<100000x64xf32, #tpu.memory_space<hbm>>
    tpu.enqueue_indirect_dma source(%dma_start3A_90 : memref<100000x64xf32, #tpu.memory_space<hbm>>) target(%dma_start3A_84 : memref<72x64xf32, #tpu.memory_space<vmem>>) offsets(%dma_start3A_87 : memref<72xi32, #tpu.memory_space<vmem>>) semaphore(%arg15 : memref<!tpu.dma_semaphore, #tpu.memory_space<semaphore_mem>>)
    %scan3A = arith.constant 0 : i32
    %scan3A_91 = arith.constant 0 : i32
    %scan3A_92 = arith.constant 32 : i32
    %scan3A_93 = arith.addi %scan3A_91, %scan3A_92 : i32
    %scan3A_94 = arith.constant 1 : i32
    scf.for %scan3A_111 = %scan3A_91 to %scan3A_93 step %scan3A_94  : i32 {
      %mul3A_112 = arith.constant 4 : i32
      %mul3A_113 = arith.muli %scan3A_111, %mul3A_112 : i32
      %add3A_114 = arith.constant 0 : i32
      %add3A_115 = arith.addi %mul3A_113, %add3A_114 : i32
      %ge3A = arith.constant 1 : i32
      %ge3A_116 = arith.cmpi sge, %scan3A_111, %ge3A : i32
      %convert_element_type3A = arith.extui %ge3A_116 : i1 to i32
      %cond3A = arith.constant 0 : i32
      %cond3A_117 = arith.cmpi ne, %convert_element_type3A, %cond3A : i32
      scf.if %cond3A_117 {
        %dma_wait3A_2588 = arith.constant 3 : i32
        %dma_wait3A_2589 = arith.constant 0 : i32
        %dma_wait3A_2590 = arith.constant 0 : i32
        %dma_wait3A_2591 = tpu.memref_slice %arg12[%dma_wait3A_2588, %dma_wait3A_2589, %dma_wait3A_2590] : memref<4x200x64xf32, #tpu.memory_space<vmem>> -> memref<1x200x64xf32, #tpu.memory_space<vmem>>
        %dma_wait3A_2592 = tpu.memref_squeeze %dma_wait3A_2591 : memref<1x200x64xf32, #tpu.memory_space<vmem>> -> memref<200x64xf32, #tpu.memory_space<vmem>>
        %dma_wait3A_2593 = arith.constant 0 : i32
        %dma_wait3A_2594 = arith.constant 0 : i32
        %dma_wait3A_2595 = tpu.memref_slice %arg7[%dma_wait3A_2593, %dma_wait3A_2594] : memref<819200x64xf32, #tpu.memory_space<hbm>> -> memref<200x64xf32, #tpu.memory_space<hbm>>
        %dma_wait3A_2596 = arith.constant 0 : i32
        %dma_wait3A_2597 = arith.constant 0 : i32
        %dma_wait3A_2598 = tpu.memref_slice %arg7[%dma_wait3A_2596, %dma_wait3A_2597] : memref<819200x64xf32, #tpu.memory_space<hbm>> -> memref<200x64xf32, #tpu.memory_space<hbm>>
        %dma_wait3A_2599 = arith.constant 0 : i32
        %dma_wait3A_2600 = arith.constant 0 : i32
        %dma_wait3A_2601 = tpu.memref_slice %arg12[%dma_wait3A_2588, %dma_wait3A_2599, %dma_wait3A_2600] : memref<4x200x64xf32, #tpu.memory_space<vmem>> -> memref<1x200x64xf32, #tpu.memory_space<vmem>>
        %dma_wait3A_2602 = tpu.memref_squeeze %dma_wait3A_2601 : memref<1x200x64xf32, #tpu.memory_space<vmem>> -> memref<200x64xf32, #tpu.memory_space<vmem>>
        tpu.wait_dma2 semaphore(%arg20 : memref<!tpu.dma_semaphore, #tpu.memory_space<semaphore_mem>>) src(%dma_wait3A_2602 : memref<200x64xf32, #tpu.memory_space<vmem>>) dst(%dma_wait3A_2598 : memref<200x64xf32, #tpu.memory_space<hbm>>)
      } else {
      }
      %add3A_118 = arith.constant 4 : i32
      %add3A_119 = arith.addi %add3A_115, %add3A_118 : i32
      %sub3A = arith.constant 1 : i32
      %sub3A_120 = arith.subi %add3A_119, %sub3A : i32
      %dma_start3A_121 = arith.constant 3 : i32
      %dma_start3A_122 = arith.constant 0 : i32
      %dma_start3A_123 = arith.constant 0 : i32
      %dma_start3A_124 = tpu.memref_slice %arg12[%dma_start3A_121, %dma_start3A_122, %dma_start3A_123] : memref<4x200x64xf32, #tpu.memory_space<vmem>> -> memref<1x128x64xf32, #tpu.memory_space<vmem>>
      %dma_start3A_125 = tpu.memref_squeeze %dma_start3A_124 : memref<1x128x64xf32, #tpu.memory_space<vmem>> -> memref<128x64xf32, #tpu.memory_space<vmem>>
      %dma_start3A_126 = arith.constant 0 : i32
      %dma_start3A_127 = tpu.memref_slice %arg8[%sub3A_120, %dma_start3A_126] : memref<128x200xi32, #tpu.memory_space<vmem>> -> memref<1x128xi32, #tpu.memory_space<vmem>>
      %dma_start3A_128 = tpu.memref_squeeze %dma_start3A_127 : memref<1x128xi32, #tpu.memory_space<vmem>> -> memref<128xi32, #tpu.memory_space<vmem>>
      %dma_start3A_129 = arith.constant 0 : i32
      %dma_start3A_130 = arith.constant 0 : i32
      %dma_start3A_131 = tpu.memref_slice %arg3[%dma_start3A_129, %dma_start3A_130] : memref<100000x64xf32, #tpu.memory_space<hbm>> -> memref<100000x64xf32, #tpu.memory_space<hbm>>
      tpu.enqueue_indirect_dma source(%dma_start3A_131 : memref<100000x64xf32, #tpu.memory_space<hbm>>) target(%dma_start3A_125 : memref<128x64xf32, #tpu.memory_space<vmem>>) offsets(%dma_start3A_128 : memref<128xi32, #tpu.memory_space<vmem>>) semaphore(%arg16 : memref<!tpu.dma_semaphore, #tpu.memory_space<semaphore_mem>>)
      %dma_start3A_132 = arith.constant 3 : i32
      %dma_start3A_133 = arith.constant 128 : i32
      %dma_start3A_134 = arith.constant 0 : i32
      %dma_start3A_135 = tpu.memref_slice %arg12[%dma_start3A_132, %dma_start3A_133, %dma_start3A_134] : memref<4x200x64xf32, #tpu.memory_space<vmem>> -> memref<1x72x64xf32, #tpu.memory_space<vmem>>
      %dma_start3A_136 = tpu.memref_squeeze %dma_start3A_135 : memref<1x72x64xf32, #tpu.memory_space<vmem>> -> memref<72x64xf32, #tpu.memory_space<vmem>>
      %dma_start3A_137 = arith.constant 128 : i32
      %dma_start3A_138 = tpu.memref_slice %arg8[%sub3A_120, %dma_start3A_137] : memref<128x200xi32, #tpu.memory_space<vmem>> -> memref<1x72xi32, #tpu.memory_space<vmem>>
      %dma_start3A_139 = tpu.memref_squeeze %dma_start3A_138 : memref<1x72xi32, #tpu.memory_space<vmem>> -> memref<72xi32, #tpu.memory_space<vmem>>
      %dma_start3A_140 = arith.constant 0 : i32
      %dma_start3A_141 = arith.constant 0 : i32
      %dma_start3A_142 = tpu.memref_slice %arg3[%dma_start3A_140, %dma_start3A_141] : memref<100000x64xf32, #tpu.memory_space<hbm>> -> memref<100000x64xf32, #tpu.memory_space<hbm>>
      tpu.enqueue_indirect_dma source(%dma_start3A_142 : memref<100000x64xf32, #tpu.memory_space<hbm>>) target(%dma_start3A_136 : memref<72x64xf32, #tpu.memory_space<vmem>>) offsets(%dma_start3A_139 : memref<72xi32, #tpu.memory_space<vmem>>) semaphore(%arg16 : memref<!tpu.dma_semaphore, #tpu.memory_space<semaphore_mem>>)
      %dma_wait3A_143 = arith.constant 0 : i32
      %dma_wait3A_144 = arith.constant 0 : i32
      %dma_wait3A_145 = arith.constant 0 : i32
      %dma_wait3A_146 = tpu.memref_slice %arg12[%dma_wait3A_143, %dma_wait3A_144, %dma_wait3A_145] : memref<4x200x64xf32, #tpu.memory_space<vmem>> -> memref<1x200x64xf32, #tpu.memory_space<vmem>>
      %dma_wait3A_147 = tpu.memref_squeeze %dma_wait3A_146 : memref<1x200x64xf32, #tpu.memory_space<vmem>> -> memref<200x64xf32, #tpu.memory_space<vmem>>
      %dma_wait3A_148 = arith.constant 0 : i32
      %dma_wait3A_149 = arith.constant 0 : i32
      %dma_wait3A_150 = tpu.memref_slice %arg3[%dma_wait3A_148, %dma_wait3A_149] : memref<100000x64xf32, #tpu.memory_space<hbm>> -> memref<200x64xf32, #tpu.memory_space<hbm>>
      %dma_wait3A_151 = arith.constant 0 : i32
      %dma_wait3A_152 = arith.constant 0 : i32
      %dma_wait3A_153 = tpu.memref_slice %arg12[%dma_wait3A_143, %dma_wait3A_151, %dma_wait3A_152] : memref<4x200x64xf32, #tpu.memory_space<vmem>> -> memref<1x200x64xf32, #tpu.memory_space<vmem>>
      %dma_wait3A_154 = tpu.memref_squeeze %dma_wait3A_153 : memref<1x200x64xf32, #tpu.memory_space<vmem>> -> memref<200x64xf32, #tpu.memory_space<vmem>>
      %dma_wait3A_155 = arith.constant 0 : i32
      %dma_wait3A_156 = arith.constant 0 : i32
      %dma_wait3A_157 = tpu.memref_slice %arg3[%dma_wait3A_155, %dma_wait3A_156] : memref<100000x64xf32, #tpu.memory_space<hbm>> -> memref<200x64xf32, #tpu.memory_space<hbm>>
      tpu.wait_dma2 semaphore(%arg13 : memref<!tpu.dma_semaphore, #tpu.memory_space<semaphore_mem>>) src(%dma_wait3A_157 : memref<200x64xf32, #tpu.memory_space<hbm>>) dst(%dma_wait3A_154 : memref<200x64xf32, #tpu.memory_space<vmem>>)
      %mul3A_158 = arith.constant 5 : i32
      %mul3A_159 = arith.muli %add3A_115, %mul3A_158 : i32
      %add3A_160 = arith.constant 0 : i32
      %add3A_161 = arith.addi %mul3A_159, %add3A_160 : i32
      %get3A = arith.index_cast %add3A_161 : i32 to index
      %get3A_162 = arith.constant 0 : index
      %get3A_163 = tpu.vector_load %arg9[%get3A, %get3A_162] {strides = array<i32>} : memref<640x64xf32, #tpu.memory_space<vmem>>, vector<1x16xf32>,
      %get3A_164 = vector.shape_cast %get3A_163 : vector<1x16xf32> to vector<16xf32>
      %get3A_165 = arith.constant 0 : i32
      %get3A_166 = arith.index_cast %get3A_165 : i32 to index
      %get3A_167 = arith.constant 0 : index
      %get3A_168 = tpu.vector_load %arg10[%get3A_166, %get3A_167] {strides = array<i32>} : memref<5x64xf32, #tpu.memory_space<vmem>>, vector<1x16xf32>,
      %get3A_169 = vector.shape_cast %get3A_168 : vector<1x16xf32> to vector<16xf32>
      %mul3A_170 = arith.mulf %get3A_164, %get3A_169 : vector<16xf32>
      %get3A_171 = arith.constant 0 : i32
      %get3A_172 = arith.index_cast %get3A_171 : i32 to index
      %get3A_173 = arith.constant 0 : index
      %get3A_174 = tpu.vector_load %arg11[%get3A_172, %get3A_173] {strides = array<i32>} : memref<5x64xf32, #tpu.memory_space<vmem>>, vector<1x16xf32>,
      %get3A_175 = vector.shape_cast %get3A_174 : vector<1x16xf32> to vector<16xf32>
      %add3A_176 = arith.addf %mul3A_170, %get3A_175 : vector<16xf32>
      %swap3A = arith.constant 0 : i32
      %swap3A_177 = arith.constant 0 : i32
      %swap3A_178 = arith.index_cast %swap3A : i32 to index
      %swap3A_179 = arith.index_cast %swap3A_177 : i32 to index
      %swap3A_180 = arith.constant 0 : index
      %swap3A_181 = tpu.vector_load %arg12[%swap3A_178, %swap3A_179, %swap3A_180] {strides = array<i32>} : memref<4x200x64xf32, #tpu.memory_space<vmem>>, vector<1x1x16xf32>,
      %swap3A_182 = vector.shape_cast %swap3A_181 : vector<1x1x16xf32> to vector<16xf32>
      %swap3A_183 = vector.shape_cast %add3A_176 : vector<16xf32> to vector<1x1x16xf32>
      tpu.vector_store %arg12[%swap3A_178, %swap3A_179, %swap3A_180], %swap3A_183 {strides = array<i32>} : memref<4x200x64xf32, #tpu.memory_space<vmem>>, vector<1x1x16xf32>,
      %mul3A_184 = arith.constant 5 : i32
      %mul3A_185 = arith.muli %add3A_115, %mul3A_184 : i32
      %add3A_186 = arith.constant 0 : i32
      %add3A_187 = arith.addi %mul3A_185, %add3A_186 : i32
      %get3A_188 = arith.index_cast %add3A_187 : i32 to index
      %get3A_189 = arith.constant 16 : index
      %get3A_190 = tpu.vector_load %arg9[%get3A_188, %get3A_189] {strides = array<i32>} : memref<640x64xf32, #tpu.memory_space<vmem>>, vector<1x16xf32>,
      %get3A_191 = vector.shape_cast %get3A_190 : vector<1x16xf32> to vector<16xf32>
      %get3A_192 = arith.constant 0 : i32
      %get3A_193 = arith.index_cast %get3A_192 : i32 to index
      %get3A_194 = arith.constant 16 : index
      %get3A_195 = tpu.vector_load %arg10[%get3A_193, %get3A_194] {strides = array<i32>} : memref<5x64xf32, #tpu.memory_space<vmem>>, vector<1x16xf32>,
      %get3A_196 = vector.shape_cast %get3A_195 : vector<1x16xf32> to vector<16xf32>
      %mul3A_197 = arith.mulf %get3A_191, %get3A_196 : vector<16xf32>
      %get3A_198 = arith.constant 0 : i32
      %get3A_199 = arith.index_cast %get3A_198 : i32 to index
      %get3A_200 = arith.constant 16 : index
      %get3A_201 = tpu.vector_load %arg11[%get3A_199, %get3A_200] {strides = array<i32>} : memref<5x64xf32, #tpu.memory_space<vmem>>, vector<1x16xf32>,
      %get3A_202 = vector.shape_cast %get3A_201 : vector<1x16xf32> to vector<16xf32>
      %add3A_203 = arith.addf %mul3A_197, %get3A_202 : vector<16xf32>
      %swap3A_204 = arith.constant 0 : i32
      %swap3A_205 = arith.constant 0 : i32
      %swap3A_206 = arith.index_cast %swap3A_204 : i32 to index
      %swap3A_207 = arith.index_cast %swap3A_205 : i32 to index
      %swap3A_208 = arith.constant 16 : index
      %swap3A_209 = tpu.vector_load %arg12[%swap3A_206, %swap3A_207, %swap3A_208] {strides = array<i32>} : memref<4x200x64xf32, #tpu.memory_space<vmem>>, vector<1x1x16xf32>,
      %swap3A_210 = vector.shape_cast %swap3A_209 : vector<1x1x16xf32> to vector<16xf32>
      %swap3A_211 = vector.shape_cast %add3A_203 : vector<16xf32> to vector<1x1x16xf32>
      tpu.vector_store %arg12[%swap3A_206, %swap3A_207, %swap3A_208], %swap3A_211 {strides = array<i32>} : memref<4x200x64xf32, #tpu.memory_space<vmem>>, vector<1x1x16xf32>,
      %mul3A_212 = arith.constant 5 : i32
      %mul3A_213 = arith.muli %add3A_115, %mul3A_212 : i32
      %add3A_214 = arith.constant 0 : i32
      %add3A_215 = arith.addi %mul3A_213, %add3A_214 : i32
      %get3A_216 = arith.index_cast %add3A_215 : i32 to index
      %get3A_217 = arith.constant 32 : index
      %get3A_218 = tpu.vector_load %arg9[%get3A_216, %get3A_217] {strides = array<i32>} : memref<640x64xf32, #tpu.memory_space<vmem>>, vector<1x16xf32>,
      %get3A_219 = vector.shape_cast %get3A_218 : vector<1x16xf32> to vector<16xf32>
      %get3A_220 = arith.constant 0 : i32
      %get3A_221 = arith.index_cast %get3A_220 : i32 to index
      %get3A_222 = arith.constant 32 : index
      %get3A_223 = tpu.vector_load %arg10[%get3A_221, %get3A_222] {strides = array<i32>} : memref<5x64xf32, #tpu.memory_space<vmem>>, vector<1x16xf32>,
      %get3A_224 = vector.shape_cast %get3A_223 : vector<1x16xf32> to vector<16xf32>
      %mul3A_225 = arith.mulf %get3A_219, %get3A_224 : vector<16xf32>
      %get3A_226 = arith.constant 0 : i32
      %get3A_227 = arith.index_cast %get3A_226 : i32 to index
      %get3A_228 = arith.constant 32 : index
      %get3A_229 = tpu.vector_load %arg11[%get3A_227, %get3A_228] {strides = array<i32>} : memref<5x64xf32, #tpu.memory_space<vmem>>, vector<1x16xf32>,
      %get3A_230 = vector.shape_cast %get3A_229 : vector<1x16xf32> to vector<16xf32>
      %add3A_231 = arith.addf %mul3A_225, %get3A_230 : vector<16xf32>
      %swap3A_232 = arith.constant 0 : i32
      %swap3A_233 = arith.constant 0 : i32
      %swap3A_234 = arith.index_cast %swap3A_232 : i32 to index
      %swap3A_235 = arith.index_cast %swap3A_233 : i32 to index
      %swap3A_236 = arith.constant 32 : index
      %swap3A_237 = tpu.vector_load %arg12[%swap3A_234, %swap3A_235, %swap3A_236] {strides = array<i32>} : memref<4x200x64xf32, #tpu.memory_space<vmem>>, vector<1x1x16xf32>,
      %swap3A_238 = vector.shape_cast %swap3A_237 : vector<1x1x16xf32> to vector<16xf32>
      %swap3A_239 = vector.shape_cast %add3A_231 : vector<16xf32> to vector<1x1x16xf32>
      tpu.vector_store %arg12[%swap3A_234, %swap3A_235, %swap3A_236], %swap3A_239 {strides = array<i32>} : memref<4x200x64xf32, #tpu.memory_space<vmem>>, vector<1x1x16xf32>,
      %mul3A_240 = arith.constant 5 : i32
      %mul3A_241 = arith.muli %add3A_115, %mul3A_240 : i32
      %add3A_242 = arith.constant 0 : i32
      %add3A_243 = arith.addi %mul3A_241, %add3A_242 : i32
      %get3A_244 = arith.index_cast %add3A_243 : i32 to index
      %get3A_245 = arith.constant 48 : index
      %get3A_246 = tpu.vector_load %arg9[%get3A_244, %get3A_245] {strides = array<i32>} : memref<640x64xf32, #tpu.memory_space<vmem>>, vector<1x16xf32>,
      %get3A_247 = vector.shape_cast %get3A_246 : vector<1x16xf32> to vector<16xf32>
      %get3A_248 = arith.constant 0 : i32
      %get3A_249 = arith.index_cast %get3A_248 : i32 to index
      %get3A_250 = arith.constant 48 : index
      %get3A_251 = tpu.vector_load %arg10[%get3A_249, %get3A_250] {strides = array<i32>} : memref<5x64xf32, #tpu.memory_space<vmem>>, vector<1x16xf32>,
      %get3A_252 = vector.shape_cast %get3A_251 : vector<1x16xf32> to vector<16xf32>
      %mul3A_253 = arith.mulf %get3A_247, %get3A_252 : vector<16xf32>
      %get3A_254 = arith.constant 0 : i32
      %get3A_255 = arith.index_cast %get3A_254 : i32 to index
      %get3A_256 = arith.constant 48 : index
      %get3A_257 = tpu.vector_load %arg11[%get3A_255, %get3A_256] {strides = array<i32>} : memref<5x64xf32, #tpu.memory_space<vmem>>, vector<1x16xf32>,
      %get3A_258 = vector.shape_cast %get3A_257 : vector<1x16xf32> to vector<16xf32>
      %add3A_259 = arith.addf %mul3A_253, %get3A_258 : vector<16xf32>
      %swap3A_260 = arith.constant 0 : i32
      %swap3A_261 = arith.constant 0 : i32
      %swap3A_262 = arith.index_cast %swap3A_260 : i32 to index
      %swap3A_263 = arith.index_cast %swap3A_261 : i32 to index
      %swap3A_264 = arith.constant 48 : index
      %swap3A_265 = tpu.vector_load %arg12[%swap3A_262, %swap3A_263, %swap3A_264] {strides = array<i32>} : memref<4x200x64xf32, #tpu.memory_space<vmem>>, vector<1x1x16xf32>,
      %swap3A_266 = vector.shape_cast %swap3A_265 : vector<1x1x16xf32> to vector<16xf32>
      %swap3A_267 = vector.shape_cast %add3A_259 : vector<16xf32> to vector<1x1x16xf32>
      tpu.vector_store %arg12[%swap3A_262, %swap3A_263, %swap3A_264], %swap3A_267 {strides = array<i32>} : memref<4x200x64xf32, #tpu.memory_space<vmem>>, vector<1x1x16xf32>,
      %mul3A_268 = arith.constant 5 : i32
      %mul3A_269 = arith.muli %add3A_115, %mul3A_268 : i32
      %add3A_270 = arith.constant 1 : i32
      %add3A_271 = arith.addi %mul3A_269, %add3A_270 : i32
      %get3A_272 = arith.index_cast %add3A_271 : i32 to index
      %get3A_273 = arith.constant 0 : index
      %get3A_274 = tpu.vector_load %arg9[%get3A_272, %get3A_273] {strides = array<i32>} : memref<640x64xf32, #tpu.memory_space<vmem>>, vector<1x16xf32>,
      %get3A_275 = vector.shape_cast %get3A_274 : vector<1x16xf32> to vector<16xf32>
      %get3A_276 = arith.constant 1 : i32
      %get3A_277 = arith.index_cast %get3A_276 : i32 to index
      %get3A_278 = arith.constant 0 : index
      %get3A_279 = tpu.vector_load %arg10[%get3A_277, %get3A_278] {strides = array<i32>} : memref<5x64xf32, #tpu.memory_space<vmem>>, vector<1x16xf32>,
      %get3A_280 = vector.shape_cast %get3A_279 : vector<1x16xf32> to vector<16xf32>
      %mul3A_281 = arith.mulf %get3A_275, %get3A_280 : vector<16xf32>
      %get3A_282 = arith.constant 1 : i32
      %get3A_283 = arith.index_cast %get3A_282 : i32 to index
      %get3A_284 = arith.constant 0 : index
      %get3A_285 = tpu.vector_load %arg11[%get3A_283, %get3A_284] {strides = array<i32>} : memref<5x64xf32, #tpu.memory_space<vmem>>, vector<1x16xf32>,
      %get3A_286 = vector.shape_cast %get3A_285 : vector<1x16xf32> to vector<16xf32>
      %add3A_287 = arith.addf %mul3A_281, %get3A_286 : vector<16xf32>
      %swap3A_288 = arith.constant 0 : i32
      %swap3A_289 = arith.constant 1 : i32
      %swap3A_290 = arith.index_cast %swap3A_288 : i32 to index
      %swap3A_291 = arith.index_cast %swap3A_289 : i32 to index
      %swap3A_292 = arith.constant 0 : index
      %swap3A_293 = tpu.vector_load %arg12[%swap3A_290, %swap3A_291, %swap3A_292] {strides = array<i32>} : memref<4x200x64xf32, #tpu.memory_space<vmem>>, vector<1x1x16xf32>,
      %swap3A_294 = vector.shape_cast %swap3A_293 : vector<1x1x16xf32> to vector<16xf32>
      %swap3A_295 = vector.shape_cast %add3A_287 : vector<16xf32> to vector<1x1x16xf32>
      tpu.vector_store %arg12[%swap3A_290, %swap3A_291, %swap3A_292], %swap3A_295 {strides = array<i32>} : memref<4x200x64xf32, #tpu.memory_space<vmem>>, vector<1x1x16xf32>,
      %mul3A_296 = arith.constant 5 : i32
      %mul3A_297 = arith.muli %add3A_115, %mul3A_296 : i32
      %add3A_298 = arith.constant 1 : i32
      %add3A_299 = arith.addi %mul3A_297, %add3A_298 : i32
      %get3A_300 = arith.index_cast %add3A_299 : i32 to index
      %get3A_301 = arith.constant 16 : index
      %get3A_302 = tpu.vector_load %arg9[%get3A_300, %get3A_301] {strides = array<i32>} : memref<640x64xf32, #tpu.memory_space<vmem>>, vector<1x16xf32>,
      %get3A_303 = vector.shape_cast %get3A_302 : vector<1x16xf32> to vector<16xf32>
      %get3A_304 = arith.constant 1 : i32
      %get3A_305 = arith.index_cast %get3A_304 : i32 to index
      %get3A_306 = arith.constant 16 : index
      %get3A_307 = tpu.vector_load %arg10[%get3A_305, %get3A_306] {strides = array<i32>} : memref<5x64xf32, #tpu.memory_space<vmem>>, vector<1x16xf32>,
      %get3A_308 = vector.shape_cast %get3A_307 : vector<1x16xf32> to vector<16xf32>
      %mul3A_309 = arith.mulf %get3A_303, %get3A_308 : vector<16xf32>
      %get3A_310 = arith.constant 1 : i32
      %get3A_311 = arith.index_cast %get3A_310 : i32 to index
      %get3A_312 = arith.constant 16 : index
      %get3A_313 = tpu.vector_load %arg11[%get3A_311, %get3A_312] {strides = array<i32>} : memref<5x64xf32, #tpu.memory_space<vmem>>, vector<1x16xf32>,
      %get3A_314 = vector.shape_cast %get3A_313 : vector<1x16xf32> to vector<16xf32>
      %add3A_315 = arith.addf %mul3A_309, %get3A_314 : vector<16xf32>
      %swap3A_316 = arith.constant 0 : i32
      %swap3A_317 = arith.constant 1 : i32
      %swap3A_318 = arith.index_cast %swap3A_316 : i32 to index
      %swap3A_319 = arith.index_cast %swap3A_317 : i32 to index
      %swap3A_320 = arith.constant 16 : index
      %swap3A_321 = tpu.vector_load %arg12[%swap3A_318, %swap3A_319, %swap3A_320] {strides = array<i32>} : memref<4x200x64xf32, #tpu.memory_space<vmem>>, vector<1x1x16xf32>,
      %swap3A_322 = vector.shape_cast %swap3A_321 : vector<1x1x16xf32> to vector<16xf32>
      %swap3A_323 = vector.shape_cast %add3A_315 : vector<16xf32> to vector<1x1x16xf32>
      tpu.vector_store %arg12[%swap3A_318, %swap3A_319, %swap3A_320], %swap3A_323 {strides = array<i32>} : memref<4x200x64xf32, #tpu.memory_space<vmem>>, vector<1x1x16xf32>,
      %mul3A_324 = arith.constant 5 : i32
      %mul3A_325 = arith.muli %add3A_115, %mul3A_324 : i32
      %add3A_326 = arith.constant 1 : i32
      %add3A_327 = arith.addi %mul3A_325, %add3A_326 : i32
      %get3A_328 = arith.index_cast %add3A_327 : i32 to index
      %get3A_329 = arith.constant 32 : index
      %get3A_330 = tpu.vector_load %arg9[%get3A_328, %get3A_329] {strides = array<i32>} : memref<640x64xf32, #tpu.memory_space<vmem>>, vector<1x16xf32>,
      %get3A_331 = vector.shape_cast %get3A_330 : vector<1x16xf32> to vector<16xf32>
      %get3A_332 = arith.constant 1 : i32
      %get3A_333 = arith.index_cast %get3A_332 : i32 to index
      %get3A_334 = arith.constant 32 : index
      %get3A_335 = tpu.vector_load %arg10[%get3A_333, %get3A_334] {strides = array<i32>} : memref<5x64xf32, #tpu.memory_space<vmem>>, vector<1x16xf32>,
      %get3A_336 = vector.shape_cast %get3A_335 : vector<1x16xf32> to vector<16xf32>
      %mul3A_337 = arith.mulf %get3A_331, %get3A_336 : vector<16xf32>
      %get3A_338 = arith.constant 1 : i32
      %get3A_339 = arith.index_cast %get3A_338 : i32 to index
      %get3A_340 = arith.constant 32 : index
      %get3A_341 = tpu.vector_load %arg11[%get3A_339, %get3A_340] {strides = array<i32>} : memref<5x64xf32, #tpu.memory_space<vmem>>, vector<1x16xf32>,
      %get3A_342 = vector.shape_cast %get3A_341 : vector<1x16xf32> to vector<16xf32>
      %add3A_343 = arith.addf %mul3A_337, %get3A_342 : vector<16xf32>
      %swap3A_344 = arith.constant 0 : i32
      %swap3A_345 = arith.constant 1 : i32
      %swap3A_346 = arith.index_cast %swap3A_344 : i32 to index
      %swap3A_347 = arith.index_cast %swap3A_345 : i32 to index
      %swap3A_348 = arith.constant 32 : index
      %swap3A_349 = tpu.vector_load %arg12[%swap3A_346, %swap3A_347, %swap3A_348] {strides = array<i32>} : memref<4x200x64xf32, #tpu.memory_space<vmem>>, vector<1x1x16xf32>,
      %swap3A_350 = vector.shape_cast %swap3A_349 : vector<1x1x16xf32> to vector<16xf32>
      %swap3A_351 = vector.shape_cast %add3A_343 : vector<16xf32> to vector<1x1x16xf32>
      tpu.vector_store %arg12[%swap3A_346, %swap3A_347, %swap3A_348], %swap3A_351 {strides = array<i32>} : memref<4x200x64xf32, #tpu.memory_space<vmem>>, vector<1x1x16xf32>,
      %mul3A_352 = arith.constant 5 : i32
      %mul3A_353 = arith.muli %add3A_115, %mul3A_352 : i32
      %add3A_354 = arith.constant 1 : i32
      %add3A_355 = arith.addi %mul3A_353, %add3A_354 : i32
      %get3A_356 = arith.index_cast %add3A_355 : i32 to index
      %get3A_357 = arith.constant 48 : index
      %get3A_358 = tpu.vector_load %arg9[%get3A_356, %get3A_357] {strides = array<i32>} : memref<640x64xf32, #tpu.memory_space<vmem>>, vector<1x16xf32>,
      %get3A_359 = vector.shape_cast %get3A_358 : vector<1x16xf32> to vector<16xf32>
      %get3A_360 = arith.constant 1 : i32
      %get3A_361 = arith.index_cast %get3A_360 : i32 to index
      %get3A_362 = arith.constant 48 : index
      %get3A_363 = tpu.vector_load %arg10[%get3A_361, %get3A_362] {strides = array<i32>} : memref<5x64xf32, #tpu.memory_space<vmem>>, vector<1x16xf32>,
      %get3A_364 = vector.shape_cast %get3A_363 : vector<1x16xf32> to vector<16xf32>
      %mul3A_365 = arith.mulf %get3A_359, %get3A_364 : vector<16xf32>
      %get3A_366 = arith.constant 1 : i32
      %get3A_367 = arith.index_cast %get3A_366 : i32 to index
      %get3A_368 = arith.constant 48 : index
      %get3A_369 = tpu.vector_load %arg11[%get3A_367, %get3A_368] {strides = array<i32>} : memref<5x64xf32, #tpu.memory_space<vmem>>, vector<1x16xf32>,
      %get3A_370 = vector.shape_cast %get3A_369 : vector<1x16xf32> to vector<16xf32>
      %add3A_371 = arith.addf %mul3A_365, %get3A_370 : vector<16xf32>
      %swap3A_372 = arith.constant 0 : i32
      %swap3A_373 = arith.constant 1 : i32
      %swap3A_374 = arith.index_cast %swap3A_372 : i32 to index
      %swap3A_375 = arith.index_cast %swap3A_373 : i32 to index
      %swap3A_376 = arith.constant 48 : index
      %swap3A_377 = tpu.vector_load %arg12[%swap3A_374, %swap3A_375, %swap3A_376] {strides = array<i32>} : memref<4x200x64xf32, #tpu.memory_space<vmem>>, vector<1x1x16xf32>,
      %swap3A_378 = vector.shape_cast %swap3A_377 : vector<1x1x16xf32> to vector<16xf32>
      %swap3A_379 = vector.shape_cast %add3A_371 : vector<16xf32> to vector<1x1x16xf32>
      tpu.vector_store %arg12[%swap3A_374, %swap3A_375, %swap3A_376], %swap3A_379 {strides = array<i32>} : memref<4x200x64xf32, #tpu.memory_space<vmem>>, vector<1x1x16xf32>,
      %mul3A_380 = arith.constant 5 : i32
      %mul3A_381 = arith.muli %add3A_115, %mul3A_380 : i32
      %add3A_382 = arith.constant 2 : i32
      %add3A_383 = arith.addi %mul3A_381, %add3A_382 : i32
      %get3A_384 = arith.index_cast %add3A_383 : i32 to index
      %get3A_385 = arith.constant 0 : index
      %get3A_386 = tpu.vector_load %arg9[%get3A_384, %get3A_385] {strides = array<i32>} : memref<640x64xf32, #tpu.memory_space<vmem>>, vector<1x16xf32>,
      %get3A_387 = vector.shape_cast %get3A_386 : vector<1x16xf32> to vector<16xf32>
      %get3A_388 = arith.constant 2 : i32
      %get3A_389 = arith.index_cast %get3A_388 : i32 to index
      %get3A_390 = arith.constant 0 : index
      %get3A_391 = tpu.vector_load %arg10[%get3A_389, %get3A_390] {strides = array<i32>} : memref<5x64xf32, #tpu.memory_space<vmem>>, vector<1x16xf32>,
      %get3A_392 = vector.shape_cast %get3A_391 : vector<1x16xf32> to vector<16xf32>
      %mul3A_393 = arith.mulf %get3A_387, %get3A_392 : vector<16xf32>
      %get3A_394 = arith.constant 2 : i32
      %get3A_395 = arith.index_cast %get3A_394 : i32 to index
      %get3A_396 = arith.constant 0 : index
      %get3A_397 = tpu.vector_load %arg11[%get3A_395, %get3A_396] {strides = array<i32>} : memref<5x64xf32, #tpu.memory_space<vmem>>, vector<1x16xf32>,
      %get3A_398 = vector.shape_cast %get3A_397 : vector<1x16xf32> to vector<16xf32>
      %add3A_399 = arith.addf %mul3A_393, %get3A_398 : vector<16xf32>
      %swap3A_400 = arith.constant 0 : i32
      %swap3A_401 = arith.constant 2 : i32
      %swap3A_402 = arith.index_cast %swap3A_400 : i32 to index
      %swap3A_403 = arith.index_cast %swap3A_401 : i32 to index
      %swap3A_404 = arith.constant 0 : index
      %swap3A_405 = tpu.vector_load %arg12[%swap3A_402, %swap3A_403, %swap3A_404] {strides = array<i32>} : memref<4x200x64xf32, #tpu.memory_space<vmem>>, vector<1x1x16xf32>,
      %swap3A_406 = vector.shape_cast %swap3A_405 : vector<1x1x16xf32> to vector<16xf32>
      %swap3A_407 = vector.shape_cast %add3A_399 : vector<16xf32> to vector<1x1x16xf32>
      tpu.vector_store %arg12[%swap3A_402, %swap3A_403, %swap3A_404], %swap3A_407 {strides = array<i32>} : memref<4x200x64xf32, #tpu.memory_space<vmem>>, vector<1x1x16xf32>,
      %mul3A_408 = arith.constant 5 : i32
      %mul3A_409 = arith.muli %add3A_115, %mul3A_408 : i32
      %add3A_410 = arith.constant 2 : i32
      %add3A_411 = arith.addi %mul3A_409, %add3A_410 : i32
      %get3A_412 = arith.index_cast %add3A_411 : i32 to index
      %get3A_413 = arith.constant 16 : index
      %get3A_414 = tpu.vector_load %arg9[%get3A_412, %get3A_413] {strides = array<i32>} : memref<640x64xf32, #tpu.memory_space<vmem>>, vector<1x16xf32>,
      %get3A_415 = vector.shape_cast %get3A_414 : vector<1x16xf32> to vector<16xf32>
      %get3A_416 = arith.constant 2 : i32
      %get3A_417 = arith.index_cast %get3A_416 : i32 to index
      %get3A_418 = arith.constant 16 : index
      %get3A_419 = tpu.vector_load %arg10[%get3A_417, %get3A_418] {strides = array<i32>} : memref<5x64xf32, #tpu.memory_space<vmem>>, vector<1x16xf32>,
      %get3A_420 = vector.shape_cast %get3A_419 : vector<1x16xf32> to vector<16xf32>
      %mul3A_421 = arith.mulf %get3A_415, %get3A_420 : vector<16xf32>
      %get3A_422 = arith.constant 2 : i32
      %get3A_423 = arith.index_cast %get3A_422 : i32 to index
      %get3A_424 = arith.constant 16 : index
      %get3A_425 = tpu.vector_load %arg11[%get3A_423, %get3A_424] {strides = array<i32>} : memref<5x64xf32, #tpu.memory_space<vmem>>, vector<1x16xf32>,
      %get3A_426 = vector.shape_cast %get3A_425 : vector<1x16xf32> to vector<16xf32>
      %add3A_427 = arith.addf %mul3A_421, %get3A_426 : vector<16xf32>
      %swap3A_428 = arith.constant 0 : i32
      %swap3A_429 = arith.constant 2 : i32
      %swap3A_430 = arith.index_cast %swap3A_428 : i32 to index
      %swap3A_431 = arith.index_cast %swap3A_429 : i32 to index
      %swap3A_432 = arith.constant 16 : index
      %swap3A_433 = tpu.vector_load %arg12[%swap3A_430, %swap3A_431, %swap3A_432] {strides = array<i32>} : memref<4x200x64xf32, #tpu.memory_space<vmem>>, vector<1x1x16xf32>,
      %swap3A_434 = vector.shape_cast %swap3A_433 : vector<1x1x16xf32> to vector<16xf32>
      %swap3A_435 = vector.shape_cast %add3A_427 : vector<16xf32> to vector<1x1x16xf32>
      tpu.vector_store %arg12[%swap3A_430, %swap3A_431, %swap3A_432], %swap3A_435 {strides = array<i32>} : memref<4x200x64xf32, #tpu.memory_space<vmem>>, vector<1x1x16xf32>,
      %mul3A_436 = arith.constant 5 : i32
      %mul3A_437 = arith.muli %add3A_115, %mul3A_436 : i32
      %add3A_438 = arith.constant 2 : i32
      %add3A_439 = arith.addi %mul3A_437, %add3A_438 : i32
      %get3A_440 = arith.index_cast %add3A_439 : i32 to index
      %get3A_441 = arith.constant 32 : index
      %get3A_442 = tpu.vector_load %arg9[%get3A_440, %get3A_441] {strides = array<i32>} : memref<640x64xf32, #tpu.memory_space<vmem>>, vector<1x16xf32>,
      %get3A_443 = vector.shape_cast %get3A_442 : vector<1x16xf32> to vector<16xf32>
      %get3A_444 = arith.constant 2 : i32
      %get3A_445 = arith.index_cast %get3A_444 : i32 to index
      %get3A_446 = arith.constant 32 : index
      %get3A_447 = tpu.vector_load %arg10[%get3A_445, %get3A_446] {strides = array<i32>} : memref<5x64xf32, #tpu.memory_space<vmem>>, vector<1x16xf32>,
      %get3A_448 = vector.shape_cast %get3A_447 : vector<1x16xf32> to vector<16xf32>
      %mul3A_449 = arith.mulf %get3A_443, %get3A_448 : vector<16xf32>
      %get3A_450 = arith.constant 2 : i32
      %get3A_451 = arith.index_cast %get3A_450 : i32 to index
      %get3A_452 = arith.constant 32 : index
      %get3A_453 = tpu.vector_load %arg11[%get3A_451, %get3A_452] {strides = array<i32>} : memref<5x64xf32, #tpu.memory_space<vmem>>, vector<1x16xf32>,
      %get3A_454 = vector.shape_cast %get3A_453 : vector<1x16xf32> to vector<16xf32>
      %add3A_455 = arith.addf %mul3A_449, %get3A_454 : vector<16xf32>
      %swap3A_456 = arith.constant 0 : i32
      %swap3A_457 = arith.constant 2 : i32
      %swap3A_458 = arith.index_cast %swap3A_456 : i32 to index
      %swap3A_459 = arith.index_cast %swap3A_457 : i32 to index
      %swap3A_460 = arith.constant 32 : index
      %swap3A_461 = tpu.vector_load %arg12[%swap3A_458, %swap3A_459, %swap3A_460] {strides = array<i32>} : memref<4x200x64xf32, #tpu.memory_space<vmem>>, vector<1x1x16xf32>,
      %swap3A_462 = vector.shape_cast %swap3A_461 : vector<1x1x16xf32> to vector<16xf32>
      %swap3A_463 = vector.shape_cast %add3A_455 : vector<16xf32> to vector<1x1x16xf32>
      tpu.vector_store %arg12[%swap3A_458, %swap3A_459, %swap3A_460], %swap3A_463 {strides = array<i32>} : memref<4x200x64xf32, #tpu.memory_space<vmem>>, vector<1x1x16xf32>,
      %mul3A_464 = arith.constant 5 : i32
      %mul3A_465 = arith.muli %add3A_115, %mul3A_464 : i32
      %add3A_466 = arith.constant 2 : i32
      %add3A_467 = arith.addi %mul3A_465, %add3A_466 : i32
      %get3A_468 = arith.index_cast %add3A_467 : i32 to index
      %get3A_469 = arith.constant 48 : index
      %get3A_470 = tpu.vector_load %arg9[%get3A_468, %get3A_469] {strides = array<i32>} : memref<640x64xf32, #tpu.memory_space<vmem>>, vector<1x16xf32>,
      %get3A_471 = vector.shape_cast %get3A_470 : vector<1x16xf32> to vector<16xf32>
      %get3A_472 = arith.constant 2 : i32
      %get3A_473 = arith.index_cast %get3A_472 : i32 to index
      %get3A_474 = arith.constant 48 : index
      %get3A_475 = tpu.vector_load %arg10[%get3A_473, %get3A_474] {strides = array<i32>} : memref<5x64xf32, #tpu.memory_space<vmem>>, vector<1x16xf32>,
      %get3A_476 = vector.shape_cast %get3A_475 : vector<1x16xf32> to vector<16xf32>
      %mul3A_477 = arith.mulf %get3A_471, %get3A_476 : vector<16xf32>
      %get3A_478 = arith.constant 2 : i32
      %get3A_479 = arith.index_cast %get3A_478 : i32 to index
      %get3A_480 = arith.constant 48 : index
      %get3A_481 = tpu.vector_load %arg11[%get3A_479, %get3A_480] {strides = array<i32>} : memref<5x64xf32, #tpu.memory_space<vmem>>, vector<1x16xf32>,
      %get3A_482 = vector.shape_cast %get3A_481 : vector<1x16xf32> to vector<16xf32>
      %add3A_483 = arith.addf %mul3A_477, %get3A_482 : vector<16xf32>
      %swap3A_484 = arith.constant 0 : i32
      %swap3A_485 = arith.constant 2 : i32
      %swap3A_486 = arith.index_cast %swap3A_484 : i32 to index
      %swap3A_487 = arith.index_cast %swap3A_485 : i32 to index
      %swap3A_488 = arith.constant 48 : index
      %swap3A_489 = tpu.vector_load %arg12[%swap3A_486, %swap3A_487, %swap3A_488] {strides = array<i32>} : memref<4x200x64xf32, #tpu.memory_space<vmem>>, vector<1x1x16xf32>,
      %swap3A_490 = vector.shape_cast %swap3A_489 : vector<1x1x16xf32> to vector<16xf32>
      %swap3A_491 = vector.shape_cast %add3A_483 : vector<16xf32> to vector<1x1x16xf32>
      tpu.vector_store %arg12[%swap3A_486, %swap3A_487, %swap3A_488], %swap3A_491 {strides = array<i32>} : memref<4x200x64xf32, #tpu.memory_space<vmem>>, vector<1x1x16xf32>,
      %mul3A_492 = arith.constant 5 : i32
      %mul3A_493 = arith.muli %add3A_115, %mul3A_492 : i32
      %add3A_494 = arith.constant 3 : i32
      %add3A_495 = arith.addi %mul3A_493, %add3A_494 : i32
      %get3A_496 = arith.index_cast %add3A_495 : i32 to index
      %get3A_497 = arith.constant 0 : index
      %get3A_498 = tpu.vector_load %arg9[%get3A_496, %get3A_497] {strides = array<i32>} : memref<640x64xf32, #tpu.memory_space<vmem>>, vector<1x16xf32>,
      %get3A_499 = vector.shape_cast %get3A_498 : vector<1x16xf32> to vector<16xf32>
      %get3A_500 = arith.constant 3 : i32
      %get3A_501 = arith.index_cast %get3A_500 : i32 to index
      %get3A_502 = arith.constant 0 : index
      %get3A_503 = tpu.vector_load %arg10[%get3A_501, %get3A_502] {strides = array<i32>} : memref<5x64xf32, #tpu.memory_space<vmem>>, vector<1x16xf32>,
      %get3A_504 = vector.shape_cast %get3A_503 : vector<1x16xf32> to vector<16xf32>
      %mul3A_505 = arith.mulf %get3A_499, %get3A_504 : vector<16xf32>
      %get3A_506 = arith.constant 3 : i32
      %get3A_507 = arith.index_cast %get3A_506 : i32 to index
      %get3A_508 = arith.constant 0 : index
      %get3A_509 = tpu.vector_load %arg11[%get3A_507, %get3A_508] {strides = array<i32>} : memref<5x64xf32, #tpu.memory_space<vmem>>, vector<1x16xf32>,
      %get3A_510 = vector.shape_cast %get3A_509 : vector<1x16xf32> to vector<16xf32>
      %add3A_511 = arith.addf %mul3A_505, %get3A_510 : vector<16xf32>
      %swap3A_512 = arith.constant 0 : i32
      %swap3A_513 = arith.constant 3 : i32
      %swap3A_514 = arith.index_cast %swap3A_512 : i32 to index
      %swap3A_515 = arith.index_cast %swap3A_513 : i32 to index
      %swap3A_516 = arith.constant 0 : index
      %swap3A_517 = tpu.vector_load %arg12[%swap3A_514, %swap3A_515, %swap3A_516] {strides = array<i32>} : memref<4x200x64xf32, #tpu.memory_space<vmem>>, vector<1x1x16xf32>,
      %swap3A_518 = vector.shape_cast %swap3A_517 : vector<1x1x16xf32> to vector<16xf32>
      %swap3A_519 = vector.shape_cast %add3A_511 : vector<16xf32> to vector<1x1x16xf32>
      tpu.vector_store %arg12[%swap3A_514, %swap3A_515, %swap3A_516], %swap3A_519 {strides = array<i32>} : memref<4x200x64xf32, #tpu.memory_space<vmem>>, vector<1x1x16xf32>,
      %mul3A_520 = arith.constant 5 : i32
      %mul3A_521 = arith.muli %add3A_115, %mul3A_520 : i32
      %add3A_522 = arith.constant 3 : i32
      %add3A_523 = arith.addi %mul3A_521, %add3A_522 : i32
      %get3A_524 = arith.index_cast %add3A_523 : i32 to index
      %get3A_525 = arith.constant 16 : index
      %get3A_526 = tpu.vector_load %arg9[%get3A_524, %get3A_525] {strides = array<i32>} : memref<640x64xf32, #tpu.memory_space<vmem>>, vector<1x16xf32>,
      %get3A_527 = vector.shape_cast %get3A_526 : vector<1x16xf32> to vector<16xf32>
      %get3A_528 = arith.constant 3 : i32
      %get3A_529 = arith.index_cast %get3A_528 : i32 to index
      %get3A_530 = arith.constant 16 : index
      %get3A_531 = tpu.vector_load %arg10[%get3A_529, %get3A_530] {strides = array<i32>} : memref<5x64xf32, #tpu.memory_space<vmem>>, vector<1x16xf32>,
      %get3A_532 = vector.shape_cast %get3A_531 : vector<1x16xf32> to vector<16xf32>
      %mul3A_533 = arith.mulf %get3A_527, %get3A_532 : vector<16xf32>
      %get3A_534 = arith.constant 3 : i32
      %get3A_535 = arith.index_cast %get3A_534 : i32 to index
      %get3A_536 = arith.constant 16 : index
      %get3A_537 = tpu.vector_load %arg11[%get3A_535, %get3A_536] {strides = array<i32>} : memref<5x64xf32, #tpu.memory_space<vmem>>, vector<1x16xf32>,
      %get3A_538 = vector.shape_cast %get3A_537 : vector<1x16xf32> to vector<16xf32>
      %add3A_539 = arith.addf %mul3A_533, %get3A_538 : vector<16xf32>
      %swap3A_540 = arith.constant 0 : i32
      %swap3A_541 = arith.constant 3 : i32
      %swap3A_542 = arith.index_cast %swap3A_540 : i32 to index
      %swap3A_543 = arith.index_cast %swap3A_541 : i32 to index
      %swap3A_544 = arith.constant 16 : index
      %swap3A_545 = tpu.vector_load %arg12[%swap3A_542, %swap3A_543, %swap3A_544] {strides = array<i32>} : memref<4x200x64xf32, #tpu.memory_space<vmem>>, vector<1x1x16xf32>,
      %swap3A_546 = vector.shape_cast %swap3A_545 : vector<1x1x16xf32> to vector<16xf32>
      %swap3A_547 = vector.shape_cast %add3A_539 : vector<16xf32> to vector<1x1x16xf32>
      tpu.vector_store %arg12[%swap3A_542, %swap3A_543, %swap3A_544], %swap3A_547 {strides = array<i32>} : memref<4x200x64xf32, #tpu.memory_space<vmem>>, vector<1x1x16xf32>,
      %mul3A_548 = arith.constant 5 : i32
      %mul3A_549 = arith.muli %add3A_115, %mul3A_548 : i32
      %add3A_550 = arith.constant 3 : i32
      %add3A_551 = arith.addi %mul3A_549, %add3A_550 : i32
      %get3A_552 = arith.index_cast %add3A_551 : i32 to index
      %get3A_553 = arith.constant 32 : index
      %get3A_554 = tpu.vector_load %arg9[%get3A_552, %get3A_553] {strides = array<i32>} : memref<640x64xf32, #tpu.memory_space<vmem>>, vector<1x16xf32>,
      %get3A_555 = vector.shape_cast %get3A_554 : vector<1x16xf32> to vector<16xf32>
      %get3A_556 = arith.constant 3 : i32
      %get3A_557 = arith.index_cast %get3A_556 : i32 to index
      %get3A_558 = arith.constant 32 : index
      %get3A_559 = tpu.vector_load %arg10[%get3A_557, %get3A_558] {strides = array<i32>} : memref<5x64xf32, #tpu.memory_space<vmem>>, vector<1x16xf32>,
      %get3A_560 = vector.shape_cast %get3A_559 : vector<1x16xf32> to vector<16xf32>
      %mul3A_561 = arith.mulf %get3A_555, %get3A_560 : vector<16xf32>
      %get3A_562 = arith.constant 3 : i32
      %get3A_563 = arith.index_cast %get3A_562 : i32 to index
      %get3A_564 = arith.constant 32 : index
      %get3A_565 = tpu.vector_load %arg11[%get3A_563, %get3A_564] {strides = array<i32>} : memref<5x64xf32, #tpu.memory_space<vmem>>, vector<1x16xf32>,
      %get3A_566 = vector.shape_cast %get3A_565 : vector<1x16xf32> to vector<16xf32>
      %add3A_567 = arith.addf %mul3A_561, %get3A_566 : vector<16xf32>
      %swap3A_568 = arith.constant 0 : i32
      %swap3A_569 = arith.constant 3 : i32
      %swap3A_570 = arith.index_cast %swap3A_568 : i32 to index
      %swap3A_571 = arith.index_cast %swap3A_569 : i32 to index
      %swap3A_572 = arith.constant 32 : index
      %swap3A_573 = tpu.vector_load %arg12[%swap3A_570, %swap3A_571, %swap3A_572] {strides = array<i32>} : memref<4x200x64xf32, #tpu.memory_space<vmem>>, vector<1x1x16xf32>,
      %swap3A_574 = vector.shape_cast %swap3A_573 : vector<1x1x16xf32> to vector<16xf32>
      %swap3A_575 = vector.shape_cast %add3A_567 : vector<16xf32> to vector<1x1x16xf32>
      tpu.vector_store %arg12[%swap3A_570, %swap3A_571, %swap3A_572], %swap3A_575 {strides = array<i32>} : memref<4x200x64xf32, #tpu.memory_space<vmem>>, vector<1x1x16xf32>,
      %mul3A_576 = arith.constant 5 : i32
      %mul3A_577 = arith.muli %add3A_115, %mul3A_576 : i32
      %add3A_578 = arith.constant 3 : i32
      %add3A_579 = arith.addi %mul3A_577, %add3A_578 : i32
      %get3A_580 = arith.index_cast %add3A_579 : i32 to index
      %get3A_581 = arith.constant 48 : index
      %get3A_582 = tpu.vector_load %arg9[%get3A_580, %get3A_581] {strides = array<i32>} : memref<640x64xf32, #tpu.memory_space<vmem>>, vector<1x16xf32>,
      %get3A_583 = vector.shape_cast %get3A_582 : vector<1x16xf32> to vector<16xf32>
      %get3A_584 = arith.constant 3 : i32
      %get3A_585 = arith.index_cast %get3A_584 : i32 to index
      %get3A_586 = arith.constant 48 : index
      %get3A_587 = tpu.vector_load %arg10[%get3A_585, %get3A_586] {strides = array<i32>} : memref<5x64xf32, #tpu.memory_space<vmem>>, vector<1x16xf32>,
      %get3A_588 = vector.shape_cast %get3A_587 : vector<1x16xf32> to vector<16xf32>
      %mul3A_589 = arith.mulf %get3A_583, %get3A_588 : vector<16xf32>
      %get3A_590 = arith.constant 3 : i32
      %get3A_591 = arith.index_cast %get3A_590 : i32 to index
      %get3A_592 = arith.constant 48 : index
      %get3A_593 = tpu.vector_load %arg11[%get3A_591, %get3A_592] {strides = array<i32>} : memref<5x64xf32, #tpu.memory_space<vmem>>, vector<1x16xf32>,
      %get3A_594 = vector.shape_cast %get3A_593 : vector<1x16xf32> to vector<16xf32>
      %add3A_595 = arith.addf %mul3A_589, %get3A_594 : vector<16xf32>
      %swap3A_596 = arith.constant 0 : i32
      %swap3A_597 = arith.constant 3 : i32
      %swap3A_598 = arith.index_cast %swap3A_596 : i32 to index
      %swap3A_599 = arith.index_cast %swap3A_597 : i32 to index
      %swap3A_600 = arith.constant 48 : index
      %swap3A_601 = tpu.vector_load %arg12[%swap3A_598, %swap3A_599, %swap3A_600] {strides = array<i32>} : memref<4x200x64xf32, #tpu.memory_space<vmem>>, vector<1x1x16xf32>,
      %swap3A_602 = vector.shape_cast %swap3A_601 : vector<1x1x16xf32> to vector<16xf32>
      %swap3A_603 = vector.shape_cast %add3A_595 : vector<16xf32> to vector<1x1x16xf32>
      tpu.vector_store %arg12[%swap3A_598, %swap3A_599, %swap3A_600], %swap3A_603 {strides = array<i32>} : memref<4x200x64xf32, #tpu.memory_space<vmem>>, vector<1x1x16xf32>,
      %mul3A_604 = arith.constant 5 : i32
      %mul3A_605 = arith.muli %add3A_115, %mul3A_604 : i32
      %add3A_606 = arith.constant 4 : i32
      %add3A_607 = arith.addi %mul3A_605, %add3A_606 : i32
      %get3A_608 = arith.index_cast %add3A_607 : i32 to index
      %get3A_609 = arith.constant 0 : index
      %get3A_610 = tpu.vector_load %arg9[%get3A_608, %get3A_609] {strides = array<i32>} : memref<640x64xf32, #tpu.memory_space<vmem>>, vector<1x16xf32>,
      %get3A_611 = vector.shape_cast %get3A_610 : vector<1x16xf32> to vector<16xf32>
      %get3A_612 = arith.constant 4 : i32
      %get3A_613 = arith.index_cast %get3A_612 : i32 to index
      %get3A_614 = arith.constant 0 : index
      %get3A_615 = tpu.vector_load %arg10[%get3A_613, %get3A_614] {strides = array<i32>} : memref<5x64xf32, #tpu.memory_space<vmem>>, vector<1x16xf32>,
      %get3A_616 = vector.shape_cast %get3A_615 : vector<1x16xf32> to vector<16xf32>
      %mul3A_617 = arith.mulf %get3A_611, %get3A_616 : vector<16xf32>
      %get3A_618 = arith.constant 4 : i32
      %get3A_619 = arith.index_cast %get3A_618 : i32 to index
      %get3A_620 = arith.constant 0 : index
      %get3A_621 = tpu.vector_load %arg11[%get3A_619, %get3A_620] {strides = array<i32>} : memref<5x64xf32, #tpu.memory_space<vmem>>, vector<1x16xf32>,
      %get3A_622 = vector.shape_cast %get3A_621 : vector<1x16xf32> to vector<16xf32>
      %add3A_623 = arith.addf %mul3A_617, %get3A_622 : vector<16xf32>
      %swap3A_624 = arith.constant 0 : i32
      %swap3A_625 = arith.constant 4 : i32
      %swap3A_626 = arith.index_cast %swap3A_624 : i32 to index
      %swap3A_627 = arith.index_cast %swap3A_625 : i32 to index
      %swap3A_628 = arith.constant 0 : index
      %swap3A_629 = tpu.vector_load %arg12[%swap3A_626, %swap3A_627, %swap3A_628] {strides = array<i32>} : memref<4x200x64xf32, #tpu.memory_space<vmem>>, vector<1x1x16xf32>,
      %swap3A_630 = vector.shape_cast %swap3A_629 : vector<1x1x16xf32> to vector<16xf32>
      %swap3A_631 = vector.shape_cast %add3A_623 : vector<16xf32> to vector<1x1x16xf32>
      tpu.vector_store %arg12[%swap3A_626, %swap3A_627, %swap3A_628], %swap3A_631 {strides = array<i32>} : memref<4x200x64xf32, #tpu.memory_space<vmem>>, vector<1x1x16xf32>,
      %mul3A_632 = arith.constant 5 : i32
      %mul3A_633 = arith.muli %add3A_115, %mul3A_632 : i32
      %add3A_634 = arith.constant 4 : i32
      %add3A_635 = arith.addi %mul3A_633, %add3A_634 : i32
      %get3A_636 = arith.index_cast %add3A_635 : i32 to index
      %get3A_637 = arith.constant 16 : index
      %get3A_638 = tpu.vector_load %arg9[%get3A_636, %get3A_637] {strides = array<i32>} : memref<640x64xf32, #tpu.memory_space<vmem>>, vector<1x16xf32>,
      %get3A_639 = vector.shape_cast %get3A_638 : vector<1x16xf32> to vector<16xf32>
      %get3A_640 = arith.constant 4 : i32
      %get3A_641 = arith.index_cast %get3A_640 : i32 to index
      %get3A_642 = arith.constant 16 : index
      %get3A_643 = tpu.vector_load %arg10[%get3A_641, %get3A_642] {strides = array<i32>} : memref<5x64xf32, #tpu.memory_space<vmem>>, vector<1x16xf32>,
      %get3A_644 = vector.shape_cast %get3A_643 : vector<1x16xf32> to vector<16xf32>
      %mul3A_645 = arith.mulf %get3A_639, %get3A_644 : vector<16xf32>
      %get3A_646 = arith.constant 4 : i32
      %get3A_647 = arith.index_cast %get3A_646 : i32 to index
      %get3A_648 = arith.constant 16 : index
      %get3A_649 = tpu.vector_load %arg11[%get3A_647, %get3A_648] {strides = array<i32>} : memref<5x64xf32, #tpu.memory_space<vmem>>, vector<1x16xf32>,
      %get3A_650 = vector.shape_cast %get3A_649 : vector<1x16xf32> to vector<16xf32>
      %add3A_651 = arith.addf %mul3A_645, %get3A_650 : vector<16xf32>
      %swap3A_652 = arith.constant 0 : i32
      %swap3A_653 = arith.constant 4 : i32
      %swap3A_654 = arith.index_cast %swap3A_652 : i32 to index
      %swap3A_655 = arith.index_cast %swap3A_653 : i32 to index
      %swap3A_656 = arith.constant 16 : index
      %swap3A_657 = tpu.vector_load %arg12[%swap3A_654, %swap3A_655, %swap3A_656] {strides = array<i32>} : memref<4x200x64xf32, #tpu.memory_space<vmem>>, vector<1x1x16xf32>,
      %swap3A_658 = vector.shape_cast %swap3A_657 : vector<1x1x16xf32> to vector<16xf32>
      %swap3A_659 = vector.shape_cast %add3A_651 : vector<16xf32> to vector<1x1x16xf32>
      tpu.vector_store %arg12[%swap3A_654, %swap3A_655, %swap3A_656], %swap3A_659 {strides = array<i32>} : memref<4x200x64xf32, #tpu.memory_space<vmem>>, vector<1x1x16xf32>,
      %mul3A_660 = arith.constant 5 : i32
      %mul3A_661 = arith.muli %add3A_115, %mul3A_660 : i32
      %add3A_662 = arith.constant 4 : i32
      %add3A_663 = arith.addi %mul3A_661, %add3A_662 : i32
      %get3A_664 = arith.index_cast %add3A_663 : i32 to index
      %get3A_665 = arith.constant 32 : index
      %get3A_666 = tpu.vector_load %arg9[%get3A_664, %get3A_665] {strides = array<i32>} : memref<640x64xf32, #tpu.memory_space<vmem>>, vector<1x16xf32>,
      %get3A_667 = vector.shape_cast %get3A_666 : vector<1x16xf32> to vector<16xf32>
      %get3A_668 = arith.constant 4 : i32
      %get3A_669 = arith.index_cast %get3A_668 : i32 to index
      %get3A_670 = arith.constant 32 : index
      %get3A_671 = tpu.vector_load %arg10[%get3A_669, %get3A_670] {strides = array<i32>} : memref<5x64xf32, #tpu.memory_space<vmem>>, vector<1x16xf32>,
      %get3A_672 = vector.shape_cast %get3A_671 : vector<1x16xf32> to vector<16xf32>
      %mul3A_673 = arith.mulf %get3A_667, %get3A_672 : vector<16xf32>
      %get3A_674 = arith.constant 4 : i32
      %get3A_675 = arith.index_cast %get3A_674 : i32 to index
      %get3A_676 = arith.constant 32 : index
      %get3A_677 = tpu.vector_load %arg11[%get3A_675, %get3A_676] {strides = array<i32>} : memref<5x64xf32, #tpu.memory_space<vmem>>, vector<1x16xf32>,
      %get3A_678 = vector.shape_cast %get3A_677 : vector<1x16xf32> to vector<16xf32>
      %add3A_679 = arith.addf %mul3A_673, %get3A_678 : vector<16xf32>
      %swap3A_680 = arith.constant 0 : i32
      %swap3A_681 = arith.constant 4 : i32
      %swap3A_682 = arith.index_cast %swap3A_680 : i32 to index
      %swap3A_683 = arith.index_cast %swap3A_681 : i32 to index
      %swap3A_684 = arith.constant 32 : index
      %swap3A_685 = tpu.vector_load %arg12[%swap3A_682, %swap3A_683, %swap3A_684] {strides = array<i32>} : memref<4x200x64xf32, #tpu.memory_space<vmem>>, vector<1x1x16xf32>,
      %swap3A_686 = vector.shape_cast %swap3A_685 : vector<1x1x16xf32> to vector<16xf32>
      %swap3A_687 = vector.shape_cast %add3A_679 : vector<16xf32> to vector<1x1x16xf32>
      tpu.vector_store %arg12[%swap3A_682, %swap3A_683, %swap3A_684], %swap3A_687 {strides = array<i32>} : memref<4x200x64xf32, #tpu.memory_space<vmem>>, vector<1x1x16xf32>,
      %mul3A_688 = arith.constant 5 : i32
      %mul3A_689 = arith.muli %add3A_115, %mul3A_688 : i32
      %add3A_690 = arith.constant 4 : i32
      %add3A_691 = arith.addi %mul3A_689, %add3A_690 : i32
      %get3A_692 = arith.index_cast %add3A_691 : i32 to index
      %get3A_693 = arith.constant 48 : index
      %get3A_694 = tpu.vector_load %arg9[%get3A_692, %get3A_693] {strides = array<i32>} : memref<640x64xf32, #tpu.memory_space<vmem>>, vector<1x16xf32>,
      %get3A_695 = vector.shape_cast %get3A_694 : vector<1x16xf32> to vector<16xf32>
      %get3A_696 = arith.constant 4 : i32
      %get3A_697 = arith.index_cast %get3A_696 : i32 to index
      %get3A_698 = arith.constant 48 : index
      %get3A_699 = tpu.vector_load %arg10[%get3A_697, %get3A_698] {strides = array<i32>} : memref<5x64xf32, #tpu.memory_space<vmem>>, vector<1x16xf32>,
      %get3A_700 = vector.shape_cast %get3A_699 : vector<1x16xf32> to vector<16xf32>
      %mul3A_701 = arith.mulf %get3A_695, %get3A_700 : vector<16xf32>
      %get3A_702 = arith.constant 4 : i32
      %get3A_703 = arith.index_cast %get3A_702 : i32 to index
      %get3A_704 = arith.constant 48 : index
      %get3A_705 = tpu.vector_load %arg11[%get3A_703, %get3A_704] {strides = array<i32>} : memref<5x64xf32, #tpu.memory_space<vmem>>, vector<1x16xf32>,
      %get3A_706 = vector.shape_cast %get3A_705 : vector<1x16xf32> to vector<16xf32>
      %add3A_707 = arith.addf %mul3A_701, %get3A_706 : vector<16xf32>
      %swap3A_708 = arith.constant 0 : i32
      %swap3A_709 = arith.constant 4 : i32
      %swap3A_710 = arith.index_cast %swap3A_708 : i32 to index
      %swap3A_711 = arith.index_cast %swap3A_709 : i32 to index
      %swap3A_712 = arith.constant 48 : index
      %swap3A_713 = tpu.vector_load %arg12[%swap3A_710, %swap3A_711, %swap3A_712] {strides = array<i32>} : memref<4x200x64xf32, #tpu.memory_space<vmem>>, vector<1x1x16xf32>,
      %swap3A_714 = vector.shape_cast %swap3A_713 : vector<1x1x16xf32> to vector<16xf32>
      %swap3A_715 = vector.shape_cast %add3A_707 : vector<16xf32> to vector<1x1x16xf32>
      tpu.vector_store %arg12[%swap3A_710, %swap3A_711, %swap3A_712], %swap3A_715 {strides = array<i32>} : memref<4x200x64xf32, #tpu.memory_space<vmem>>, vector<1x1x16xf32>,
      %add3A_716 = arith.addi %mul3A_2, %add3A_115 : i32
      %mul3A_717 = arith.constant 200 : i32
      %mul3A_718 = arith.muli %add3A_716, %mul3A_717 : i32
      %dma_start3A_719 = arith.constant 0 : i32
      %dma_start3A_720 = arith.constant 0 : i32
      %dma_start3A_721 = arith.constant 0 : i32
      %dma_start3A_722 = tpu.memref_slice %arg12[%dma_start3A_719, %dma_start3A_720, %dma_start3A_721] : memref<4x200x64xf32, #tpu.memory_space<vmem>> -> memref<1x200x64xf32, #tpu.memory_space<vmem>>
      %dma_start3A_723 = tpu.memref_squeeze %dma_start3A_722 : memref<1x200x64xf32, #tpu.memory_space<vmem>> -> memref<200x64xf32, #tpu.memory_space<vmem>>
      %dma_start3A_724 = arith.constant 0 : i32
      %dma_start3A_725 = tpu.memref_slice %arg7[%mul3A_718, %dma_start3A_724] : memref<819200x64xf32, #tpu.memory_space<hbm>> -> memref<200x64xf32, #tpu.memory_space<hbm>>
      %dma_start3A_726 = arith.constant 0 : i32
      %dma_start3A_727 = tpu.memref_slice %arg7[%mul3A_718, %dma_start3A_726] : memref<819200x64xf32, #tpu.memory_space<hbm>> -> memref<200x64xf32, #tpu.memory_space<hbm>>
      %dma_start3A_728 = arith.constant 0 : i32
      %dma_start3A_729 = arith.constant 0 : i32
      %dma_start3A_730 = tpu.memref_slice %arg12[%dma_start3A_719, %dma_start3A_728, %dma_start3A_729] : memref<4x200x64xf32, #tpu.memory_space<vmem>> -> memref<1x200x64xf32, #tpu.memory_space<vmem>>
      %dma_start3A_731 = tpu.memref_squeeze %dma_start3A_730 : memref<1x200x64xf32, #tpu.memory_space<vmem>> -> memref<200x64xf32, #tpu.memory_space<vmem>>
      tpu.enqueue_dma source(%dma_start3A_731 : memref<200x64xf32, #tpu.memory_space<vmem>>) target(%dma_start3A_727 : memref<200x64xf32, #tpu.memory_space<hbm>>) target_semaphore(%arg17 : memref<!tpu.dma_semaphore, #tpu.memory_space<semaphore_mem>>)
      %mul3A_732 = arith.constant 4 : i32
      %mul3A_733 = arith.muli %scan3A_111, %mul3A_732 : i32
      %add3A_734 = arith.constant 1 : i32
      %add3A_735 = arith.addi %mul3A_733, %add3A_734 : i32
      %dma_wait3A_736 = arith.constant 0 : i32
      %dma_wait3A_737 = arith.constant 0 : i32
      %dma_wait3A_738 = arith.constant 0 : i32
      %dma_wait3A_739 = tpu.memref_slice %arg12[%dma_wait3A_736, %dma_wait3A_737, %dma_wait3A_738] : memref<4x200x64xf32, #tpu.memory_space<vmem>> -> memref<1x200x64xf32, #tpu.memory_space<vmem>>
      %dma_wait3A_740 = tpu.memref_squeeze %dma_wait3A_739 : memref<1x200x64xf32, #tpu.memory_space<vmem>> -> memref<200x64xf32, #tpu.memory_space<vmem>>
      %dma_wait3A_741 = arith.constant 0 : i32
      %dma_wait3A_742 = arith.constant 0 : i32
      %dma_wait3A_743 = tpu.memref_slice %arg7[%dma_wait3A_741, %dma_wait3A_742] : memref<819200x64xf32, #tpu.memory_space<hbm>> -> memref<200x64xf32, #tpu.memory_space<hbm>>
      %dma_wait3A_744 = arith.constant 0 : i32
      %dma_wait3A_745 = arith.constant 0 : i32
      %dma_wait3A_746 = tpu.memref_slice %arg7[%dma_wait3A_744, %dma_wait3A_745] : memref<819200x64xf32, #tpu.memory_space<hbm>> -> memref<200x64xf32, #tpu.memory_space<hbm>>
      %dma_wait3A_747 = arith.constant 0 : i32
      %dma_wait3A_748 = arith.constant 0 : i32
      %dma_wait3A_749 = tpu.memref_slice %arg12[%dma_wait3A_736, %dma_wait3A_747, %dma_wait3A_748] : memref<4x200x64xf32, #tpu.memory_space<vmem>> -> memref<1x200x64xf32, #tpu.memory_space<vmem>>
      %dma_wait3A_750 = tpu.memref_squeeze %dma_wait3A_749 : memref<1x200x64xf32, #tpu.memory_space<vmem>> -> memref<200x64xf32, #tpu.memory_space<vmem>>
      tpu.wait_dma2 semaphore(%arg17 : memref<!tpu.dma_semaphore, #tpu.memory_space<semaphore_mem>>) src(%dma_wait3A_750 : memref<200x64xf32, #tpu.memory_space<vmem>>) dst(%dma_wait3A_746 : memref<200x64xf32, #tpu.memory_space<hbm>>)
      %add3A_751 = arith.constant 4 : i32
      %add3A_752 = arith.addi %add3A_735, %add3A_751 : i32
      %sub3A_753 = arith.constant 1 : i32
      %sub3A_754 = arith.subi %add3A_752, %sub3A_753 : i32
      %lt3A = arith.constant 128 : i32
      %lt3A_755 = arith.cmpi slt, %sub3A_754, %lt3A : i32
      %convert_element_type3A_756 = arith.extui %lt3A_755 : i1 to i32
      %cond3A_757 = arith.constant 0 : i32
      %cond3A_758 = arith.cmpi ne, %convert_element_type3A_756, %cond3A_757 : i32
      scf.if %cond3A_758 {
        %dma_start3A_2588 = arith.constant 0 : i32
        %dma_start3A_2589 = arith.constant 0 : i32
        %dma_start3A_2590 = arith.constant 0 : i32
        %dma_start3A_2591 = tpu.memref_slice %arg12[%dma_start3A_2588, %dma_start3A_2589, %dma_start3A_2590] : memref<4x200x64xf32, #tpu.memory_space<vmem>> -> memref<1x128x64xf32, #tpu.memory_space<vmem>>
        %dma_start3A_2592 = tpu.memref_squeeze %dma_start3A_2591 : memref<1x128x64xf32, #tpu.memory_space<vmem>> -> memref<128x64xf32, #tpu.memory_space<vmem>>
        %dma_start3A_2593 = arith.constant 0 : i32
        %dma_start3A_2594 = tpu.memref_slice %arg8[%sub3A_754, %dma_start3A_2593] : memref<128x200xi32, #tpu.memory_space<vmem>> -> memref<1x128xi32, #tpu.memory_space<vmem>>
        %dma_start3A_2595 = tpu.memref_squeeze %dma_start3A_2594 : memref<1x128xi32, #tpu.memory_space<vmem>> -> memref<128xi32, #tpu.memory_space<vmem>>
        %dma_start3A_2596 = arith.constant 0 : i32
        %dma_start3A_2597 = arith.constant 0 : i32
        %dma_start3A_2598 = tpu.memref_slice %arg3[%dma_start3A_2596, %dma_start3A_2597] : memref<100000x64xf32, #tpu.memory_space<hbm>> -> memref<100000x64xf32, #tpu.memory_space<hbm>>
        tpu.enqueue_indirect_dma source(%dma_start3A_2598 : memref<100000x64xf32, #tpu.memory_space<hbm>>) target(%dma_start3A_2592 : memref<128x64xf32, #tpu.memory_space<vmem>>) offsets(%dma_start3A_2595 : memref<128xi32, #tpu.memory_space<vmem>>) semaphore(%arg13 : memref<!tpu.dma_semaphore, #tpu.memory_space<semaphore_mem>>)
        %dma_start3A_2599 = arith.constant 0 : i32
        %dma_start3A_2600 = arith.constant 128 : i32
        %dma_start3A_2601 = arith.constant 0 : i32
        %dma_start3A_2602 = tpu.memref_slice %arg12[%dma_start3A_2599, %dma_start3A_2600, %dma_start3A_2601] : memref<4x200x64xf32, #tpu.memory_space<vmem>> -> memref<1x72x64xf32, #tpu.memory_space<vmem>>
        %dma_start3A_2603 = tpu.memref_squeeze %dma_start3A_2602 : memref<1x72x64xf32, #tpu.memory_space<vmem>> -> memref<72x64xf32, #tpu.memory_space<vmem>>
        %dma_start3A_2604 = arith.constant 128 : i32
        %dma_start3A_2605 = tpu.memref_slice %arg8[%sub3A_754, %dma_start3A_2604] : memref<128x200xi32, #tpu.memory_space<vmem>> -> memref<1x72xi32, #tpu.memory_space<vmem>>
        %dma_start3A_2606 = tpu.memref_squeeze %dma_start3A_2605 : memref<1x72xi32, #tpu.memory_space<vmem>> -> memref<72xi32, #tpu.memory_space<vmem>>
        %dma_start3A_2607 = arith.constant 0 : i32
        %dma_start3A_2608 = arith.constant 0 : i32
        %dma_start3A_2609 = tpu.memref_slice %arg3[%dma_start3A_2607, %dma_start3A_2608] : memref<100000x64xf32, #tpu.memory_space<hbm>> -> memref<100000x64xf32, #tpu.memory_space<hbm>>
        tpu.enqueue_indirect_dma source(%dma_start3A_2609 : memref<100000x64xf32, #tpu.memory_space<hbm>>) target(%dma_start3A_2603 : memref<72x64xf32, #tpu.memory_space<vmem>>) offsets(%dma_start3A_2606 : memref<72xi32, #tpu.memory_space<vmem>>) semaphore(%arg13 : memref<!tpu.dma_semaphore, #tpu.memory_space<semaphore_mem>>)
      } else {
      }
      %dma_wait3A_759 = arith.constant 1 : i32
      %dma_wait3A_760 = arith.constant 0 : i32
      %dma_wait3A_761 = arith.constant 0 : i32
      %dma_wait3A_762 = tpu.memref_slice %arg12[%dma_wait3A_759, %dma_wait3A_760, %dma_wait3A_761] : memref<4x200x64xf32, #tpu.memory_space<vmem>> -> memref<1x200x64xf32, #tpu.memory_space<vmem>>
      %dma_wait3A_763 = tpu.memref_squeeze %dma_wait3A_762 : memref<1x200x64xf32, #tpu.memory_space<vmem>> -> memref<200x64xf32, #tpu.memory_space<vmem>>
      %dma_wait3A_764 = arith.constant 0 : i32
      %dma_wait3A_765 = arith.constant 0 : i32
      %dma_wait3A_766 = tpu.memref_slice %arg3[%dma_wait3A_764, %dma_wait3A_765] : memref<100000x64xf32, #tpu.memory_space<hbm>> -> memref<200x64xf32, #tpu.memory_space<hbm>>
      %dma_wait3A_767 = arith.constant 0 : i32
      %dma_wait3A_768 = arith.constant 0 : i32
      %dma_wait3A_769 = tpu.memref_slice %arg12[%dma_wait3A_759, %dma_wait3A_767, %dma_wait3A_768] : memref<4x200x64xf32, #tpu.memory_space<vmem>> -> memref<1x200x64xf32, #tpu.memory_space<vmem>>
      %dma_wait3A_770 = tpu.memref_squeeze %dma_wait3A_769 : memref<1x200x64xf32, #tpu.memory_space<vmem>> -> memref<200x64xf32, #tpu.memory_space<vmem>>
      %dma_wait3A_771 = arith.constant 0 : i32
      %dma_wait3A_772 = arith.constant 0 : i32
      %dma_wait3A_773 = tpu.memref_slice %arg3[%dma_wait3A_771, %dma_wait3A_772] : memref<100000x64xf32, #tpu.memory_space<hbm>> -> memref<200x64xf32, #tpu.memory_space<hbm>>
      tpu.wait_dma2 semaphore(%arg14 : memref<!tpu.dma_semaphore, #tpu.memory_space<semaphore_mem>>) src(%dma_wait3A_773 : memref<200x64xf32, #tpu.memory_space<hbm>>) dst(%dma_wait3A_770 : memref<200x64xf32, #tpu.memory_space<vmem>>)
      %mul3A_774 = arith.constant 5 : i32
      %mul3A_775 = arith.muli %add3A_735, %mul3A_774 : i32
      %add3A_776 = arith.constant 0 : i32
      %add3A_777 = arith.addi %mul3A_775, %add3A_776 : i32
      %get3A_778 = arith.index_cast %add3A_777 : i32 to index
      %get3A_779 = arith.constant 0 : index
      %get3A_780 = tpu.vector_load %arg9[%get3A_778, %get3A_779] {strides = array<i32>} : memref<640x64xf32, #tpu.memory_space<vmem>>, vector<1x16xf32>,
      %get3A_781 = vector.shape_cast %get3A_780 : vector<1x16xf32> to vector<16xf32>
      %get3A_782 = arith.constant 0 : i32
      %get3A_783 = arith.index_cast %get3A_782 : i32 to index
      %get3A_784 = arith.constant 0 : index
      %get3A_785 = tpu.vector_load %arg10[%get3A_783, %get3A_784] {strides = array<i32>} : memref<5x64xf32, #tpu.memory_space<vmem>>, vector<1x16xf32>,
      %get3A_786 = vector.shape_cast %get3A_785 : vector<1x16xf32> to vector<16xf32>
      %mul3A_787 = arith.mulf %get3A_781, %get3A_786 : vector<16xf32>
      %get3A_788 = arith.constant 0 : i32
      %get3A_789 = arith.index_cast %get3A_788 : i32 to index
      %get3A_790 = arith.constant 0 : index
      %get3A_791 = tpu.vector_load %arg11[%get3A_789, %get3A_790] {strides = array<i32>} : memref<5x64xf32, #tpu.memory_space<vmem>>, vector<1x16xf32>,
      %get3A_792 = vector.shape_cast %get3A_791 : vector<1x16xf32> to vector<16xf32>
      %add3A_793 = arith.addf %mul3A_787, %get3A_792 : vector<16xf32>
      %swap3A_794 = arith.constant 1 : i32
      %swap3A_795 = arith.constant 0 : i32
      %swap3A_796 = arith.index_cast %swap3A_794 : i32 to index
      %swap3A_797 = arith.index_cast %swap3A_795 : i32 to index
      %swap3A_798 = arith.constant 0 : index
      %swap3A_799 = tpu.vector_load %arg12[%swap3A_796, %swap3A_797, %swap3A_798] {strides = array<i32>} : memref<4x200x64xf32, #tpu.memory_space<vmem>>, vector<1x1x16xf32>,
      %swap3A_800 = vector.shape_cast %swap3A_799 : vector<1x1x16xf32> to vector<16xf32>
      %swap3A_801 = vector.shape_cast %add3A_793 : vector<16xf32> to vector<1x1x16xf32>
      tpu.vector_store %arg12[%swap3A_796, %swap3A_797, %swap3A_798], %swap3A_801 {strides = array<i32>} : memref<4x200x64xf32, #tpu.memory_space<vmem>>, vector<1x1x16xf32>,
      %mul3A_802 = arith.constant 5 : i32
      %mul3A_803 = arith.muli %add3A_735, %mul3A_802 : i32
      %add3A_804 = arith.constant 0 : i32
      %add3A_805 = arith.addi %mul3A_803, %add3A_804 : i32
      %get3A_806 = arith.index_cast %add3A_805 : i32 to index
      %get3A_807 = arith.constant 16 : index
      %get3A_808 = tpu.vector_load %arg9[%get3A_806, %get3A_807] {strides = array<i32>} : memref<640x64xf32, #tpu.memory_space<vmem>>, vector<1x16xf32>,
      %get3A_809 = vector.shape_cast %get3A_808 : vector<1x16xf32> to vector<16xf32>
      %get3A_810 = arith.constant 0 : i32
      %get3A_811 = arith.index_cast %get3A_810 : i32 to index
      %get3A_812 = arith.constant 16 : index
      %get3A_813 = tpu.vector_load %arg10[%get3A_811, %get3A_812] {strides = array<i32>} : memref<5x64xf32, #tpu.memory_space<vmem>>, vector<1x16xf32>,
      %get3A_814 = vector.shape_cast %get3A_813 : vector<1x16xf32> to vector<16xf32>
      %mul3A_815 = arith.mulf %get3A_809, %get3A_814 : vector<16xf32>
      %get3A_816 = arith.constant 0 : i32
      %get3A_817 = arith.index_cast %get3A_816 : i32 to index
      %get3A_818 = arith.constant 16 : index
      %get3A_819 = tpu.vector_load %arg11[%get3A_817, %get3A_818] {strides = array<i32>} : memref<5x64xf32, #tpu.memory_space<vmem>>, vector<1x16xf32>,
      %get3A_820 = vector.shape_cast %get3A_819 : vector<1x16xf32> to vector<16xf32>
      %add3A_821 = arith.addf %mul3A_815, %get3A_820 : vector<16xf32>
      %swap3A_822 = arith.constant 1 : i32
      %swap3A_823 = arith.constant 0 : i32
      %swap3A_824 = arith.index_cast %swap3A_822 : i32 to index
      %swap3A_825 = arith.index_cast %swap3A_823 : i32 to index
      %swap3A_826 = arith.constant 16 : index
      %swap3A_827 = tpu.vector_load %arg12[%swap3A_824, %swap3A_825, %swap3A_826] {strides = array<i32>} : memref<4x200x64xf32, #tpu.memory_space<vmem>>, vector<1x1x16xf32>,
      %swap3A_828 = vector.shape_cast %swap3A_827 : vector<1x1x16xf32> to vector<16xf32>
      %swap3A_829 = vector.shape_cast %add3A_821 : vector<16xf32> to vector<1x1x16xf32>
      tpu.vector_store %arg12[%swap3A_824, %swap3A_825, %swap3A_826], %swap3A_829 {strides = array<i32>} : memref<4x200x64xf32, #tpu.memory_space<vmem>>, vector<1x1x16xf32>,
      %mul3A_830 = arith.constant 5 : i32
      %mul3A_831 = arith.muli %add3A_735, %mul3A_830 : i32
      %add3A_832 = arith.constant 0 : i32
      %add3A_833 = arith.addi %mul3A_831, %add3A_832 : i32
      %get3A_834 = arith.index_cast %add3A_833 : i32 to index
      %get3A_835 = arith.constant 32 : index
      %get3A_836 = tpu.vector_load %arg9[%get3A_834, %get3A_835] {strides = array<i32>} : memref<640x64xf32, #tpu.memory_space<vmem>>, vector<1x16xf32>,
      %get3A_837 = vector.shape_cast %get3A_836 : vector<1x16xf32> to vector<16xf32>
      %get3A_838 = arith.constant 0 : i32
      %get3A_839 = arith.index_cast %get3A_838 : i32 to index
      %get3A_840 = arith.constant 32 : index
      %get3A_841 = tpu.vector_load %arg10[%get3A_839, %get3A_840] {strides = array<i32>} : memref<5x64xf32, #tpu.memory_space<vmem>>, vector<1x16xf32>,
      %get3A_842 = vector.shape_cast %get3A_841 : vector<1x16xf32> to vector<16xf32>
      %mul3A_843 = arith.mulf %get3A_837, %get3A_842 : vector<16xf32>
      %get3A_844 = arith.constant 0 : i32
      %get3A_845 = arith.index_cast %get3A_844 : i32 to index
      %get3A_846 = arith.constant 32 : index
      %get3A_847 = tpu.vector_load %arg11[%get3A_845, %get3A_846] {strides = array<i32>} : memref<5x64xf32, #tpu.memory_space<vmem>>, vector<1x16xf32>,
      %get3A_848 = vector.shape_cast %get3A_847 : vector<1x16xf32> to vector<16xf32>
      %add3A_849 = arith.addf %mul3A_843, %get3A_848 : vector<16xf32>
      %swap3A_850 = arith.constant 1 : i32
      %swap3A_851 = arith.constant 0 : i32
      %swap3A_852 = arith.index_cast %swap3A_850 : i32 to index
      %swap3A_853 = arith.index_cast %swap3A_851 : i32 to index
      %swap3A_854 = arith.constant 32 : index
      %swap3A_855 = tpu.vector_load %arg12[%swap3A_852, %swap3A_853, %swap3A_854] {strides = array<i32>} : memref<4x200x64xf32, #tpu.memory_space<vmem>>, vector<1x1x16xf32>,
      %swap3A_856 = vector.shape_cast %swap3A_855 : vector<1x1x16xf32> to vector<16xf32>
      %swap3A_857 = vector.shape_cast %add3A_849 : vector<16xf32> to vector<1x1x16xf32>
      tpu.vector_store %arg12[%swap3A_852, %swap3A_853, %swap3A_854], %swap3A_857 {strides = array<i32>} : memref<4x200x64xf32, #tpu.memory_space<vmem>>, vector<1x1x16xf32>,
      %mul3A_858 = arith.constant 5 : i32
      %mul3A_859 = arith.muli %add3A_735, %mul3A_858 : i32
      %add3A_860 = arith.constant 0 : i32
      %add3A_861 = arith.addi %mul3A_859, %add3A_860 : i32
      %get3A_862 = arith.index_cast %add3A_861 : i32 to index
      %get3A_863 = arith.constant 48 : index
      %get3A_864 = tpu.vector_load %arg9[%get3A_862, %get3A_863] {strides = array<i32>} : memref<640x64xf32, #tpu.memory_space<vmem>>, vector<1x16xf32>,
      %get3A_865 = vector.shape_cast %get3A_864 : vector<1x16xf32> to vector<16xf32>
      %get3A_866 = arith.constant 0 : i32
      %get3A_867 = arith.index_cast %get3A_866 : i32 to index
      %get3A_868 = arith.constant 48 : index
      %get3A_869 = tpu.vector_load %arg10[%get3A_867, %get3A_868] {strides = array<i32>} : memref<5x64xf32, #tpu.memory_space<vmem>>, vector<1x16xf32>,
      %get3A_870 = vector.shape_cast %get3A_869 : vector<1x16xf32> to vector<16xf32>
      %mul3A_871 = arith.mulf %get3A_865, %get3A_870 : vector<16xf32>
      %get3A_872 = arith.constant 0 : i32
      %get3A_873 = arith.index_cast %get3A_872 : i32 to index
      %get3A_874 = arith.constant 48 : index
      %get3A_875 = tpu.vector_load %arg11[%get3A_873, %get3A_874] {strides = array<i32>} : memref<5x64xf32, #tpu.memory_space<vmem>>, vector<1x16xf32>,
      %get3A_876 = vector.shape_cast %get3A_875 : vector<1x16xf32> to vector<16xf32>
      %add3A_877 = arith.addf %mul3A_871, %get3A_876 : vector<16xf32>
      %swap3A_878 = arith.constant 1 : i32
      %swap3A_879 = arith.constant 0 : i32
      %swap3A_880 = arith.index_cast %swap3A_878 : i32 to index
      %swap3A_881 = arith.index_cast %swap3A_879 : i32 to index
      %swap3A_882 = arith.constant 48 : index
      %swap3A_883 = tpu.vector_load %arg12[%swap3A_880, %swap3A_881, %swap3A_882] {strides = array<i32>} : memref<4x200x64xf32, #tpu.memory_space<vmem>>, vector<1x1x16xf32>,
      %swap3A_884 = vector.shape_cast %swap3A_883 : vector<1x1x16xf32> to vector<16xf32>
      %swap3A_885 = vector.shape_cast %add3A_877 : vector<16xf32> to vector<1x1x16xf32>
      tpu.vector_store %arg12[%swap3A_880, %swap3A_881, %swap3A_882], %swap3A_885 {strides = array<i32>} : memref<4x200x64xf32, #tpu.memory_space<vmem>>, vector<1x1x16xf32>,
      %mul3A_886 = arith.constant 5 : i32
      %mul3A_887 = arith.muli %add3A_735, %mul3A_886 : i32
      %add3A_888 = arith.constant 1 : i32
      %add3A_889 = arith.addi %mul3A_887, %add3A_888 : i32
      %get3A_890 = arith.index_cast %add3A_889 : i32 to index
      %get3A_891 = arith.constant 0 : index
      %get3A_892 = tpu.vector_load %arg9[%get3A_890, %get3A_891] {strides = array<i32>} : memref<640x64xf32, #tpu.memory_space<vmem>>, vector<1x16xf32>,
      %get3A_893 = vector.shape_cast %get3A_892 : vector<1x16xf32> to vector<16xf32>
      %get3A_894 = arith.constant 1 : i32
      %get3A_895 = arith.index_cast %get3A_894 : i32 to index
      %get3A_896 = arith.constant 0 : index
      %get3A_897 = tpu.vector_load %arg10[%get3A_895, %get3A_896] {strides = array<i32>} : memref<5x64xf32, #tpu.memory_space<vmem>>, vector<1x16xf32>,
      %get3A_898 = vector.shape_cast %get3A_897 : vector<1x16xf32> to vector<16xf32>
      %mul3A_899 = arith.mulf %get3A_893, %get3A_898 : vector<16xf32>
      %get3A_900 = arith.constant 1 : i32
      %get3A_901 = arith.index_cast %get3A_900 : i32 to index
      %get3A_902 = arith.constant 0 : index
      %get3A_903 = tpu.vector_load %arg11[%get3A_901, %get3A_902] {strides = array<i32>} : memref<5x64xf32, #tpu.memory_space<vmem>>, vector<1x16xf32>,
      %get3A_904 = vector.shape_cast %get3A_903 : vector<1x16xf32> to vector<16xf32>
      %add3A_905 = arith.addf %mul3A_899, %get3A_904 : vector<16xf32>
      %swap3A_906 = arith.constant 1 : i32
      %swap3A_907 = arith.constant 1 : i32
      %swap3A_908 = arith.index_cast %swap3A_906 : i32 to index
      %swap3A_909 = arith.index_cast %swap3A_907 : i32 to index
      %swap3A_910 = arith.constant 0 : index
      %swap3A_911 = tpu.vector_load %arg12[%swap3A_908, %swap3A_909, %swap3A_910] {strides = array<i32>} : memref<4x200x64xf32, #tpu.memory_space<vmem>>, vector<1x1x16xf32>,
      %swap3A_912 = vector.shape_cast %swap3A_911 : vector<1x1x16xf32> to vector<16xf32>
      %swap3A_913 = vector.shape_cast %add3A_905 : vector<16xf32> to vector<1x1x16xf32>
      tpu.vector_store %arg12[%swap3A_908, %swap3A_909, %swap3A_910], %swap3A_913 {strides = array<i32>} : memref<4x200x64xf32, #tpu.memory_space<vmem>>, vector<1x1x16xf32>,
      %mul3A_914 = arith.constant 5 : i32
      %mul3A_915 = arith.muli %add3A_735, %mul3A_914 : i32
      %add3A_916 = arith.constant 1 : i32
      %add3A_917 = arith.addi %mul3A_915, %add3A_916 : i32
      %get3A_918 = arith.index_cast %add3A_917 : i32 to index
      %get3A_919 = arith.constant 16 : index
      %get3A_920 = tpu.vector_load %arg9[%get3A_918, %get3A_919] {strides = array<i32>} : memref<640x64xf32, #tpu.memory_space<vmem>>, vector<1x16xf32>,
      %get3A_921 = vector.shape_cast %get3A_920 : vector<1x16xf32> to vector<16xf32>
      %get3A_922 = arith.constant 1 : i32
      %get3A_923 = arith.index_cast %get3A_922 : i32 to index
      %get3A_924 = arith.constant 16 : index
      %get3A_925 = tpu.vector_load %arg10[%get3A_923, %get3A_924] {strides = array<i32>} : memref<5x64xf32, #tpu.memory_space<vmem>>, vector<1x16xf32>,
      %get3A_926 = vector.shape_cast %get3A_925 : vector<1x16xf32> to vector<16xf32>
      %mul3A_927 = arith.mulf %get3A_921, %get3A_926 : vector<16xf32>
      %get3A_928 = arith.constant 1 : i32
      %get3A_929 = arith.index_cast %get3A_928 : i32 to index
      %get3A_930 = arith.constant 16 : index
      %get3A_931 = tpu.vector_load %arg11[%get3A_929, %get3A_930] {strides = array<i32>} : memref<5x64xf32, #tpu.memory_space<vmem>>, vector<1x16xf32>,
      %get3A_932 = vector.shape_cast %get3A_931 : vector<1x16xf32> to vector<16xf32>
      %add3A_933 = arith.addf %mul3A_927, %get3A_932 : vector<16xf32>
      %swap3A_934 = arith.constant 1 : i32
      %swap3A_935 = arith.constant 1 : i32
      %swap3A_936 = arith.index_cast %swap3A_934 : i32 to index
      %swap3A_937 = arith.index_cast %swap3A_935 : i32 to index
      %swap3A_938 = arith.constant 16 : index
      %swap3A_939 = tpu.vector_load %arg12[%swap3A_936, %swap3A_937, %swap3A_938] {strides = array<i32>} : memref<4x200x64xf32, #tpu.memory_space<vmem>>, vector<1x1x16xf32>,
      %swap3A_940 = vector.shape_cast %swap3A_939 : vector<1x1x16xf32> to vector<16xf32>
      %swap3A_941 = vector.shape_cast %add3A_933 : vector<16xf32> to vector<1x1x16xf32>
      tpu.vector_store %arg12[%swap3A_936, %swap3A_937, %swap3A_938], %swap3A_941 {strides = array<i32>} : memref<4x200x64xf32, #tpu.memory_space<vmem>>, vector<1x1x16xf32>,
      %mul3A_942 = arith.constant 5 : i32
      %mul3A_943 = arith.muli %add3A_735, %mul3A_942 : i32
      %add3A_944 = arith.constant 1 : i32
      %add3A_945 = arith.addi %mul3A_943, %add3A_944 : i32
      %get3A_946 = arith.index_cast %add3A_945 : i32 to index
      %get3A_947 = arith.constant 32 : index
      %get3A_948 = tpu.vector_load %arg9[%get3A_946, %get3A_947] {strides = array<i32>} : memref<640x64xf32, #tpu.memory_space<vmem>>, vector<1x16xf32>,
      %get3A_949 = vector.shape_cast %get3A_948 : vector<1x16xf32> to vector<16xf32>
      %get3A_950 = arith.constant 1 : i32
      %get3A_951 = arith.index_cast %get3A_950 : i32 to index
      %get3A_952 = arith.constant 32 : index
      %get3A_953 = tpu.vector_load %arg10[%get3A_951, %get3A_952] {strides = array<i32>} : memref<5x64xf32, #tpu.memory_space<vmem>>, vector<1x16xf32>,
      %get3A_954 = vector.shape_cast %get3A_953 : vector<1x16xf32> to vector<16xf32>
      %mul3A_955 = arith.mulf %get3A_949, %get3A_954 : vector<16xf32>
      %get3A_956 = arith.constant 1 : i32
      %get3A_957 = arith.index_cast %get3A_956 : i32 to index
      %get3A_958 = arith.constant 32 : index
      %get3A_959 = tpu.vector_load %arg11[%get3A_957, %get3A_958] {strides = array<i32>} : memref<5x64xf32, #tpu.memory_space<vmem>>, vector<1x16xf32>,
      %get3A_960 = vector.shape_cast %get3A_959 : vector<1x16xf32> to vector<16xf32>
      %add3A_961 = arith.addf %mul3A_955, %get3A_960 : vector<16xf32>
      %swap3A_962 = arith.constant 1 : i32
      %swap3A_963 = arith.constant 1 : i32
      %swap3A_964 = arith.index_cast %swap3A_962 : i32 to index
      %swap3A_965 = arith.index_cast %swap3A_963 : i32 to index
      %swap3A_966 = arith.constant 32 : index
      %swap3A_967 = tpu.vector_load %arg12[%swap3A_964, %swap3A_965, %swap3A_966] {strides = array<i32>} : memref<4x200x64xf32, #tpu.memory_space<vmem>>, vector<1x1x16xf32>,
      %swap3A_968 = vector.shape_cast %swap3A_967 : vector<1x1x16xf32> to vector<16xf32>
      %swap3A_969 = vector.shape_cast %add3A_961 : vector<16xf32> to vector<1x1x16xf32>
      tpu.vector_store %arg12[%swap3A_964, %swap3A_965, %swap3A_966], %swap3A_969 {strides = array<i32>} : memref<4x200x64xf32, #tpu.memory_space<vmem>>, vector<1x1x16xf32>,
      %mul3A_970 = arith.constant 5 : i32
      %mul3A_971 = arith.muli %add3A_735, %mul3A_970 : i32
      %add3A_972 = arith.constant 1 : i32
      %add3A_973 = arith.addi %mul3A_971, %add3A_972 : i32
      %get3A_974 = arith.index_cast %add3A_973 : i32 to index
      %get3A_975 = arith.constant 48 : index
      %get3A_976 = tpu.vector_load %arg9[%get3A_974, %get3A_975] {strides = array<i32>} : memref<640x64xf32, #tpu.memory_space<vmem>>, vector<1x16xf32>,
      %get3A_977 = vector.shape_cast %get3A_976 : vector<1x16xf32> to vector<16xf32>
      %get3A_978 = arith.constant 1 : i32
      %get3A_979 = arith.index_cast %get3A_978 : i32 to index
      %get3A_980 = arith.constant 48 : index
      %get3A_981 = tpu.vector_load %arg10[%get3A_979, %get3A_980] {strides = array<i32>} : memref<5x64xf32, #tpu.memory_space<vmem>>, vector<1x16xf32>,
      %get3A_982 = vector.shape_cast %get3A_981 : vector<1x16xf32> to vector<16xf32>
      %mul3A_983 = arith.mulf %get3A_977, %get3A_982 : vector<16xf32>
      %get3A_984 = arith.constant 1 : i32
      %get3A_985 = arith.index_cast %get3A_984 : i32 to index
      %get3A_986 = arith.constant 48 : index
      %get3A_987 = tpu.vector_load %arg11[%get3A_985, %get3A_986] {strides = array<i32>} : memref<5x64xf32, #tpu.memory_space<vmem>>, vector<1x16xf32>,
      %get3A_988 = vector.shape_cast %get3A_987 : vector<1x16xf32> to vector<16xf32>
      %add3A_989 = arith.addf %mul3A_983, %get3A_988 : vector<16xf32>
      %swap3A_990 = arith.constant 1 : i32
      %swap3A_991 = arith.constant 1 : i32
      %swap3A_992 = arith.index_cast %swap3A_990 : i32 to index
      %swap3A_993 = arith.index_cast %swap3A_991 : i32 to index
      %swap3A_994 = arith.constant 48 : index
      %swap3A_995 = tpu.vector_load %arg12[%swap3A_992, %swap3A_993, %swap3A_994] {strides = array<i32>} : memref<4x200x64xf32, #tpu.memory_space<vmem>>, vector<1x1x16xf32>,
      %swap3A_996 = vector.shape_cast %swap3A_995 : vector<1x1x16xf32> to vector<16xf32>
      %swap3A_997 = vector.shape_cast %add3A_989 : vector<16xf32> to vector<1x1x16xf32>
      tpu.vector_store %arg12[%swap3A_992, %swap3A_993, %swap3A_994], %swap3A_997 {strides = array<i32>} : memref<4x200x64xf32, #tpu.memory_space<vmem>>, vector<1x1x16xf32>,
      %mul3A_998 = arith.constant 5 : i32
      %mul3A_999 = arith.muli %add3A_735, %mul3A_998 : i32
      %add3A_1000 = arith.constant 2 : i32
      %add3A_1001 = arith.addi %mul3A_999, %add3A_1000 : i32
      %get3A_1002 = arith.index_cast %add3A_1001 : i32 to index
      %get3A_1003 = arith.constant 0 : index
      %get3A_1004 = tpu.vector_load %arg9[%get3A_1002, %get3A_1003] {strides = array<i32>} : memref<640x64xf32, #tpu.memory_space<vmem>>, vector<1x16xf32>,
      %get3A_1005 = vector.shape_cast %get3A_1004 : vector<1x16xf32> to vector<16xf32>
      %get3A_1006 = arith.constant 2 : i32
      %get3A_1007 = arith.index_cast %get3A_1006 : i32 to index
      %get3A_1008 = arith.constant 0 : index
      %get3A_1009 = tpu.vector_load %arg10[%get3A_1007, %get3A_1008] {strides = array<i32>} : memref<5x64xf32, #tpu.memory_space<vmem>>, vector<1x16xf32>,
      %get3A_1010 = vector.shape_cast %get3A_1009 : vector<1x16xf32> to vector<16xf32>
      %mul3A_1011 = arith.mulf %get3A_1005, %get3A_1010 : vector<16xf32>
      %get3A_1012 = arith.constant 2 : i32
      %get3A_1013 = arith.index_cast %get3A_1012 : i32 to index
      %get3A_1014 = arith.constant 0 : index
      %get3A_1015 = tpu.vector_load %arg11[%get3A_1013, %get3A_1014] {strides = array<i32>} : memref<5x64xf32, #tpu.memory_space<vmem>>, vector<1x16xf32>,
      %get3A_1016 = vector.shape_cast %get3A_1015 : vector<1x16xf32> to vector<16xf32>
      %add3A_1017 = arith.addf %mul3A_1011, %get3A_1016 : vector<16xf32>
      %swap3A_1018 = arith.constant 1 : i32
      %swap3A_1019 = arith.constant 2 : i32
      %swap3A_1020 = arith.index_cast %swap3A_1018 : i32 to index
      %swap3A_1021 = arith.index_cast %swap3A_1019 : i32 to index
      %swap3A_1022 = arith.constant 0 : index
      %swap3A_1023 = tpu.vector_load %arg12[%swap3A_1020, %swap3A_1021, %swap3A_1022] {strides = array<i32>} : memref<4x200x64xf32, #tpu.memory_space<vmem>>, vector<1x1x16xf32>,
      %swap3A_1024 = vector.shape_cast %swap3A_1023 : vector<1x1x16xf32> to vector<16xf32>
      %swap3A_1025 = vector.shape_cast %add3A_1017 : vector<16xf32> to vector<1x1x16xf32>
      tpu.vector_store %arg12[%swap3A_1020, %swap3A_1021, %swap3A_1022], %swap3A_1025 {strides = array<i32>} : memref<4x200x64xf32, #tpu.memory_space<vmem>>, vector<1x1x16xf32>,
      %mul3A_1026 = arith.constant 5 : i32
      %mul3A_1027 = arith.muli %add3A_735, %mul3A_1026 : i32
      %add3A_1028 = arith.constant 2 : i32
      %add3A_1029 = arith.addi %mul3A_1027, %add3A_1028 : i32
      %get3A_1030 = arith.index_cast %add3A_1029 : i32 to index
      %get3A_1031 = arith.constant 16 : index
      %get3A_1032 = tpu.vector_load %arg9[%get3A_1030, %get3A_1031] {strides = array<i32>} : memref<640x64xf32, #tpu.memory_space<vmem>>, vector<1x16xf32>,
      %get3A_1033 = vector.shape_cast %get3A_1032 : vector<1x16xf32> to vector<16xf32>
      %get3A_1034 = arith.constant 2 : i32
      %get3A_1035 = arith.index_cast %get3A_1034 : i32 to index
      %get3A_1036 = arith.constant 16 : index
      %get3A_1037 = tpu.vector_load %arg10[%get3A_1035, %get3A_1036] {strides = array<i32>} : memref<5x64xf32, #tpu.memory_space<vmem>>, vector<1x16xf32>,
      %get3A_1038 = vector.shape_cast %get3A_1037 : vector<1x16xf32> to vector<16xf32>
      %mul3A_1039 = arith.mulf %get3A_1033, %get3A_1038 : vector<16xf32>
      %get3A_1040 = arith.constant 2 : i32
      %get3A_1041 = arith.index_cast %get3A_1040 : i32 to index
      %get3A_1042 = arith.constant 16 : index
      %get3A_1043 = tpu.vector_load %arg11[%get3A_1041, %get3A_1042] {strides = array<i32>} : memref<5x64xf32, #tpu.memory_space<vmem>>, vector<1x16xf32>,
      %get3A_1044 = vector.shape_cast %get3A_1043 : vector<1x16xf32> to vector<16xf32>
      %add3A_1045 = arith.addf %mul3A_1039, %get3A_1044 : vector<16xf32>
      %swap3A_1046 = arith.constant 1 : i32
      %swap3A_1047 = arith.constant 2 : i32
      %swap3A_1048 = arith.index_cast %swap3A_1046 : i32 to index
      %swap3A_1049 = arith.index_cast %swap3A_1047 : i32 to index
      %swap3A_1050 = arith.constant 16 : index
      %swap3A_1051 = tpu.vector_load %arg12[%swap3A_1048, %swap3A_1049, %swap3A_1050] {strides = array<i32>} : memref<4x200x64xf32, #tpu.memory_space<vmem>>, vector<1x1x16xf32>,
      %swap3A_1052 = vector.shape_cast %swap3A_1051 : vector<1x1x16xf32> to vector<16xf32>
      %swap3A_1053 = vector.shape_cast %add3A_1045 : vector<16xf32> to vector<1x1x16xf32>
      tpu.vector_store %arg12[%swap3A_1048, %swap3A_1049, %swap3A_1050], %swap3A_1053 {strides = array<i32>} : memref<4x200x64xf32, #tpu.memory_space<vmem>>, vector<1x1x16xf32>,
      %mul3A_1054 = arith.constant 5 : i32
      %mul3A_1055 = arith.muli %add3A_735, %mul3A_1054 : i32
      %add3A_1056 = arith.constant 2 : i32
      %add3A_1057 = arith.addi %mul3A_1055, %add3A_1056 : i32
      %get3A_1058 = arith.index_cast %add3A_1057 : i32 to index
      %get3A_1059 = arith.constant 32 : index
      %get3A_1060 = tpu.vector_load %arg9[%get3A_1058, %get3A_1059] {strides = array<i32>} : memref<640x64xf32, #tpu.memory_space<vmem>>, vector<1x16xf32>,
      %get3A_1061 = vector.shape_cast %get3A_1060 : vector<1x16xf32> to vector<16xf32>
      %get3A_1062 = arith.constant 2 : i32
      %get3A_1063 = arith.index_cast %get3A_1062 : i32 to index
      %get3A_1064 = arith.constant 32 : index
      %get3A_1065 = tpu.vector_load %arg10[%get3A_1063, %get3A_1064] {strides = array<i32>} : memref<5x64xf32, #tpu.memory_space<vmem>>, vector<1x16xf32>,
      %get3A_1066 = vector.shape_cast %get3A_1065 : vector<1x16xf32> to vector<16xf32>
      %mul3A_1067 = arith.mulf %get3A_1061, %get3A_1066 : vector<16xf32>
      %get3A_1068 = arith.constant 2 : i32
      %get3A_1069 = arith.index_cast %get3A_1068 : i32 to index
      %get3A_1070 = arith.constant 32 : index
      %get3A_1071 = tpu.vector_load %arg11[%get3A_1069, %get3A_1070] {strides = array<i32>} : memref<5x64xf32, #tpu.memory_space<vmem>>, vector<1x16xf32>,
      %get3A_1072 = vector.shape_cast %get3A_1071 : vector<1x16xf32> to vector<16xf32>
      %add3A_1073 = arith.addf %mul3A_1067, %get3A_1072 : vector<16xf32>
      %swap3A_1074 = arith.constant 1 : i32
      %swap3A_1075 = arith.constant 2 : i32
      %swap3A_1076 = arith.index_cast %swap3A_1074 : i32 to index
      %swap3A_1077 = arith.index_cast %swap3A_1075 : i32 to index
      %swap3A_1078 = arith.constant 32 : index
      %swap3A_1079 = tpu.vector_load %arg12[%swap3A_1076, %swap3A_1077, %swap3A_1078] {strides = array<i32>} : memref<4x200x64xf32, #tpu.memory_space<vmem>>, vector<1x1x16xf32>,
      %swap3A_1080 = vector.shape_cast %swap3A_1079 : vector<1x1x16xf32> to vector<16xf32>
      %swap3A_1081 = vector.shape_cast %add3A_1073 : vector<16xf32> to vector<1x1x16xf32>
      tpu.vector_store %arg12[%swap3A_1076, %swap3A_1077, %swap3A_1078], %swap3A_1081 {strides = array<i32>} : memref<4x200x64xf32, #tpu.memory_space<vmem>>, vector<1x1x16xf32>,
      %mul3A_1082 = arith.constant 5 : i32
      %mul3A_1083 = arith.muli %add3A_735, %mul3A_1082 : i32
      %add3A_1084 = arith.constant 2 : i32
      %add3A_1085 = arith.addi %mul3A_1083, %add3A_1084 : i32
      %get3A_1086 = arith.index_cast %add3A_1085 : i32 to index
      %get3A_1087 = arith.constant 48 : index
      %get3A_1088 = tpu.vector_load %arg9[%get3A_1086, %get3A_1087] {strides = array<i32>} : memref<640x64xf32, #tpu.memory_space<vmem>>, vector<1x16xf32>,
      %get3A_1089 = vector.shape_cast %get3A_1088 : vector<1x16xf32> to vector<16xf32>
      %get3A_1090 = arith.constant 2 : i32
      %get3A_1091 = arith.index_cast %get3A_1090 : i32 to index
      %get3A_1092 = arith.constant 48 : index
      %get3A_1093 = tpu.vector_load %arg10[%get3A_1091, %get3A_1092] {strides = array<i32>} : memref<5x64xf32, #tpu.memory_space<vmem>>, vector<1x16xf32>,
      %get3A_1094 = vector.shape_cast %get3A_1093 : vector<1x16xf32> to vector<16xf32>
      %mul3A_1095 = arith.mulf %get3A_1089, %get3A_1094 : vector<16xf32>
      %get3A_1096 = arith.constant 2 : i32
      %get3A_1097 = arith.index_cast %get3A_1096 : i32 to index
      %get3A_1098 = arith.constant 48 : index
      %get3A_1099 = tpu.vector_load %arg11[%get3A_1097, %get3A_1098] {strides = array<i32>} : memref<5x64xf32, #tpu.memory_space<vmem>>, vector<1x16xf32>,
      %get3A_1100 = vector.shape_cast %get3A_1099 : vector<1x16xf32> to vector<16xf32>
      %add3A_1101 = arith.addf %mul3A_1095, %get3A_1100 : vector<16xf32>
      %swap3A_1102 = arith.constant 1 : i32
      %swap3A_1103 = arith.constant 2 : i32
      %swap3A_1104 = arith.index_cast %swap3A_1102 : i32 to index
      %swap3A_1105 = arith.index_cast %swap3A_1103 : i32 to index
      %swap3A_1106 = arith.constant 48 : index
      %swap3A_1107 = tpu.vector_load %arg12[%swap3A_1104, %swap3A_1105, %swap3A_1106] {strides = array<i32>} : memref<4x200x64xf32, #tpu.memory_space<vmem>>, vector<1x1x16xf32>,
      %swap3A_1108 = vector.shape_cast %swap3A_1107 : vector<1x1x16xf32> to vector<16xf32>
      %swap3A_1109 = vector.shape_cast %add3A_1101 : vector<16xf32> to vector<1x1x16xf32>
      tpu.vector_store %arg12[%swap3A_1104, %swap3A_1105, %swap3A_1106], %swap3A_1109 {strides = array<i32>} : memref<4x200x64xf32, #tpu.memory_space<vmem>>, vector<1x1x16xf32>,
      %mul3A_1110 = arith.constant 5 : i32
      %mul3A_1111 = arith.muli %add3A_735, %mul3A_1110 : i32
      %add3A_1112 = arith.constant 3 : i32
      %add3A_1113 = arith.addi %mul3A_1111, %add3A_1112 : i32
      %get3A_1114 = arith.index_cast %add3A_1113 : i32 to index
      %get3A_1115 = arith.constant 0 : index
      %get3A_1116 = tpu.vector_load %arg9[%get3A_1114, %get3A_1115] {strides = array<i32>} : memref<640x64xf32, #tpu.memory_space<vmem>>, vector<1x16xf32>,
      %get3A_1117 = vector.shape_cast %get3A_1116 : vector<1x16xf32> to vector<16xf32>
      %get3A_1118 = arith.constant 3 : i32
      %get3A_1119 = arith.index_cast %get3A_1118 : i32 to index
      %get3A_1120 = arith.constant 0 : index
      %get3A_1121 = tpu.vector_load %arg10[%get3A_1119, %get3A_1120] {strides = array<i32>} : memref<5x64xf32, #tpu.memory_space<vmem>>, vector<1x16xf32>,
      %get3A_1122 = vector.shape_cast %get3A_1121 : vector<1x16xf32> to vector<16xf32>
      %mul3A_1123 = arith.mulf %get3A_1117, %get3A_1122 : vector<16xf32>
      %get3A_1124 = arith.constant 3 : i32
      %get3A_1125 = arith.index_cast %get3A_1124 : i32 to index
      %get3A_1126 = arith.constant 0 : index
      %get3A_1127 = tpu.vector_load %arg11[%get3A_1125, %get3A_1126] {strides = array<i32>} : memref<5x64xf32, #tpu.memory_space<vmem>>, vector<1x16xf32>,
      %get3A_1128 = vector.shape_cast %get3A_1127 : vector<1x16xf32> to vector<16xf32>
      %add3A_1129 = arith.addf %mul3A_1123, %get3A_1128 : vector<16xf32>
      %swap3A_1130 = arith.constant 1 : i32
      %swap3A_1131 = arith.constant 3 : i32
      %swap3A_1132 = arith.index_cast %swap3A_1130 : i32 to index
      %swap3A_1133 = arith.index_cast %swap3A_1131 : i32 to index
      %swap3A_1134 = arith.constant 0 : index
      %swap3A_1135 = tpu.vector_load %arg12[%swap3A_1132, %swap3A_1133, %swap3A_1134] {strides = array<i32>} : memref<4x200x64xf32, #tpu.memory_space<vmem>>, vector<1x1x16xf32>,
      %swap3A_1136 = vector.shape_cast %swap3A_1135 : vector<1x1x16xf32> to vector<16xf32>
      %swap3A_1137 = vector.shape_cast %add3A_1129 : vector<16xf32> to vector<1x1x16xf32>
      tpu.vector_store %arg12[%swap3A_1132, %swap3A_1133, %swap3A_1134], %swap3A_1137 {strides = array<i32>} : memref<4x200x64xf32, #tpu.memory_space<vmem>>, vector<1x1x16xf32>,
      %mul3A_1138 = arith.constant 5 : i32
      %mul3A_1139 = arith.muli %add3A_735, %mul3A_1138 : i32
      %add3A_1140 = arith.constant 3 : i32
      %add3A_1141 = arith.addi %mul3A_1139, %add3A_1140 : i32
      %get3A_1142 = arith.index_cast %add3A_1141 : i32 to index
      %get3A_1143 = arith.constant 16 : index
      %get3A_1144 = tpu.vector_load %arg9[%get3A_1142, %get3A_1143] {strides = array<i32>} : memref<640x64xf32, #tpu.memory_space<vmem>>, vector<1x16xf32>,
      %get3A_1145 = vector.shape_cast %get3A_1144 : vector<1x16xf32> to vector<16xf32>
      %get3A_1146 = arith.constant 3 : i32
      %get3A_1147 = arith.index_cast %get3A_1146 : i32 to index
      %get3A_1148 = arith.constant 16 : index
      %get3A_1149 = tpu.vector_load %arg10[%get3A_1147, %get3A_1148] {strides = array<i32>} : memref<5x64xf32, #tpu.memory_space<vmem>>, vector<1x16xf32>,
      %get3A_1150 = vector.shape_cast %get3A_1149 : vector<1x16xf32> to vector<16xf32>
      %mul3A_1151 = arith.mulf %get3A_1145, %get3A_1150 : vector<16xf32>
      %get3A_1152 = arith.constant 3 : i32
      %get3A_1153 = arith.index_cast %get3A_1152 : i32 to index
      %get3A_1154 = arith.constant 16 : index
      %get3A_1155 = tpu.vector_load %arg11[%get3A_1153, %get3A_1154] {strides = array<i32>} : memref<5x64xf32, #tpu.memory_space<vmem>>, vector<1x16xf32>,
      %get3A_1156 = vector.shape_cast %get3A_1155 : vector<1x16xf32> to vector<16xf32>
      %add3A_1157 = arith.addf %mul3A_1151, %get3A_1156 : vector<16xf32>
      %swap3A_1158 = arith.constant 1 : i32
      %swap3A_1159 = arith.constant 3 : i32
      %swap3A_1160 = arith.index_cast %swap3A_1158 : i32 to index
      %swap3A_1161 = arith.index_cast %swap3A_1159 : i32 to index
      %swap3A_1162 = arith.constant 16 : index
      %swap3A_1163 = tpu.vector_load %arg12[%swap3A_1160, %swap3A_1161, %swap3A_1162] {strides = array<i32>} : memref<4x200x64xf32, #tpu.memory_space<vmem>>, vector<1x1x16xf32>,
      %swap3A_1164 = vector.shape_cast %swap3A_1163 : vector<1x1x16xf32> to vector<16xf32>
      %swap3A_1165 = vector.shape_cast %add3A_1157 : vector<16xf32> to vector<1x1x16xf32>
      tpu.vector_store %arg12[%swap3A_1160, %swap3A_1161, %swap3A_1162], %swap3A_1165 {strides = array<i32>} : memref<4x200x64xf32, #tpu.memory_space<vmem>>, vector<1x1x16xf32>,
      %mul3A_1166 = arith.constant 5 : i32
      %mul3A_1167 = arith.muli %add3A_735, %mul3A_1166 : i32
      %add3A_1168 = arith.constant 3 : i32
      %add3A_1169 = arith.addi %mul3A_1167, %add3A_1168 : i32
      %get3A_1170 = arith.index_cast %add3A_1169 : i32 to index
      %get3A_1171 = arith.constant 32 : index
      %get3A_1172 = tpu.vector_load %arg9[%get3A_1170, %get3A_1171] {strides = array<i32>} : memref<640x64xf32, #tpu.memory_space<vmem>>, vector<1x16xf32>,
      %get3A_1173 = vector.shape_cast %get3A_1172 : vector<1x16xf32> to vector<16xf32>
      %get3A_1174 = arith.constant 3 : i32
      %get3A_1175 = arith.index_cast %get3A_1174 : i32 to index
      %get3A_1176 = arith.constant 32 : index
      %get3A_1177 = tpu.vector_load %arg10[%get3A_1175, %get3A_1176] {strides = array<i32>} : memref<5x64xf32, #tpu.memory_space<vmem>>, vector<1x16xf32>,
      %get3A_1178 = vector.shape_cast %get3A_1177 : vector<1x16xf32> to vector<16xf32>
      %mul3A_1179 = arith.mulf %get3A_1173, %get3A_1178 : vector<16xf32>
      %get3A_1180 = arith.constant 3 : i32
      %get3A_1181 = arith.index_cast %get3A_1180 : i32 to index
      %get3A_1182 = arith.constant 32 : index
      %get3A_1183 = tpu.vector_load %arg11[%get3A_1181, %get3A_1182] {strides = array<i32>} : memref<5x64xf32, #tpu.memory_space<vmem>>, vector<1x16xf32>,
      %get3A_1184 = vector.shape_cast %get3A_1183 : vector<1x16xf32> to vector<16xf32>
      %add3A_1185 = arith.addf %mul3A_1179, %get3A_1184 : vector<16xf32>
      %swap3A_1186 = arith.constant 1 : i32
      %swap3A_1187 = arith.constant 3 : i32
      %swap3A_1188 = arith.index_cast %swap3A_1186 : i32 to index
      %swap3A_1189 = arith.index_cast %swap3A_1187 : i32 to index
      %swap3A_1190 = arith.constant 32 : index
      %swap3A_1191 = tpu.vector_load %arg12[%swap3A_1188, %swap3A_1189, %swap3A_1190] {strides = array<i32>} : memref<4x200x64xf32, #tpu.memory_space<vmem>>, vector<1x1x16xf32>,
      %swap3A_1192 = vector.shape_cast %swap3A_1191 : vector<1x1x16xf32> to vector<16xf32>
      %swap3A_1193 = vector.shape_cast %add3A_1185 : vector<16xf32> to vector<1x1x16xf32>
      tpu.vector_store %arg12[%swap3A_1188, %swap3A_1189, %swap3A_1190], %swap3A_1193 {strides = array<i32>} : memref<4x200x64xf32, #tpu.memory_space<vmem>>, vector<1x1x16xf32>,
      %mul3A_1194 = arith.constant 5 : i32
      %mul3A_1195 = arith.muli %add3A_735, %mul3A_1194 : i32
      %add3A_1196 = arith.constant 3 : i32
      %add3A_1197 = arith.addi %mul3A_1195, %add3A_1196 : i32
      %get3A_1198 = arith.index_cast %add3A_1197 : i32 to index
      %get3A_1199 = arith.constant 48 : index
      %get3A_1200 = tpu.vector_load %arg9[%get3A_1198, %get3A_1199] {strides = array<i32>} : memref<640x64xf32, #tpu.memory_space<vmem>>, vector<1x16xf32>,
      %get3A_1201 = vector.shape_cast %get3A_1200 : vector<1x16xf32> to vector<16xf32>
      %get3A_1202 = arith.constant 3 : i32
      %get3A_1203 = arith.index_cast %get3A_1202 : i32 to index
      %get3A_1204 = arith.constant 48 : index
      %get3A_1205 = tpu.vector_load %arg10[%get3A_1203, %get3A_1204] {strides = array<i32>} : memref<5x64xf32, #tpu.memory_space<vmem>>, vector<1x16xf32>,
      %get3A_1206 = vector.shape_cast %get3A_1205 : vector<1x16xf32> to vector<16xf32>
      %mul3A_1207 = arith.mulf %get3A_1201, %get3A_1206 : vector<16xf32>
      %get3A_1208 = arith.constant 3 : i32
      %get3A_1209 = arith.index_cast %get3A_1208 : i32 to index
      %get3A_1210 = arith.constant 48 : index
      %get3A_1211 = tpu.vector_load %arg11[%get3A_1209, %get3A_1210] {strides = array<i32>} : memref<5x64xf32, #tpu.memory_space<vmem>>, vector<1x16xf32>,
      %get3A_1212 = vector.shape_cast %get3A_1211 : vector<1x16xf32> to vector<16xf32>
      %add3A_1213 = arith.addf %mul3A_1207, %get3A_1212 : vector<16xf32>
      %swap3A_1214 = arith.constant 1 : i32
      %swap3A_1215 = arith.constant 3 : i32
      %swap3A_1216 = arith.index_cast %swap3A_1214 : i32 to index
      %swap3A_1217 = arith.index_cast %swap3A_1215 : i32 to index
      %swap3A_1218 = arith.constant 48 : index
      %swap3A_1219 = tpu.vector_load %arg12[%swap3A_1216, %swap3A_1217, %swap3A_1218] {strides = array<i32>} : memref<4x200x64xf32, #tpu.memory_space<vmem>>, vector<1x1x16xf32>,
      %swap3A_1220 = vector.shape_cast %swap3A_1219 : vector<1x1x16xf32> to vector<16xf32>
      %swap3A_1221 = vector.shape_cast %add3A_1213 : vector<16xf32> to vector<1x1x16xf32>
      tpu.vector_store %arg12[%swap3A_1216, %swap3A_1217, %swap3A_1218], %swap3A_1221 {strides = array<i32>} : memref<4x200x64xf32, #tpu.memory_space<vmem>>, vector<1x1x16xf32>,
      %mul3A_1222 = arith.constant 5 : i32
      %mul3A_1223 = arith.muli %add3A_735, %mul3A_1222 : i32
      %add3A_1224 = arith.constant 4 : i32
      %add3A_1225 = arith.addi %mul3A_1223, %add3A_1224 : i32
      %get3A_1226 = arith.index_cast %add3A_1225 : i32 to index
      %get3A_1227 = arith.constant 0 : index
      %get3A_1228 = tpu.vector_load %arg9[%get3A_1226, %get3A_1227] {strides = array<i32>} : memref<640x64xf32, #tpu.memory_space<vmem>>, vector<1x16xf32>,
      %get3A_1229 = vector.shape_cast %get3A_1228 : vector<1x16xf32> to vector<16xf32>
      %get3A_1230 = arith.constant 4 : i32
      %get3A_1231 = arith.index_cast %get3A_1230 : i32 to index
      %get3A_1232 = arith.constant 0 : index
      %get3A_1233 = tpu.vector_load %arg10[%get3A_1231, %get3A_1232] {strides = array<i32>} : memref<5x64xf32, #tpu.memory_space<vmem>>, vector<1x16xf32>,
      %get3A_1234 = vector.shape_cast %get3A_1233 : vector<1x16xf32> to vector<16xf32>
      %mul3A_1235 = arith.mulf %get3A_1229, %get3A_1234 : vector<16xf32>
      %get3A_1236 = arith.constant 4 : i32
      %get3A_1237 = arith.index_cast %get3A_1236 : i32 to index
      %get3A_1238 = arith.constant 0 : index
      %get3A_1239 = tpu.vector_load %arg11[%get3A_1237, %get3A_1238] {strides = array<i32>} : memref<5x64xf32, #tpu.memory_space<vmem>>, vector<1x16xf32>,
      %get3A_1240 = vector.shape_cast %get3A_1239 : vector<1x16xf32> to vector<16xf32>
      %add3A_1241 = arith.addf %mul3A_1235, %get3A_1240 : vector<16xf32>
      %swap3A_1242 = arith.constant 1 : i32
      %swap3A_1243 = arith.constant 4 : i32
      %swap3A_1244 = arith.index_cast %swap3A_1242 : i32 to index
      %swap3A_1245 = arith.index_cast %swap3A_1243 : i32 to index
      %swap3A_1246 = arith.constant 0 : index
      %swap3A_1247 = tpu.vector_load %arg12[%swap3A_1244, %swap3A_1245, %swap3A_1246] {strides = array<i32>} : memref<4x200x64xf32, #tpu.memory_space<vmem>>, vector<1x1x16xf32>,
      %swap3A_1248 = vector.shape_cast %swap3A_1247 : vector<1x1x16xf32> to vector<16xf32>
      %swap3A_1249 = vector.shape_cast %add3A_1241 : vector<16xf32> to vector<1x1x16xf32>
      tpu.vector_store %arg12[%swap3A_1244, %swap3A_1245, %swap3A_1246], %swap3A_1249 {strides = array<i32>} : memref<4x200x64xf32, #tpu.memory_space<vmem>>, vector<1x1x16xf32>,
      %mul3A_1250 = arith.constant 5 : i32
      %mul3A_1251 = arith.muli %add3A_735, %mul3A_1250 : i32
      %add3A_1252 = arith.constant 4 : i32
      %add3A_1253 = arith.addi %mul3A_1251, %add3A_1252 : i32
      %get3A_1254 = arith.index_cast %add3A_1253 : i32 to index
      %get3A_1255 = arith.constant 16 : index
      %get3A_1256 = tpu.vector_load %arg9[%get3A_1254, %get3A_1255] {strides = array<i32>} : memref<640x64xf32, #tpu.memory_space<vmem>>, vector<1x16xf32>,
      %get3A_1257 = vector.shape_cast %get3A_1256 : vector<1x16xf32> to vector<16xf32>
      %get3A_1258 = arith.constant 4 : i32
      %get3A_1259 = arith.index_cast %get3A_1258 : i32 to index
      %get3A_1260 = arith.constant 16 : index
      %get3A_1261 = tpu.vector_load %arg10[%get3A_1259, %get3A_1260] {strides = array<i32>} : memref<5x64xf32, #tpu.memory_space<vmem>>, vector<1x16xf32>,
      %get3A_1262 = vector.shape_cast %get3A_1261 : vector<1x16xf32> to vector<16xf32>
      %mul3A_1263 = arith.mulf %get3A_1257, %get3A_1262 : vector<16xf32>
      %get3A_1264 = arith.constant 4 : i32
      %get3A_1265 = arith.index_cast %get3A_1264 : i32 to index
      %get3A_1266 = arith.constant 16 : index
      %get3A_1267 = tpu.vector_load %arg11[%get3A_1265, %get3A_1266] {strides = array<i32>} : memref<5x64xf32, #tpu.memory_space<vmem>>, vector<1x16xf32>,
      %get3A_1268 = vector.shape_cast %get3A_1267 : vector<1x16xf32> to vector<16xf32>
      %add3A_1269 = arith.addf %mul3A_1263, %get3A_1268 : vector<16xf32>
      %swap3A_1270 = arith.constant 1 : i32
      %swap3A_1271 = arith.constant 4 : i32
      %swap3A_1272 = arith.index_cast %swap3A_1270 : i32 to index
      %swap3A_1273 = arith.index_cast %swap3A_1271 : i32 to index
      %swap3A_1274 = arith.constant 16 : index
      %swap3A_1275 = tpu.vector_load %arg12[%swap3A_1272, %swap3A_1273, %swap3A_1274] {strides = array<i32>} : memref<4x200x64xf32, #tpu.memory_space<vmem>>, vector<1x1x16xf32>,
      %swap3A_1276 = vector.shape_cast %swap3A_1275 : vector<1x1x16xf32> to vector<16xf32>
      %swap3A_1277 = vector.shape_cast %add3A_1269 : vector<16xf32> to vector<1x1x16xf32>
      tpu.vector_store %arg12[%swap3A_1272, %swap3A_1273, %swap3A_1274], %swap3A_1277 {strides = array<i32>} : memref<4x200x64xf32, #tpu.memory_space<vmem>>, vector<1x1x16xf32>,
      %mul3A_1278 = arith.constant 5 : i32
      %mul3A_1279 = arith.muli %add3A_735, %mul3A_1278 : i32
      %add3A_1280 = arith.constant 4 : i32
      %add3A_1281 = arith.addi %mul3A_1279, %add3A_1280 : i32
      %get3A_1282 = arith.index_cast %add3A_1281 : i32 to index
      %get3A_1283 = arith.constant 32 : index
      %get3A_1284 = tpu.vector_load %arg9[%get3A_1282, %get3A_1283] {strides = array<i32>} : memref<640x64xf32, #tpu.memory_space<vmem>>, vector<1x16xf32>,
      %get3A_1285 = vector.shape_cast %get3A_1284 : vector<1x16xf32> to vector<16xf32>
      %get3A_1286 = arith.constant 4 : i32
      %get3A_1287 = arith.index_cast %get3A_1286 : i32 to index
      %get3A_1288 = arith.constant 32 : index
      %get3A_1289 = tpu.vector_load %arg10[%get3A_1287, %get3A_1288] {strides = array<i32>} : memref<5x64xf32, #tpu.memory_space<vmem>>, vector<1x16xf32>,
      %get3A_1290 = vector.shape_cast %get3A_1289 : vector<1x16xf32> to vector<16xf32>
      %mul3A_1291 = arith.mulf %get3A_1285, %get3A_1290 : vector<16xf32>
      %get3A_1292 = arith.constant 4 : i32
      %get3A_1293 = arith.index_cast %get3A_1292 : i32 to index
      %get3A_1294 = arith.constant 32 : index
      %get3A_1295 = tpu.vector_load %arg11[%get3A_1293, %get3A_1294] {strides = array<i32>} : memref<5x64xf32, #tpu.memory_space<vmem>>, vector<1x16xf32>,
      %get3A_1296 = vector.shape_cast %get3A_1295 : vector<1x16xf32> to vector<16xf32>
      %add3A_1297 = arith.addf %mul3A_1291, %get3A_1296 : vector<16xf32>
      %swap3A_1298 = arith.constant 1 : i32
      %swap3A_1299 = arith.constant 4 : i32
      %swap3A_1300 = arith.index_cast %swap3A_1298 : i32 to index
      %swap3A_1301 = arith.index_cast %swap3A_1299 : i32 to index
      %swap3A_1302 = arith.constant 32 : index
      %swap3A_1303 = tpu.vector_load %arg12[%swap3A_1300, %swap3A_1301, %swap3A_1302] {strides = array<i32>} : memref<4x200x64xf32, #tpu.memory_space<vmem>>, vector<1x1x16xf32>,
      %swap3A_1304 = vector.shape_cast %swap3A_1303 : vector<1x1x16xf32> to vector<16xf32>
      %swap3A_1305 = vector.shape_cast %add3A_1297 : vector<16xf32> to vector<1x1x16xf32>
      tpu.vector_store %arg12[%swap3A_1300, %swap3A_1301, %swap3A_1302], %swap3A_1305 {strides = array<i32>} : memref<4x200x64xf32, #tpu.memory_space<vmem>>, vector<1x1x16xf32>,
      %mul3A_1306 = arith.constant 5 : i32
      %mul3A_1307 = arith.muli %add3A_735, %mul3A_1306 : i32
      %add3A_1308 = arith.constant 4 : i32
      %add3A_1309 = arith.addi %mul3A_1307, %add3A_1308 : i32
      %get3A_1310 = arith.index_cast %add3A_1309 : i32 to index
      %get3A_1311 = arith.constant 48 : index
      %get3A_1312 = tpu.vector_load %arg9[%get3A_1310, %get3A_1311] {strides = array<i32>} : memref<640x64xf32, #tpu.memory_space<vmem>>, vector<1x16xf32>,
      %get3A_1313 = vector.shape_cast %get3A_1312 : vector<1x16xf32> to vector<16xf32>
      %get3A_1314 = arith.constant 4 : i32
      %get3A_1315 = arith.index_cast %get3A_1314 : i32 to index
      %get3A_1316 = arith.constant 48 : index
      %get3A_1317 = tpu.vector_load %arg10[%get3A_1315, %get3A_1316] {strides = array<i32>} : memref<5x64xf32, #tpu.memory_space<vmem>>, vector<1x16xf32>,
      %get3A_1318 = vector.shape_cast %get3A_1317 : vector<1x16xf32> to vector<16xf32>
      %mul3A_1319 = arith.mulf %get3A_1313, %get3A_1318 : vector<16xf32>
      %get3A_1320 = arith.constant 4 : i32
      %get3A_1321 = arith.index_cast %get3A_1320 : i32 to index
      %get3A_1322 = arith.constant 48 : index
      %get3A_1323 = tpu.vector_load %arg11[%get3A_1321, %get3A_1322] {strides = array<i32>} : memref<5x64xf32, #tpu.memory_space<vmem>>, vector<1x16xf32>,
      %get3A_1324 = vector.shape_cast %get3A_1323 : vector<1x16xf32> to vector<16xf32>
      %add3A_1325 = arith.addf %mul3A_1319, %get3A_1324 : vector<16xf32>
      %swap3A_1326 = arith.constant 1 : i32
      %swap3A_1327 = arith.constant 4 : i32
      %swap3A_1328 = arith.index_cast %swap3A_1326 : i32 to index
      %swap3A_1329 = arith.index_cast %swap3A_1327 : i32 to index
      %swap3A_1330 = arith.constant 48 : index
      %swap3A_1331 = tpu.vector_load %arg12[%swap3A_1328, %swap3A_1329, %swap3A_1330] {strides = array<i32>} : memref<4x200x64xf32, #tpu.memory_space<vmem>>, vector<1x1x16xf32>,
      %swap3A_1332 = vector.shape_cast %swap3A_1331 : vector<1x1x16xf32> to vector<16xf32>
      %swap3A_1333 = vector.shape_cast %add3A_1325 : vector<16xf32> to vector<1x1x16xf32>
      tpu.vector_store %arg12[%swap3A_1328, %swap3A_1329, %swap3A_1330], %swap3A_1333 {strides = array<i32>} : memref<4x200x64xf32, #tpu.memory_space<vmem>>, vector<1x1x16xf32>,
      %add3A_1334 = arith.addi %mul3A_2, %add3A_735 : i32
      %mul3A_1335 = arith.constant 200 : i32
      %mul3A_1336 = arith.muli %add3A_1334, %mul3A_1335 : i32
      %dma_start3A_1337 = arith.constant 1 : i32
      %dma_start3A_1338 = arith.constant 0 : i32
      %dma_start3A_1339 = arith.constant 0 : i32
      %dma_start3A_1340 = tpu.memref_slice %arg12[%dma_start3A_1337, %dma_start3A_1338, %dma_start3A_1339] : memref<4x200x64xf32, #tpu.memory_space<vmem>> -> memref<1x200x64xf32, #tpu.memory_space<vmem>>
      %dma_start3A_1341 = tpu.memref_squeeze %dma_start3A_1340 : memref<1x200x64xf32, #tpu.memory_space<vmem>> -> memref<200x64xf32, #tpu.memory_space<vmem>>
      %dma_start3A_1342 = arith.constant 0 : i32
      %dma_start3A_1343 = tpu.memref_slice %arg7[%mul3A_1336, %dma_start3A_1342] : memref<819200x64xf32, #tpu.memory_space<hbm>> -> memref<200x64xf32, #tpu.memory_space<hbm>>
      %dma_start3A_1344 = arith.constant 0 : i32
      %dma_start3A_1345 = tpu.memref_slice %arg7[%mul3A_1336, %dma_start3A_1344] : memref<819200x64xf32, #tpu.memory_space<hbm>> -> memref<200x64xf32, #tpu.memory_space<hbm>>
      %dma_start3A_1346 = arith.constant 0 : i32
      %dma_start3A_1347 = arith.constant 0 : i32
      %dma_start3A_1348 = tpu.memref_slice %arg12[%dma_start3A_1337, %dma_start3A_1346, %dma_start3A_1347] : memref<4x200x64xf32, #tpu.memory_space<vmem>> -> memref<1x200x64xf32, #tpu.memory_space<vmem>>
      %dma_start3A_1349 = tpu.memref_squeeze %dma_start3A_1348 : memref<1x200x64xf32, #tpu.memory_space<vmem>> -> memref<200x64xf32, #tpu.memory_space<vmem>>
      tpu.enqueue_dma source(%dma_start3A_1349 : memref<200x64xf32, #tpu.memory_space<vmem>>) target(%dma_start3A_1345 : memref<200x64xf32, #tpu.memory_space<hbm>>) target_semaphore(%arg18 : memref<!tpu.dma_semaphore, #tpu.memory_space<semaphore_mem>>)
      %mul3A_1350 = arith.constant 4 : i32
      %mul3A_1351 = arith.muli %scan3A_111, %mul3A_1350 : i32
      %add3A_1352 = arith.constant 2 : i32
      %add3A_1353 = arith.addi %mul3A_1351, %add3A_1352 : i32
      %dma_wait3A_1354 = arith.constant 1 : i32
      %dma_wait3A_1355 = arith.constant 0 : i32
      %dma_wait3A_1356 = arith.constant 0 : i32
      %dma_wait3A_1357 = tpu.memref_slice %arg12[%dma_wait3A_1354, %dma_wait3A_1355, %dma_wait3A_1356] : memref<4x200x64xf32, #tpu.memory_space<vmem>> -> memref<1x200x64xf32, #tpu.memory_space<vmem>>
      %dma_wait3A_1358 = tpu.memref_squeeze %dma_wait3A_1357 : memref<1x200x64xf32, #tpu.memory_space<vmem>> -> memref<200x64xf32, #tpu.memory_space<vmem>>
      %dma_wait3A_1359 = arith.constant 0 : i32
      %dma_wait3A_1360 = arith.constant 0 : i32
      %dma_wait3A_1361 = tpu.memref_slice %arg7[%dma_wait3A_1359, %dma_wait3A_1360] : memref<819200x64xf32, #tpu.memory_space<hbm>> -> memref<200x64xf32, #tpu.memory_space<hbm>>
      %dma_wait3A_1362 = arith.constant 0 : i32
      %dma_wait3A_1363 = arith.constant 0 : i32
      %dma_wait3A_1364 = tpu.memref_slice %arg7[%dma_wait3A_1362, %dma_wait3A_1363] : memref<819200x64xf32, #tpu.memory_space<hbm>> -> memref<200x64xf32, #tpu.memory_space<hbm>>
      %dma_wait3A_1365 = arith.constant 0 : i32
      %dma_wait3A_1366 = arith.constant 0 : i32
      %dma_wait3A_1367 = tpu.memref_slice %arg12[%dma_wait3A_1354, %dma_wait3A_1365, %dma_wait3A_1366] : memref<4x200x64xf32, #tpu.memory_space<vmem>> -> memref<1x200x64xf32, #tpu.memory_space<vmem>>
      %dma_wait3A_1368 = tpu.memref_squeeze %dma_wait3A_1367 : memref<1x200x64xf32, #tpu.memory_space<vmem>> -> memref<200x64xf32, #tpu.memory_space<vmem>>
      tpu.wait_dma2 semaphore(%arg18 : memref<!tpu.dma_semaphore, #tpu.memory_space<semaphore_mem>>) src(%dma_wait3A_1368 : memref<200x64xf32, #tpu.memory_space<vmem>>) dst(%dma_wait3A_1364 : memref<200x64xf32, #tpu.memory_space<hbm>>)
      %add3A_1369 = arith.constant 4 : i32
      %add3A_1370 = arith.addi %add3A_1353, %add3A_1369 : i32
      %sub3A_1371 = arith.constant 1 : i32
      %sub3A_1372 = arith.subi %add3A_1370, %sub3A_1371 : i32
      %lt3A_1373 = arith.constant 128 : i32
      %lt3A_1374 = arith.cmpi slt, %sub3A_1372, %lt3A_1373 : i32
      %convert_element_type3A_1375 = arith.extui %lt3A_1374 : i1 to i32
      %cond3A_1376 = arith.constant 0 : i32
      %cond3A_1377 = arith.cmpi ne, %convert_element_type3A_1375, %cond3A_1376 : i32
      scf.if %cond3A_1377 {
        %dma_start3A_2588 = arith.constant 1 : i32
        %dma_start3A_2589 = arith.constant 0 : i32
        %dma_start3A_2590 = arith.constant 0 : i32
        %dma_start3A_2591 = tpu.memref_slice %arg12[%dma_start3A_2588, %dma_start3A_2589, %dma_start3A_2590] : memref<4x200x64xf32, #tpu.memory_space<vmem>> -> memref<1x128x64xf32, #tpu.memory_space<vmem>>
        %dma_start3A_2592 = tpu.memref_squeeze %dma_start3A_2591 : memref<1x128x64xf32, #tpu.memory_space<vmem>> -> memref<128x64xf32, #tpu.memory_space<vmem>>
        %dma_start3A_2593 = arith.constant 0 : i32
        %dma_start3A_2594 = tpu.memref_slice %arg8[%sub3A_1372, %dma_start3A_2593] : memref<128x200xi32, #tpu.memory_space<vmem>> -> memref<1x128xi32, #tpu.memory_space<vmem>>
        %dma_start3A_2595 = tpu.memref_squeeze %dma_start3A_2594 : memref<1x128xi32, #tpu.memory_space<vmem>> -> memref<128xi32, #tpu.memory_space<vmem>>
        %dma_start3A_2596 = arith.constant 0 : i32
        %dma_start3A_2597 = arith.constant 0 : i32
        %dma_start3A_2598 = tpu.memref_slice %arg3[%dma_start3A_2596, %dma_start3A_2597] : memref<100000x64xf32, #tpu.memory_space<hbm>> -> memref<100000x64xf32, #tpu.memory_space<hbm>>
        tpu.enqueue_indirect_dma source(%dma_start3A_2598 : memref<100000x64xf32, #tpu.memory_space<hbm>>) target(%dma_start3A_2592 : memref<128x64xf32, #tpu.memory_space<vmem>>) offsets(%dma_start3A_2595 : memref<128xi32, #tpu.memory_space<vmem>>) semaphore(%arg14 : memref<!tpu.dma_semaphore, #tpu.memory_space<semaphore_mem>>)
        %dma_start3A_2599 = arith.constant 1 : i32
        %dma_start3A_2600 = arith.constant 128 : i32
        %dma_start3A_2601 = arith.constant 0 : i32
        %dma_start3A_2602 = tpu.memref_slice %arg12[%dma_start3A_2599, %dma_start3A_2600, %dma_start3A_2601] : memref<4x200x64xf32, #tpu.memory_space<vmem>> -> memref<1x72x64xf32, #tpu.memory_space<vmem>>
        %dma_start3A_2603 = tpu.memref_squeeze %dma_start3A_2602 : memref<1x72x64xf32, #tpu.memory_space<vmem>> -> memref<72x64xf32, #tpu.memory_space<vmem>>
        %dma_start3A_2604 = arith.constant 128 : i32
        %dma_start3A_2605 = tpu.memref_slice %arg8[%sub3A_1372, %dma_start3A_2604] : memref<128x200xi32, #tpu.memory_space<vmem>> -> memref<1x72xi32, #tpu.memory_space<vmem>>
        %dma_start3A_2606 = tpu.memref_squeeze %dma_start3A_2605 : memref<1x72xi32, #tpu.memory_space<vmem>> -> memref<72xi32, #tpu.memory_space<vmem>>
        %dma_start3A_2607 = arith.constant 0 : i32
        %dma_start3A_2608 = arith.constant 0 : i32
        %dma_start3A_2609 = tpu.memref_slice %arg3[%dma_start3A_2607, %dma_start3A_2608] : memref<100000x64xf32, #tpu.memory_space<hbm>> -> memref<100000x64xf32, #tpu.memory_space<hbm>>
        tpu.enqueue_indirect_dma source(%dma_start3A_2609 : memref<100000x64xf32, #tpu.memory_space<hbm>>) target(%dma_start3A_2603 : memref<72x64xf32, #tpu.memory_space<vmem>>) offsets(%dma_start3A_2606 : memref<72xi32, #tpu.memory_space<vmem>>) semaphore(%arg14 : memref<!tpu.dma_semaphore, #tpu.memory_space<semaphore_mem>>)
      } else {
      }
      %dma_wait3A_1378 = arith.constant 2 : i32
      %dma_wait3A_1379 = arith.constant 0 : i32
      %dma_wait3A_1380 = arith.constant 0 : i32
      %dma_wait3A_1381 = tpu.memref_slice %arg12[%dma_wait3A_1378, %dma_wait3A_1379, %dma_wait3A_1380] : memref<4x200x64xf32, #tpu.memory_space<vmem>> -> memref<1x200x64xf32, #tpu.memory_space<vmem>>
      %dma_wait3A_1382 = tpu.memref_squeeze %dma_wait3A_1381 : memref<1x200x64xf32, #tpu.memory_space<vmem>> -> memref<200x64xf32, #tpu.memory_space<vmem>>
      %dma_wait3A_1383 = arith.constant 0 : i32
      %dma_wait3A_1384 = arith.constant 0 : i32
      %dma_wait3A_1385 = tpu.memref_slice %arg3[%dma_wait3A_1383, %dma_wait3A_1384] : memref<100000x64xf32, #tpu.memory_space<hbm>> -> memref<200x64xf32, #tpu.memory_space<hbm>>
      %dma_wait3A_1386 = arith.constant 0 : i32
      %dma_wait3A_1387 = arith.constant 0 : i32
      %dma_wait3A_1388 = tpu.memref_slice %arg12[%dma_wait3A_1378, %dma_wait3A_1386, %dma_wait3A_1387] : memref<4x200x64xf32, #tpu.memory_space<vmem>> -> memref<1x200x64xf32, #tpu.memory_space<vmem>>
      %dma_wait3A_1389 = tpu.memref_squeeze %dma_wait3A_1388 : memref<1x200x64xf32, #tpu.memory_space<vmem>> -> memref<200x64xf32, #tpu.memory_space<vmem>>
      %dma_wait3A_1390 = arith.constant 0 : i32
      %dma_wait3A_1391 = arith.constant 0 : i32
      %dma_wait3A_1392 = tpu.memref_slice %arg3[%dma_wait3A_1390, %dma_wait3A_1391] : memref<100000x64xf32, #tpu.memory_space<hbm>> -> memref<200x64xf32, #tpu.memory_space<hbm>>
      tpu.wait_dma2 semaphore(%arg15 : memref<!tpu.dma_semaphore, #tpu.memory_space<semaphore_mem>>) src(%dma_wait3A_1392 : memref<200x64xf32, #tpu.memory_space<hbm>>) dst(%dma_wait3A_1389 : memref<200x64xf32, #tpu.memory_space<vmem>>)
      %mul3A_1393 = arith.constant 5 : i32
      %mul3A_1394 = arith.muli %add3A_1353, %mul3A_1393 : i32
      %add3A_1395 = arith.constant 0 : i32
      %add3A_1396 = arith.addi %mul3A_1394, %add3A_1395 : i32
      %get3A_1397 = arith.index_cast %add3A_1396 : i32 to index
      %get3A_1398 = arith.constant 0 : index
      %get3A_1399 = tpu.vector_load %arg9[%get3A_1397, %get3A_1398] {strides = array<i32>} : memref<640x64xf32, #tpu.memory_space<vmem>>, vector<1x16xf32>,
      %get3A_1400 = vector.shape_cast %get3A_1399 : vector<1x16xf32> to vector<16xf32>
      %get3A_1401 = arith.constant 0 : i32
      %get3A_1402 = arith.index_cast %get3A_1401 : i32 to index
      %get3A_1403 = arith.constant 0 : index
      %get3A_1404 = tpu.vector_load %arg10[%get3A_1402, %get3A_1403] {strides = array<i32>} : memref<5x64xf32, #tpu.memory_space<vmem>>, vector<1x16xf32>,
      %get3A_1405 = vector.shape_cast %get3A_1404 : vector<1x16xf32> to vector<16xf32>
      %mul3A_1406 = arith.mulf %get3A_1400, %get3A_1405 : vector<16xf32>
      %get3A_1407 = arith.constant 0 : i32
      %get3A_1408 = arith.index_cast %get3A_1407 : i32 to index
      %get3A_1409 = arith.constant 0 : index
      %get3A_1410 = tpu.vector_load %arg11[%get3A_1408, %get3A_1409] {strides = array<i32>} : memref<5x64xf32, #tpu.memory_space<vmem>>, vector<1x16xf32>,
      %get3A_1411 = vector.shape_cast %get3A_1410 : vector<1x16xf32> to vector<16xf32>
      %add3A_1412 = arith.addf %mul3A_1406, %get3A_1411 : vector<16xf32>
      %swap3A_1413 = arith.constant 2 : i32
      %swap3A_1414 = arith.constant 0 : i32
      %swap3A_1415 = arith.index_cast %swap3A_1413 : i32 to index
      %swap3A_1416 = arith.index_cast %swap3A_1414 : i32 to index
      %swap3A_1417 = arith.constant 0 : index
      %swap3A_1418 = tpu.vector_load %arg12[%swap3A_1415, %swap3A_1416, %swap3A_1417] {strides = array<i32>} : memref<4x200x64xf32, #tpu.memory_space<vmem>>, vector<1x1x16xf32>,
      %swap3A_1419 = vector.shape_cast %swap3A_1418 : vector<1x1x16xf32> to vector<16xf32>
      %swap3A_1420 = vector.shape_cast %add3A_1412 : vector<16xf32> to vector<1x1x16xf32>
      tpu.vector_store %arg12[%swap3A_1415, %swap3A_1416, %swap3A_1417], %swap3A_1420 {strides = array<i32>} : memref<4x200x64xf32, #tpu.memory_space<vmem>>, vector<1x1x16xf32>,
      %mul3A_1421 = arith.constant 5 : i32
      %mul3A_1422 = arith.muli %add3A_1353, %mul3A_1421 : i32
      %add3A_1423 = arith.constant 0 : i32
      %add3A_1424 = arith.addi %mul3A_1422, %add3A_1423 : i32
      %get3A_1425 = arith.index_cast %add3A_1424 : i32 to index
      %get3A_1426 = arith.constant 16 : index
      %get3A_1427 = tpu.vector_load %arg9[%get3A_1425, %get3A_1426] {strides = array<i32>} : memref<640x64xf32, #tpu.memory_space<vmem>>, vector<1x16xf32>,
      %get3A_1428 = vector.shape_cast %get3A_1427 : vector<1x16xf32> to vector<16xf32>
      %get3A_1429 = arith.constant 0 : i32
      %get3A_1430 = arith.index_cast %get3A_1429 : i32 to index
      %get3A_1431 = arith.constant 16 : index
      %get3A_1432 = tpu.vector_load %arg10[%get3A_1430, %get3A_1431] {strides = array<i32>} : memref<5x64xf32, #tpu.memory_space<vmem>>, vector<1x16xf32>,
      %get3A_1433 = vector.shape_cast %get3A_1432 : vector<1x16xf32> to vector<16xf32>
      %mul3A_1434 = arith.mulf %get3A_1428, %get3A_1433 : vector<16xf32>
      %get3A_1435 = arith.constant 0 : i32
      %get3A_1436 = arith.index_cast %get3A_1435 : i32 to index
      %get3A_1437 = arith.constant 16 : index
      %get3A_1438 = tpu.vector_load %arg11[%get3A_1436, %get3A_1437] {strides = array<i32>} : memref<5x64xf32, #tpu.memory_space<vmem>>, vector<1x16xf32>,
      %get3A_1439 = vector.shape_cast %get3A_1438 : vector<1x16xf32> to vector<16xf32>
      %add3A_1440 = arith.addf %mul3A_1434, %get3A_1439 : vector<16xf32>
      %swap3A_1441 = arith.constant 2 : i32
      %swap3A_1442 = arith.constant 0 : i32
      %swap3A_1443 = arith.index_cast %swap3A_1441 : i32 to index
      %swap3A_1444 = arith.index_cast %swap3A_1442 : i32 to index
      %swap3A_1445 = arith.constant 16 : index
      %swap3A_1446 = tpu.vector_load %arg12[%swap3A_1443, %swap3A_1444, %swap3A_1445] {strides = array<i32>} : memref<4x200x64xf32, #tpu.memory_space<vmem>>, vector<1x1x16xf32>,
      %swap3A_1447 = vector.shape_cast %swap3A_1446 : vector<1x1x16xf32> to vector<16xf32>
      %swap3A_1448 = vector.shape_cast %add3A_1440 : vector<16xf32> to vector<1x1x16xf32>
      tpu.vector_store %arg12[%swap3A_1443, %swap3A_1444, %swap3A_1445], %swap3A_1448 {strides = array<i32>} : memref<4x200x64xf32, #tpu.memory_space<vmem>>, vector<1x1x16xf32>,
      %mul3A_1449 = arith.constant 5 : i32
      %mul3A_1450 = arith.muli %add3A_1353, %mul3A_1449 : i32
      %add3A_1451 = arith.constant 0 : i32
      %add3A_1452 = arith.addi %mul3A_1450, %add3A_1451 : i32
      %get3A_1453 = arith.index_cast %add3A_1452 : i32 to index
      %get3A_1454 = arith.constant 32 : index
      %get3A_1455 = tpu.vector_load %arg9[%get3A_1453, %get3A_1454] {strides = array<i32>} : memref<640x64xf32, #tpu.memory_space<vmem>>, vector<1x16xf32>,
      %get3A_1456 = vector.shape_cast %get3A_1455 : vector<1x16xf32> to vector<16xf32>
      %get3A_1457 = arith.constant 0 : i32
      %get3A_1458 = arith.index_cast %get3A_1457 : i32 to index
      %get3A_1459 = arith.constant 32 : index
      %get3A_1460 = tpu.vector_load %arg10[%get3A_1458, %get3A_1459] {strides = array<i32>} : memref<5x64xf32, #tpu.memory_space<vmem>>, vector<1x16xf32>,
      %get3A_1461 = vector.shape_cast %get3A_1460 : vector<1x16xf32> to vector<16xf32>
      %mul3A_1462 = arith.mulf %get3A_1456, %get3A_1461 : vector<16xf32>
      %get3A_1463 = arith.constant 0 : i32
      %get3A_1464 = arith.index_cast %get3A_1463 : i32 to index
      %get3A_1465 = arith.constant 32 : index
      %get3A_1466 = tpu.vector_load %arg11[%get3A_1464, %get3A_1465] {strides = array<i32>} : memref<5x64xf32, #tpu.memory_space<vmem>>, vector<1x16xf32>,
      %get3A_1467 = vector.shape_cast %get3A_1466 : vector<1x16xf32> to vector<16xf32>
      %add3A_1468 = arith.addf %mul3A_1462, %get3A_1467 : vector<16xf32>
      %swap3A_1469 = arith.constant 2 : i32
      %swap3A_1470 = arith.constant 0 : i32
      %swap3A_1471 = arith.index_cast %swap3A_1469 : i32 to index
      %swap3A_1472 = arith.index_cast %swap3A_1470 : i32 to index
      %swap3A_1473 = arith.constant 32 : index
      %swap3A_1474 = tpu.vector_load %arg12[%swap3A_1471, %swap3A_1472, %swap3A_1473] {strides = array<i32>} : memref<4x200x64xf32, #tpu.memory_space<vmem>>, vector<1x1x16xf32>,
      %swap3A_1475 = vector.shape_cast %swap3A_1474 : vector<1x1x16xf32> to vector<16xf32>
      %swap3A_1476 = vector.shape_cast %add3A_1468 : vector<16xf32> to vector<1x1x16xf32>
      tpu.vector_store %arg12[%swap3A_1471, %swap3A_1472, %swap3A_1473], %swap3A_1476 {strides = array<i32>} : memref<4x200x64xf32, #tpu.memory_space<vmem>>, vector<1x1x16xf32>,
      %mul3A_1477 = arith.constant 5 : i32
      %mul3A_1478 = arith.muli %add3A_1353, %mul3A_1477 : i32
      %add3A_1479 = arith.constant 0 : i32
      %add3A_1480 = arith.addi %mul3A_1478, %add3A_1479 : i32
      %get3A_1481 = arith.index_cast %add3A_1480 : i32 to index
      %get3A_1482 = arith.constant 48 : index
      %get3A_1483 = tpu.vector_load %arg9[%get3A_1481, %get3A_1482] {strides = array<i32>} : memref<640x64xf32, #tpu.memory_space<vmem>>, vector<1x16xf32>,
      %get3A_1484 = vector.shape_cast %get3A_1483 : vector<1x16xf32> to vector<16xf32>
      %get3A_1485 = arith.constant 0 : i32
      %get3A_1486 = arith.index_cast %get3A_1485 : i32 to index
      %get3A_1487 = arith.constant 48 : index
      %get3A_1488 = tpu.vector_load %arg10[%get3A_1486, %get3A_1487] {strides = array<i32>} : memref<5x64xf32, #tpu.memory_space<vmem>>, vector<1x16xf32>,
      %get3A_1489 = vector.shape_cast %get3A_1488 : vector<1x16xf32> to vector<16xf32>
      %mul3A_1490 = arith.mulf %get3A_1484, %get3A_1489 : vector<16xf32>
      %get3A_1491 = arith.constant 0 : i32
      %get3A_1492 = arith.index_cast %get3A_1491 : i32 to index
      %get3A_1493 = arith.constant 48 : index
      %get3A_1494 = tpu.vector_load %arg11[%get3A_1492, %get3A_1493] {strides = array<i32>} : memref<5x64xf32, #tpu.memory_space<vmem>>, vector<1x16xf32>,
      %get3A_1495 = vector.shape_cast %get3A_1494 : vector<1x16xf32> to vector<16xf32>
      %add3A_1496 = arith.addf %mul3A_1490, %get3A_1495 : vector<16xf32>
      %swap3A_1497 = arith.constant 2 : i32
      %swap3A_1498 = arith.constant 0 : i32
      %swap3A_1499 = arith.index_cast %swap3A_1497 : i32 to index
      %swap3A_1500 = arith.index_cast %swap3A_1498 : i32 to index
      %swap3A_1501 = arith.constant 48 : index
      %swap3A_1502 = tpu.vector_load %arg12[%swap3A_1499, %swap3A_1500, %swap3A_1501] {strides = array<i32>} : memref<4x200x64xf32, #tpu.memory_space<vmem>>, vector<1x1x16xf32>,
      %swap3A_1503 = vector.shape_cast %swap3A_1502 : vector<1x1x16xf32> to vector<16xf32>
      %swap3A_1504 = vector.shape_cast %add3A_1496 : vector<16xf32> to vector<1x1x16xf32>
      tpu.vector_store %arg12[%swap3A_1499, %swap3A_1500, %swap3A_1501], %swap3A_1504 {strides = array<i32>} : memref<4x200x64xf32, #tpu.memory_space<vmem>>, vector<1x1x16xf32>,
      %mul3A_1505 = arith.constant 5 : i32
      %mul3A_1506 = arith.muli %add3A_1353, %mul3A_1505 : i32
      %add3A_1507 = arith.constant 1 : i32
      %add3A_1508 = arith.addi %mul3A_1506, %add3A_1507 : i32
      %get3A_1509 = arith.index_cast %add3A_1508 : i32 to index
      %get3A_1510 = arith.constant 0 : index
      %get3A_1511 = tpu.vector_load %arg9[%get3A_1509, %get3A_1510] {strides = array<i32>} : memref<640x64xf32, #tpu.memory_space<vmem>>, vector<1x16xf32>,
      %get3A_1512 = vector.shape_cast %get3A_1511 : vector<1x16xf32> to vector<16xf32>
      %get3A_1513 = arith.constant 1 : i32
      %get3A_1514 = arith.index_cast %get3A_1513 : i32 to index
      %get3A_1515 = arith.constant 0 : index
      %get3A_1516 = tpu.vector_load %arg10[%get3A_1514, %get3A_1515] {strides = array<i32>} : memref<5x64xf32, #tpu.memory_space<vmem>>, vector<1x16xf32>,
      %get3A_1517 = vector.shape_cast %get3A_1516 : vector<1x16xf32> to vector<16xf32>
      %mul3A_1518 = arith.mulf %get3A_1512, %get3A_1517 : vector<16xf32>
      %get3A_1519 = arith.constant 1 : i32
      %get3A_1520 = arith.index_cast %get3A_1519 : i32 to index
      %get3A_1521 = arith.constant 0 : index
      %get3A_1522 = tpu.vector_load %arg11[%get3A_1520, %get3A_1521] {strides = array<i32>} : memref<5x64xf32, #tpu.memory_space<vmem>>, vector<1x16xf32>,
      %get3A_1523 = vector.shape_cast %get3A_1522 : vector<1x16xf32> to vector<16xf32>
      %add3A_1524 = arith.addf %mul3A_1518, %get3A_1523 : vector<16xf32>
      %swap3A_1525 = arith.constant 2 : i32
      %swap3A_1526 = arith.constant 1 : i32
      %swap3A_1527 = arith.index_cast %swap3A_1525 : i32 to index
      %swap3A_1528 = arith.index_cast %swap3A_1526 : i32 to index
      %swap3A_1529 = arith.constant 0 : index
      %swap3A_1530 = tpu.vector_load %arg12[%swap3A_1527, %swap3A_1528, %swap3A_1529] {strides = array<i32>} : memref<4x200x64xf32, #tpu.memory_space<vmem>>, vector<1x1x16xf32>,
      %swap3A_1531 = vector.shape_cast %swap3A_1530 : vector<1x1x16xf32> to vector<16xf32>
      %swap3A_1532 = vector.shape_cast %add3A_1524 : vector<16xf32> to vector<1x1x16xf32>
      tpu.vector_store %arg12[%swap3A_1527, %swap3A_1528, %swap3A_1529], %swap3A_1532 {strides = array<i32>} : memref<4x200x64xf32, #tpu.memory_space<vmem>>, vector<1x1x16xf32>,
      %mul3A_1533 = arith.constant 5 : i32
      %mul3A_1534 = arith.muli %add3A_1353, %mul3A_1533 : i32
      %add3A_1535 = arith.constant 1 : i32
      %add3A_1536 = arith.addi %mul3A_1534, %add3A_1535 : i32
      %get3A_1537 = arith.index_cast %add3A_1536 : i32 to index
      %get3A_1538 = arith.constant 16 : index
      %get3A_1539 = tpu.vector_load %arg9[%get3A_1537, %get3A_1538] {strides = array<i32>} : memref<640x64xf32, #tpu.memory_space<vmem>>, vector<1x16xf32>,
      %get3A_1540 = vector.shape_cast %get3A_1539 : vector<1x16xf32> to vector<16xf32>
      %get3A_1541 = arith.constant 1 : i32
      %get3A_1542 = arith.index_cast %get3A_1541 : i32 to index
      %get3A_1543 = arith.constant 16 : index
      %get3A_1544 = tpu.vector_load %arg10[%get3A_1542, %get3A_1543] {strides = array<i32>} : memref<5x64xf32, #tpu.memory_space<vmem>>, vector<1x16xf32>,
      %get3A_1545 = vector.shape_cast %get3A_1544 : vector<1x16xf32> to vector<16xf32>
      %mul3A_1546 = arith.mulf %get3A_1540, %get3A_1545 : vector<16xf32>
      %get3A_1547 = arith.constant 1 : i32
      %get3A_1548 = arith.index_cast %get3A_1547 : i32 to index
      %get3A_1549 = arith.constant 16 : index
      %get3A_1550 = tpu.vector_load %arg11[%get3A_1548, %get3A_1549] {strides = array<i32>} : memref<5x64xf32, #tpu.memory_space<vmem>>, vector<1x16xf32>,
      %get3A_1551 = vector.shape_cast %get3A_1550 : vector<1x16xf32> to vector<16xf32>
      %add3A_1552 = arith.addf %mul3A_1546, %get3A_1551 : vector<16xf32>
      %swap3A_1553 = arith.constant 2 : i32
      %swap3A_1554 = arith.constant 1 : i32
      %swap3A_1555 = arith.index_cast %swap3A_1553 : i32 to index
      %swap3A_1556 = arith.index_cast %swap3A_1554 : i32 to index
      %swap3A_1557 = arith.constant 16 : index
      %swap3A_1558 = tpu.vector_load %arg12[%swap3A_1555, %swap3A_1556, %swap3A_1557] {strides = array<i32>} : memref<4x200x64xf32, #tpu.memory_space<vmem>>, vector<1x1x16xf32>,
      %swap3A_1559 = vector.shape_cast %swap3A_1558 : vector<1x1x16xf32> to vector<16xf32>
      %swap3A_1560 = vector.shape_cast %add3A_1552 : vector<16xf32> to vector<1x1x16xf32>
      tpu.vector_store %arg12[%swap3A_1555, %swap3A_1556, %swap3A_1557], %swap3A_1560 {strides = array<i32>} : memref<4x200x64xf32, #tpu.memory_space<vmem>>, vector<1x1x16xf32>,
      %mul3A_1561 = arith.constant 5 : i32
      %mul3A_1562 = arith.muli %add3A_1353, %mul3A_1561 : i32
      %add3A_1563 = arith.constant 1 : i32
      %add3A_1564 = arith.addi %mul3A_1562, %add3A_1563 : i32
      %get3A_1565 = arith.index_cast %add3A_1564 : i32 to index
      %get3A_1566 = arith.constant 32 : index
      %get3A_1567 = tpu.vector_load %arg9[%get3A_1565, %get3A_1566] {strides = array<i32>} : memref<640x64xf32, #tpu.memory_space<vmem>>, vector<1x16xf32>,
      %get3A_1568 = vector.shape_cast %get3A_1567 : vector<1x16xf32> to vector<16xf32>
      %get3A_1569 = arith.constant 1 : i32
      %get3A_1570 = arith.index_cast %get3A_1569 : i32 to index
      %get3A_1571 = arith.constant 32 : index
      %get3A_1572 = tpu.vector_load %arg10[%get3A_1570, %get3A_1571] {strides = array<i32>} : memref<5x64xf32, #tpu.memory_space<vmem>>, vector<1x16xf32>,
      %get3A_1573 = vector.shape_cast %get3A_1572 : vector<1x16xf32> to vector<16xf32>
      %mul3A_1574 = arith.mulf %get3A_1568, %get3A_1573 : vector<16xf32>
      %get3A_1575 = arith.constant 1 : i32
      %get3A_1576 = arith.index_cast %get3A_1575 : i32 to index
      %get3A_1577 = arith.constant 32 : index
      %get3A_1578 = tpu.vector_load %arg11[%get3A_1576, %get3A_1577] {strides = array<i32>} : memref<5x64xf32, #tpu.memory_space<vmem>>, vector<1x16xf32>,
      %get3A_1579 = vector.shape_cast %get3A_1578 : vector<1x16xf32> to vector<16xf32>
      %add3A_1580 = arith.addf %mul3A_1574, %get3A_1579 : vector<16xf32>
      %swap3A_1581 = arith.constant 2 : i32
      %swap3A_1582 = arith.constant 1 : i32
      %swap3A_1583 = arith.index_cast %swap3A_1581 : i32 to index
      %swap3A_1584 = arith.index_cast %swap3A_1582 : i32 to index
      %swap3A_1585 = arith.constant 32 : index
      %swap3A_1586 = tpu.vector_load %arg12[%swap3A_1583, %swap3A_1584, %swap3A_1585] {strides = array<i32>} : memref<4x200x64xf32, #tpu.memory_space<vmem>>, vector<1x1x16xf32>,
      %swap3A_1587 = vector.shape_cast %swap3A_1586 : vector<1x1x16xf32> to vector<16xf32>
      %swap3A_1588 = vector.shape_cast %add3A_1580 : vector<16xf32> to vector<1x1x16xf32>
      tpu.vector_store %arg12[%swap3A_1583, %swap3A_1584, %swap3A_1585], %swap3A_1588 {strides = array<i32>} : memref<4x200x64xf32, #tpu.memory_space<vmem>>, vector<1x1x16xf32>,
      %mul3A_1589 = arith.constant 5 : i32
      %mul3A_1590 = arith.muli %add3A_1353, %mul3A_1589 : i32
      %add3A_1591 = arith.constant 1 : i32
      %add3A_1592 = arith.addi %mul3A_1590, %add3A_1591 : i32
      %get3A_1593 = arith.index_cast %add3A_1592 : i32 to index
      %get3A_1594 = arith.constant 48 : index
      %get3A_1595 = tpu.vector_load %arg9[%get3A_1593, %get3A_1594] {strides = array<i32>} : memref<640x64xf32, #tpu.memory_space<vmem>>, vector<1x16xf32>,
      %get3A_1596 = vector.shape_cast %get3A_1595 : vector<1x16xf32> to vector<16xf32>
      %get3A_1597 = arith.constant 1 : i32
      %get3A_1598 = arith.index_cast %get3A_1597 : i32 to index
      %get3A_1599 = arith.constant 48 : index
      %get3A_1600 = tpu.vector_load %arg10[%get3A_1598, %get3A_1599] {strides = array<i32>} : memref<5x64xf32, #tpu.memory_space<vmem>>, vector<1x16xf32>,
      %get3A_1601 = vector.shape_cast %get3A_1600 : vector<1x16xf32> to vector<16xf32>
      %mul3A_1602 = arith.mulf %get3A_1596, %get3A_1601 : vector<16xf32>
      %get3A_1603 = arith.constant 1 : i32
      %get3A_1604 = arith.index_cast %get3A_1603 : i32 to index
      %get3A_1605 = arith.constant 48 : index
      %get3A_1606 = tpu.vector_load %arg11[%get3A_1604, %get3A_1605] {strides = array<i32>} : memref<5x64xf32, #tpu.memory_space<vmem>>, vector<1x16xf32>,
      %get3A_1607 = vector.shape_cast %get3A_1606 : vector<1x16xf32> to vector<16xf32>
      %add3A_1608 = arith.addf %mul3A_1602, %get3A_1607 : vector<16xf32>
      %swap3A_1609 = arith.constant 2 : i32
      %swap3A_1610 = arith.constant 1 : i32
      %swap3A_1611 = arith.index_cast %swap3A_1609 : i32 to index
      %swap3A_1612 = arith.index_cast %swap3A_1610 : i32 to index
      %swap3A_1613 = arith.constant 48 : index
      %swap3A_1614 = tpu.vector_load %arg12[%swap3A_1611, %swap3A_1612, %swap3A_1613] {strides = array<i32>} : memref<4x200x64xf32, #tpu.memory_space<vmem>>, vector<1x1x16xf32>,
      %swap3A_1615 = vector.shape_cast %swap3A_1614 : vector<1x1x16xf32> to vector<16xf32>
      %swap3A_1616 = vector.shape_cast %add3A_1608 : vector<16xf32> to vector<1x1x16xf32>
      tpu.vector_store %arg12[%swap3A_1611, %swap3A_1612, %swap3A_1613], %swap3A_1616 {strides = array<i32>} : memref<4x200x64xf32, #tpu.memory_space<vmem>>, vector<1x1x16xf32>,
      %mul3A_1617 = arith.constant 5 : i32
      %mul3A_1618 = arith.muli %add3A_1353, %mul3A_1617 : i32
      %add3A_1619 = arith.constant 2 : i32
      %add3A_1620 = arith.addi %mul3A_1618, %add3A_1619 : i32
      %get3A_1621 = arith.index_cast %add3A_1620 : i32 to index
      %get3A_1622 = arith.constant 0 : index
      %get3A_1623 = tpu.vector_load %arg9[%get3A_1621, %get3A_1622] {strides = array<i32>} : memref<640x64xf32, #tpu.memory_space<vmem>>, vector<1x16xf32>,
      %get3A_1624 = vector.shape_cast %get3A_1623 : vector<1x16xf32> to vector<16xf32>
      %get3A_1625 = arith.constant 2 : i32
      %get3A_1626 = arith.index_cast %get3A_1625 : i32 to index
      %get3A_1627 = arith.constant 0 : index
      %get3A_1628 = tpu.vector_load %arg10[%get3A_1626, %get3A_1627] {strides = array<i32>} : memref<5x64xf32, #tpu.memory_space<vmem>>, vector<1x16xf32>,
      %get3A_1629 = vector.shape_cast %get3A_1628 : vector<1x16xf32> to vector<16xf32>
      %mul3A_1630 = arith.mulf %get3A_1624, %get3A_1629 : vector<16xf32>
      %get3A_1631 = arith.constant 2 : i32
      %get3A_1632 = arith.index_cast %get3A_1631 : i32 to index
      %get3A_1633 = arith.constant 0 : index
      %get3A_1634 = tpu.vector_load %arg11[%get3A_1632, %get3A_1633] {strides = array<i32>} : memref<5x64xf32, #tpu.memory_space<vmem>>, vector<1x16xf32>,
      %get3A_1635 = vector.shape_cast %get3A_1634 : vector<1x16xf32> to vector<16xf32>
      %add3A_1636 = arith.addf %mul3A_1630, %get3A_1635 : vector<16xf32>
      %swap3A_1637 = arith.constant 2 : i32
      %swap3A_1638 = arith.constant 2 : i32
      %swap3A_1639 = arith.index_cast %swap3A_1637 : i32 to index
      %swap3A_1640 = arith.index_cast %swap3A_1638 : i32 to index
      %swap3A_1641 = arith.constant 0 : index
      %swap3A_1642 = tpu.vector_load %arg12[%swap3A_1639, %swap3A_1640, %swap3A_1641] {strides = array<i32>} : memref<4x200x64xf32, #tpu.memory_space<vmem>>, vector<1x1x16xf32>,
      %swap3A_1643 = vector.shape_cast %swap3A_1642 : vector<1x1x16xf32> to vector<16xf32>
      %swap3A_1644 = vector.shape_cast %add3A_1636 : vector<16xf32> to vector<1x1x16xf32>
      tpu.vector_store %arg12[%swap3A_1639, %swap3A_1640, %swap3A_1641], %swap3A_1644 {strides = array<i32>} : memref<4x200x64xf32, #tpu.memory_space<vmem>>, vector<1x1x16xf32>,
      %mul3A_1645 = arith.constant 5 : i32
      %mul3A_1646 = arith.muli %add3A_1353, %mul3A_1645 : i32
      %add3A_1647 = arith.constant 2 : i32
      %add3A_1648 = arith.addi %mul3A_1646, %add3A_1647 : i32
      %get3A_1649 = arith.index_cast %add3A_1648 : i32 to index
      %get3A_1650 = arith.constant 16 : index
      %get3A_1651 = tpu.vector_load %arg9[%get3A_1649, %get3A_1650] {strides = array<i32>} : memref<640x64xf32, #tpu.memory_space<vmem>>, vector<1x16xf32>,
      %get3A_1652 = vector.shape_cast %get3A_1651 : vector<1x16xf32> to vector<16xf32>
      %get3A_1653 = arith.constant 2 : i32
      %get3A_1654 = arith.index_cast %get3A_1653 : i32 to index
      %get3A_1655 = arith.constant 16 : index
      %get3A_1656 = tpu.vector_load %arg10[%get3A_1654, %get3A_1655] {strides = array<i32>} : memref<5x64xf32, #tpu.memory_space<vmem>>, vector<1x16xf32>,
      %get3A_1657 = vector.shape_cast %get3A_1656 : vector<1x16xf32> to vector<16xf32>
      %mul3A_1658 = arith.mulf %get3A_1652, %get3A_1657 : vector<16xf32>
      %get3A_1659 = arith.constant 2 : i32
      %get3A_1660 = arith.index_cast %get3A_1659 : i32 to index
      %get3A_1661 = arith.constant 16 : index
      %get3A_1662 = tpu.vector_load %arg11[%get3A_1660, %get3A_1661] {strides = array<i32>} : memref<5x64xf32, #tpu.memory_space<vmem>>, vector<1x16xf32>,
      %get3A_1663 = vector.shape_cast %get3A_1662 : vector<1x16xf32> to vector<16xf32>
      %add3A_1664 = arith.addf %mul3A_1658, %get3A_1663 : vector<16xf32>
      %swap3A_1665 = arith.constant 2 : i32
      %swap3A_1666 = arith.constant 2 : i32
      %swap3A_1667 = arith.index_cast %swap3A_1665 : i32 to index
      %swap3A_1668 = arith.index_cast %swap3A_1666 : i32 to index
      %swap3A_1669 = arith.constant 16 : index
      %swap3A_1670 = tpu.vector_load %arg12[%swap3A_1667, %swap3A_1668, %swap3A_1669] {strides = array<i32>} : memref<4x200x64xf32, #tpu.memory_space<vmem>>, vector<1x1x16xf32>,
      %swap3A_1671 = vector.shape_cast %swap3A_1670 : vector<1x1x16xf32> to vector<16xf32>
      %swap3A_1672 = vector.shape_cast %add3A_1664 : vector<16xf32> to vector<1x1x16xf32>
      tpu.vector_store %arg12[%swap3A_1667, %swap3A_1668, %swap3A_1669], %swap3A_1672 {strides = array<i32>} : memref<4x200x64xf32, #tpu.memory_space<vmem>>, vector<1x1x16xf32>,
      %mul3A_1673 = arith.constant 5 : i32
      %mul3A_1674 = arith.muli %add3A_1353, %mul3A_1673 : i32
      %add3A_1675 = arith.constant 2 : i32
      %add3A_1676 = arith.addi %mul3A_1674, %add3A_1675 : i32
      %get3A_1677 = arith.index_cast %add3A_1676 : i32 to index
      %get3A_1678 = arith.constant 32 : index
      %get3A_1679 = tpu.vector_load %arg9[%get3A_1677, %get3A_1678] {strides = array<i32>} : memref<640x64xf32, #tpu.memory_space<vmem>>, vector<1x16xf32>,
      %get3A_1680 = vector.shape_cast %get3A_1679 : vector<1x16xf32> to vector<16xf32>
      %get3A_1681 = arith.constant 2 : i32
      %get3A_1682 = arith.index_cast %get3A_1681 : i32 to index
      %get3A_1683 = arith.constant 32 : index
      %get3A_1684 = tpu.vector_load %arg10[%get3A_1682, %get3A_1683] {strides = array<i32>} : memref<5x64xf32, #tpu.memory_space<vmem>>, vector<1x16xf32>,
      %get3A_1685 = vector.shape_cast %get3A_1684 : vector<1x16xf32> to vector<16xf32>
      %mul3A_1686 = arith.mulf %get3A_1680, %get3A_1685 : vector<16xf32>
      %get3A_1687 = arith.constant 2 : i32
      %get3A_1688 = arith.index_cast %get3A_1687 : i32 to index
      %get3A_1689 = arith.constant 32 : index
      %get3A_1690 = tpu.vector_load %arg11[%get3A_1688, %get3A_1689] {strides = array<i32>} : memref<5x64xf32, #tpu.memory_space<vmem>>, vector<1x16xf32>,
      %get3A_1691 = vector.shape_cast %get3A_1690 : vector<1x16xf32> to vector<16xf32>
      %add3A_1692 = arith.addf %mul3A_1686, %get3A_1691 : vector<16xf32>
      %swap3A_1693 = arith.constant 2 : i32
      %swap3A_1694 = arith.constant 2 : i32
      %swap3A_1695 = arith.index_cast %swap3A_1693 : i32 to index
      %swap3A_1696 = arith.index_cast %swap3A_1694 : i32 to index
      %swap3A_1697 = arith.constant 32 : index
      %swap3A_1698 = tpu.vector_load %arg12[%swap3A_1695, %swap3A_1696, %swap3A_1697] {strides = array<i32>} : memref<4x200x64xf32, #tpu.memory_space<vmem>>, vector<1x1x16xf32>,
      %swap3A_1699 = vector.shape_cast %swap3A_1698 : vector<1x1x16xf32> to vector<16xf32>
      %swap3A_1700 = vector.shape_cast %add3A_1692 : vector<16xf32> to vector<1x1x16xf32>
      tpu.vector_store %arg12[%swap3A_1695, %swap3A_1696, %swap3A_1697], %swap3A_1700 {strides = array<i32>} : memref<4x200x64xf32, #tpu.memory_space<vmem>>, vector<1x1x16xf32>,
      %mul3A_1701 = arith.constant 5 : i32
      %mul3A_1702 = arith.muli %add3A_1353, %mul3A_1701 : i32
      %add3A_1703 = arith.constant 2 : i32
      %add3A_1704 = arith.addi %mul3A_1702, %add3A_1703 : i32
      %get3A_1705 = arith.index_cast %add3A_1704 : i32 to index
      %get3A_1706 = arith.constant 48 : index
      %get3A_1707 = tpu.vector_load %arg9[%get3A_1705, %get3A_1706] {strides = array<i32>} : memref<640x64xf32, #tpu.memory_space<vmem>>, vector<1x16xf32>,
      %get3A_1708 = vector.shape_cast %get3A_1707 : vector<1x16xf32> to vector<16xf32>
      %get3A_1709 = arith.constant 2 : i32
      %get3A_1710 = arith.index_cast %get3A_1709 : i32 to index
      %get3A_1711 = arith.constant 48 : index
      %get3A_1712 = tpu.vector_load %arg10[%get3A_1710, %get3A_1711] {strides = array<i32>} : memref<5x64xf32, #tpu.memory_space<vmem>>, vector<1x16xf32>,
      %get3A_1713 = vector.shape_cast %get3A_1712 : vector<1x16xf32> to vector<16xf32>
      %mul3A_1714 = arith.mulf %get3A_1708, %get3A_1713 : vector<16xf32>
      %get3A_1715 = arith.constant 2 : i32
      %get3A_1716 = arith.index_cast %get3A_1715 : i32 to index
      %get3A_1717 = arith.constant 48 : index
      %get3A_1718 = tpu.vector_load %arg11[%get3A_1716, %get3A_1717] {strides = array<i32>} : memref<5x64xf32, #tpu.memory_space<vmem>>, vector<1x16xf32>,
      %get3A_1719 = vector.shape_cast %get3A_1718 : vector<1x16xf32> to vector<16xf32>
      %add3A_1720 = arith.addf %mul3A_1714, %get3A_1719 : vector<16xf32>
      %swap3A_1721 = arith.constant 2 : i32
      %swap3A_1722 = arith.constant 2 : i32
      %swap3A_1723 = arith.index_cast %swap3A_1721 : i32 to index
      %swap3A_1724 = arith.index_cast %swap3A_1722 : i32 to index
      %swap3A_1725 = arith.constant 48 : index
      %swap3A_1726 = tpu.vector_load %arg12[%swap3A_1723, %swap3A_1724, %swap3A_1725] {strides = array<i32>} : memref<4x200x64xf32, #tpu.memory_space<vmem>>, vector<1x1x16xf32>,
      %swap3A_1727 = vector.shape_cast %swap3A_1726 : vector<1x1x16xf32> to vector<16xf32>
      %swap3A_1728 = vector.shape_cast %add3A_1720 : vector<16xf32> to vector<1x1x16xf32>
      tpu.vector_store %arg12[%swap3A_1723, %swap3A_1724, %swap3A_1725], %swap3A_1728 {strides = array<i32>} : memref<4x200x64xf32, #tpu.memory_space<vmem>>, vector<1x1x16xf32>,
      %mul3A_1729 = arith.constant 5 : i32
      %mul3A_1730 = arith.muli %add3A_1353, %mul3A_1729 : i32
      %add3A_1731 = arith.constant 3 : i32
      %add3A_1732 = arith.addi %mul3A_1730, %add3A_1731 : i32
      %get3A_1733 = arith.index_cast %add3A_1732 : i32 to index
      %get3A_1734 = arith.constant 0 : index
      %get3A_1735 = tpu.vector_load %arg9[%get3A_1733, %get3A_1734] {strides = array<i32>} : memref<640x64xf32, #tpu.memory_space<vmem>>, vector<1x16xf32>,
      %get3A_1736 = vector.shape_cast %get3A_1735 : vector<1x16xf32> to vector<16xf32>
      %get3A_1737 = arith.constant 3 : i32
      %get3A_1738 = arith.index_cast %get3A_1737 : i32 to index
      %get3A_1739 = arith.constant 0 : index
      %get3A_1740 = tpu.vector_load %arg10[%get3A_1738, %get3A_1739] {strides = array<i32>} : memref<5x64xf32, #tpu.memory_space<vmem>>, vector<1x16xf32>,
      %get3A_1741 = vector.shape_cast %get3A_1740 : vector<1x16xf32> to vector<16xf32>
      %mul3A_1742 = arith.mulf %get3A_1736, %get3A_1741 : vector<16xf32>
      %get3A_1743 = arith.constant 3 : i32
      %get3A_1744 = arith.index_cast %get3A_1743 : i32 to index
      %get3A_1745 = arith.constant 0 : index
      %get3A_1746 = tpu.vector_load %arg11[%get3A_1744, %get3A_1745] {strides = array<i32>} : memref<5x64xf32, #tpu.memory_space<vmem>>, vector<1x16xf32>,
      %get3A_1747 = vector.shape_cast %get3A_1746 : vector<1x16xf32> to vector<16xf32>
      %add3A_1748 = arith.addf %mul3A_1742, %get3A_1747 : vector<16xf32>
      %swap3A_1749 = arith.constant 2 : i32
      %swap3A_1750 = arith.constant 3 : i32
      %swap3A_1751 = arith.index_cast %swap3A_1749 : i32 to index
      %swap3A_1752 = arith.index_cast %swap3A_1750 : i32 to index
      %swap3A_1753 = arith.constant 0 : index
      %swap3A_1754 = tpu.vector_load %arg12[%swap3A_1751, %swap3A_1752, %swap3A_1753] {strides = array<i32>} : memref<4x200x64xf32, #tpu.memory_space<vmem>>, vector<1x1x16xf32>,
      %swap3A_1755 = vector.shape_cast %swap3A_1754 : vector<1x1x16xf32> to vector<16xf32>
      %swap3A_1756 = vector.shape_cast %add3A_1748 : vector<16xf32> to vector<1x1x16xf32>
      tpu.vector_store %arg12[%swap3A_1751, %swap3A_1752, %swap3A_1753], %swap3A_1756 {strides = array<i32>} : memref<4x200x64xf32, #tpu.memory_space<vmem>>, vector<1x1x16xf32>,
      %mul3A_1757 = arith.constant 5 : i32
      %mul3A_1758 = arith.muli %add3A_1353, %mul3A_1757 : i32
      %add3A_1759 = arith.constant 3 : i32
      %add3A_1760 = arith.addi %mul3A_1758, %add3A_1759 : i32
      %get3A_1761 = arith.index_cast %add3A_1760 : i32 to index
      %get3A_1762 = arith.constant 16 : index
      %get3A_1763 = tpu.vector_load %arg9[%get3A_1761, %get3A_1762] {strides = array<i32>} : memref<640x64xf32, #tpu.memory_space<vmem>>, vector<1x16xf32>,
      %get3A_1764 = vector.shape_cast %get3A_1763 : vector<1x16xf32> to vector<16xf32>
      %get3A_1765 = arith.constant 3 : i32
      %get3A_1766 = arith.index_cast %get3A_1765 : i32 to index
      %get3A_1767 = arith.constant 16 : index
      %get3A_1768 = tpu.vector_load %arg10[%get3A_1766, %get3A_1767] {strides = array<i32>} : memref<5x64xf32, #tpu.memory_space<vmem>>, vector<1x16xf32>,
      %get3A_1769 = vector.shape_cast %get3A_1768 : vector<1x16xf32> to vector<16xf32>
      %mul3A_1770 = arith.mulf %get3A_1764, %get3A_1769 : vector<16xf32>
      %get3A_1771 = arith.constant 3 : i32
      %get3A_1772 = arith.index_cast %get3A_1771 : i32 to index
      %get3A_1773 = arith.constant 16 : index
      %get3A_1774 = tpu.vector_load %arg11[%get3A_1772, %get3A_1773] {strides = array<i32>} : memref<5x64xf32, #tpu.memory_space<vmem>>, vector<1x16xf32>,
      %get3A_1775 = vector.shape_cast %get3A_1774 : vector<1x16xf32> to vector<16xf32>
      %add3A_1776 = arith.addf %mul3A_1770, %get3A_1775 : vector<16xf32>
      %swap3A_1777 = arith.constant 2 : i32
      %swap3A_1778 = arith.constant 3 : i32
      %swap3A_1779 = arith.index_cast %swap3A_1777 : i32 to index
      %swap3A_1780 = arith.index_cast %swap3A_1778 : i32 to index
      %swap3A_1781 = arith.constant 16 : index
      %swap3A_1782 = tpu.vector_load %arg12[%swap3A_1779, %swap3A_1780, %swap3A_1781] {strides = array<i32>} : memref<4x200x64xf32, #tpu.memory_space<vmem>>, vector<1x1x16xf32>,
      %swap3A_1783 = vector.shape_cast %swap3A_1782 : vector<1x1x16xf32> to vector<16xf32>
      %swap3A_1784 = vector.shape_cast %add3A_1776 : vector<16xf32> to vector<1x1x16xf32>
      tpu.vector_store %arg12[%swap3A_1779, %swap3A_1780, %swap3A_1781], %swap3A_1784 {strides = array<i32>} : memref<4x200x64xf32, #tpu.memory_space<vmem>>, vector<1x1x16xf32>,
      %mul3A_1785 = arith.constant 5 : i32
      %mul3A_1786 = arith.muli %add3A_1353, %mul3A_1785 : i32
      %add3A_1787 = arith.constant 3 : i32
      %add3A_1788 = arith.addi %mul3A_1786, %add3A_1787 : i32
      %get3A_1789 = arith.index_cast %add3A_1788 : i32 to index
      %get3A_1790 = arith.constant 32 : index
      %get3A_1791 = tpu.vector_load %arg9[%get3A_1789, %get3A_1790] {strides = array<i32>} : memref<640x64xf32, #tpu.memory_space<vmem>>, vector<1x16xf32>,
      %get3A_1792 = vector.shape_cast %get3A_1791 : vector<1x16xf32> to vector<16xf32>
      %get3A_1793 = arith.constant 3 : i32
      %get3A_1794 = arith.index_cast %get3A_1793 : i32 to index
      %get3A_1795 = arith.constant 32 : index
      %get3A_1796 = tpu.vector_load %arg10[%get3A_1794, %get3A_1795] {strides = array<i32>} : memref<5x64xf32, #tpu.memory_space<vmem>>, vector<1x16xf32>,
      %get3A_1797 = vector.shape_cast %get3A_1796 : vector<1x16xf32> to vector<16xf32>
      %mul3A_1798 = arith.mulf %get3A_1792, %get3A_1797 : vector<16xf32>
      %get3A_1799 = arith.constant 3 : i32
      %get3A_1800 = arith.index_cast %get3A_1799 : i32 to index
      %get3A_1801 = arith.constant 32 : index
      %get3A_1802 = tpu.vector_load %arg11[%get3A_1800, %get3A_1801] {strides = array<i32>} : memref<5x64xf32, #tpu.memory_space<vmem>>, vector<1x16xf32>,
      %get3A_1803 = vector.shape_cast %get3A_1802 : vector<1x16xf32> to vector<16xf32>
      %add3A_1804 = arith.addf %mul3A_1798, %get3A_1803 : vector<16xf32>
      %swap3A_1805 = arith.constant 2 : i32
      %swap3A_1806 = arith.constant 3 : i32
      %swap3A_1807 = arith.index_cast %swap3A_1805 : i32 to index
      %swap3A_1808 = arith.index_cast %swap3A_1806 : i32 to index
      %swap3A_1809 = arith.constant 32 : index
      %swap3A_1810 = tpu.vector_load %arg12[%swap3A_1807, %swap3A_1808, %swap3A_1809] {strides = array<i32>} : memref<4x200x64xf32, #tpu.memory_space<vmem>>, vector<1x1x16xf32>,
      %swap3A_1811 = vector.shape_cast %swap3A_1810 : vector<1x1x16xf32> to vector<16xf32>
      %swap3A_1812 = vector.shape_cast %add3A_1804 : vector<16xf32> to vector<1x1x16xf32>
      tpu.vector_store %arg12[%swap3A_1807, %swap3A_1808, %swap3A_1809], %swap3A_1812 {strides = array<i32>} : memref<4x200x64xf32, #tpu.memory_space<vmem>>, vector<1x1x16xf32>,
      %mul3A_1813 = arith.constant 5 : i32
      %mul3A_1814 = arith.muli %add3A_1353, %mul3A_1813 : i32
      %add3A_1815 = arith.constant 3 : i32
      %add3A_1816 = arith.addi %mul3A_1814, %add3A_1815 : i32
      %get3A_1817 = arith.index_cast %add3A_1816 : i32 to index
      %get3A_1818 = arith.constant 48 : index
      %get3A_1819 = tpu.vector_load %arg9[%get3A_1817, %get3A_1818] {strides = array<i32>} : memref<640x64xf32, #tpu.memory_space<vmem>>, vector<1x16xf32>,
      %get3A_1820 = vector.shape_cast %get3A_1819 : vector<1x16xf32> to vector<16xf32>
      %get3A_1821 = arith.constant 3 : i32
      %get3A_1822 = arith.index_cast %get3A_1821 : i32 to index
      %get3A_1823 = arith.constant 48 : index
      %get3A_1824 = tpu.vector_load %arg10[%get3A_1822, %get3A_1823] {strides = array<i32>} : memref<5x64xf32, #tpu.memory_space<vmem>>, vector<1x16xf32>,
      %get3A_1825 = vector.shape_cast %get3A_1824 : vector<1x16xf32> to vector<16xf32>
      %mul3A_1826 = arith.mulf %get3A_1820, %get3A_1825 : vector<16xf32>
      %get3A_1827 = arith.constant 3 : i32
      %get3A_1828 = arith.index_cast %get3A_1827 : i32 to index
      %get3A_1829 = arith.constant 48 : index
      %get3A_1830 = tpu.vector_load %arg11[%get3A_1828, %get3A_1829] {strides = array<i32>} : memref<5x64xf32, #tpu.memory_space<vmem>>, vector<1x16xf32>,
      %get3A_1831 = vector.shape_cast %get3A_1830 : vector<1x16xf32> to vector<16xf32>
      %add3A_1832 = arith.addf %mul3A_1826, %get3A_1831 : vector<16xf32>
      %swap3A_1833 = arith.constant 2 : i32
      %swap3A_1834 = arith.constant 3 : i32
      %swap3A_1835 = arith.index_cast %swap3A_1833 : i32 to index
      %swap3A_1836 = arith.index_cast %swap3A_1834 : i32 to index
      %swap3A_1837 = arith.constant 48 : index
      %swap3A_1838 = tpu.vector_load %arg12[%swap3A_1835, %swap3A_1836, %swap3A_1837] {strides = array<i32>} : memref<4x200x64xf32, #tpu.memory_space<vmem>>, vector<1x1x16xf32>,
      %swap3A_1839 = vector.shape_cast %swap3A_1838 : vector<1x1x16xf32> to vector<16xf32>
      %swap3A_1840 = vector.shape_cast %add3A_1832 : vector<16xf32> to vector<1x1x16xf32>
      tpu.vector_store %arg12[%swap3A_1835, %swap3A_1836, %swap3A_1837], %swap3A_1840 {strides = array<i32>} : memref<4x200x64xf32, #tpu.memory_space<vmem>>, vector<1x1x16xf32>,
      %mul3A_1841 = arith.constant 5 : i32
      %mul3A_1842 = arith.muli %add3A_1353, %mul3A_1841 : i32
      %add3A_1843 = arith.constant 4 : i32
      %add3A_1844 = arith.addi %mul3A_1842, %add3A_1843 : i32
      %get3A_1845 = arith.index_cast %add3A_1844 : i32 to index
      %get3A_1846 = arith.constant 0 : index
      %get3A_1847 = tpu.vector_load %arg9[%get3A_1845, %get3A_1846] {strides = array<i32>} : memref<640x64xf32, #tpu.memory_space<vmem>>, vector<1x16xf32>,
      %get3A_1848 = vector.shape_cast %get3A_1847 : vector<1x16xf32> to vector<16xf32>
      %get3A_1849 = arith.constant 4 : i32
      %get3A_1850 = arith.index_cast %get3A_1849 : i32 to index
      %get3A_1851 = arith.constant 0 : index
      %get3A_1852 = tpu.vector_load %arg10[%get3A_1850, %get3A_1851] {strides = array<i32>} : memref<5x64xf32, #tpu.memory_space<vmem>>, vector<1x16xf32>,
      %get3A_1853 = vector.shape_cast %get3A_1852 : vector<1x16xf32> to vector<16xf32>
      %mul3A_1854 = arith.mulf %get3A_1848, %get3A_1853 : vector<16xf32>
      %get3A_1855 = arith.constant 4 : i32
      %get3A_1856 = arith.index_cast %get3A_1855 : i32 to index
      %get3A_1857 = arith.constant 0 : index
      %get3A_1858 = tpu.vector_load %arg11[%get3A_1856, %get3A_1857] {strides = array<i32>} : memref<5x64xf32, #tpu.memory_space<vmem>>, vector<1x16xf32>,
      %get3A_1859 = vector.shape_cast %get3A_1858 : vector<1x16xf32> to vector<16xf32>
      %add3A_1860 = arith.addf %mul3A_1854, %get3A_1859 : vector<16xf32>
      %swap3A_1861 = arith.constant 2 : i32
      %swap3A_1862 = arith.constant 4 : i32
      %swap3A_1863 = arith.index_cast %swap3A_1861 : i32 to index
      %swap3A_1864 = arith.index_cast %swap3A_1862 : i32 to index
      %swap3A_1865 = arith.constant 0 : index
      %swap3A_1866 = tpu.vector_load %arg12[%swap3A_1863, %swap3A_1864, %swap3A_1865] {strides = array<i32>} : memref<4x200x64xf32, #tpu.memory_space<vmem>>, vector<1x1x16xf32>,
      %swap3A_1867 = vector.shape_cast %swap3A_1866 : vector<1x1x16xf32> to vector<16xf32>
      %swap3A_1868 = vector.shape_cast %add3A_1860 : vector<16xf32> to vector<1x1x16xf32>
      tpu.vector_store %arg12[%swap3A_1863, %swap3A_1864, %swap3A_1865], %swap3A_1868 {strides = array<i32>} : memref<4x200x64xf32, #tpu.memory_space<vmem>>, vector<1x1x16xf32>,
      %mul3A_1869 = arith.constant 5 : i32
      %mul3A_1870 = arith.muli %add3A_1353, %mul3A_1869 : i32
      %add3A_1871 = arith.constant 4 : i32
      %add3A_1872 = arith.addi %mul3A_1870, %add3A_1871 : i32
      %get3A_1873 = arith.index_cast %add3A_1872 : i32 to index
      %get3A_1874 = arith.constant 16 : index
      %get3A_1875 = tpu.vector_load %arg9[%get3A_1873, %get3A_1874] {strides = array<i32>} : memref<640x64xf32, #tpu.memory_space<vmem>>, vector<1x16xf32>,
      %get3A_1876 = vector.shape_cast %get3A_1875 : vector<1x16xf32> to vector<16xf32>
      %get3A_1877 = arith.constant 4 : i32
      %get3A_1878 = arith.index_cast %get3A_1877 : i32 to index
      %get3A_1879 = arith.constant 16 : index
      %get3A_1880 = tpu.vector_load %arg10[%get3A_1878, %get3A_1879] {strides = array<i32>} : memref<5x64xf32, #tpu.memory_space<vmem>>, vector<1x16xf32>,
      %get3A_1881 = vector.shape_cast %get3A_1880 : vector<1x16xf32> to vector<16xf32>
      %mul3A_1882 = arith.mulf %get3A_1876, %get3A_1881 : vector<16xf32>
      %get3A_1883 = arith.constant 4 : i32
      %get3A_1884 = arith.index_cast %get3A_1883 : i32 to index
      %get3A_1885 = arith.constant 16 : index
      %get3A_1886 = tpu.vector_load %arg11[%get3A_1884, %get3A_1885] {strides = array<i32>} : memref<5x64xf32, #tpu.memory_space<vmem>>, vector<1x16xf32>,
      %get3A_1887 = vector.shape_cast %get3A_1886 : vector<1x16xf32> to vector<16xf32>
      %add3A_1888 = arith.addf %mul3A_1882, %get3A_1887 : vector<16xf32>
      %swap3A_1889 = arith.constant 2 : i32
      %swap3A_1890 = arith.constant 4 : i32
      %swap3A_1891 = arith.index_cast %swap3A_1889 : i32 to index
      %swap3A_1892 = arith.index_cast %swap3A_1890 : i32 to index
      %swap3A_1893 = arith.constant 16 : index
      %swap3A_1894 = tpu.vector_load %arg12[%swap3A_1891, %swap3A_1892, %swap3A_1893] {strides = array<i32>} : memref<4x200x64xf32, #tpu.memory_space<vmem>>, vector<1x1x16xf32>,
      %swap3A_1895 = vector.shape_cast %swap3A_1894 : vector<1x1x16xf32> to vector<16xf32>
      %swap3A_1896 = vector.shape_cast %add3A_1888 : vector<16xf32> to vector<1x1x16xf32>
      tpu.vector_store %arg12[%swap3A_1891, %swap3A_1892, %swap3A_1893], %swap3A_1896 {strides = array<i32>} : memref<4x200x64xf32, #tpu.memory_space<vmem>>, vector<1x1x16xf32>,
      %mul3A_1897 = arith.constant 5 : i32
      %mul3A_1898 = arith.muli %add3A_1353, %mul3A_1897 : i32
      %add3A_1899 = arith.constant 4 : i32
      %add3A_1900 = arith.addi %mul3A_1898, %add3A_1899 : i32
      %get3A_1901 = arith.index_cast %add3A_1900 : i32 to index
      %get3A_1902 = arith.constant 32 : index
      %get3A_1903 = tpu.vector_load %arg9[%get3A_1901, %get3A_1902] {strides = array<i32>} : memref<640x64xf32, #tpu.memory_space<vmem>>, vector<1x16xf32>,
      %get3A_1904 = vector.shape_cast %get3A_1903 : vector<1x16xf32> to vector<16xf32>
      %get3A_1905 = arith.constant 4 : i32
      %get3A_1906 = arith.index_cast %get3A_1905 : i32 to index
      %get3A_1907 = arith.constant 32 : index
      %get3A_1908 = tpu.vector_load %arg10[%get3A_1906, %get3A_1907] {strides = array<i32>} : memref<5x64xf32, #tpu.memory_space<vmem>>, vector<1x16xf32>,
      %get3A_1909 = vector.shape_cast %get3A_1908 : vector<1x16xf32> to vector<16xf32>
      %mul3A_1910 = arith.mulf %get3A_1904, %get3A_1909 : vector<16xf32>
      %get3A_1911 = arith.constant 4 : i32
      %get3A_1912 = arith.index_cast %get3A_1911 : i32 to index
      %get3A_1913 = arith.constant 32 : index
      %get3A_1914 = tpu.vector_load %arg11[%get3A_1912, %get3A_1913] {strides = array<i32>} : memref<5x64xf32, #tpu.memory_space<vmem>>, vector<1x16xf32>,
      %get3A_1915 = vector.shape_cast %get3A_1914 : vector<1x16xf32> to vector<16xf32>
      %add3A_1916 = arith.addf %mul3A_1910, %get3A_1915 : vector<16xf32>
      %swap3A_1917 = arith.constant 2 : i32
      %swap3A_1918 = arith.constant 4 : i32
      %swap3A_1919 = arith.index_cast %swap3A_1917 : i32 to index
      %swap3A_1920 = arith.index_cast %swap3A_1918 : i32 to index
      %swap3A_1921 = arith.constant 32 : index
      %swap3A_1922 = tpu.vector_load %arg12[%swap3A_1919, %swap3A_1920, %swap3A_1921] {strides = array<i32>} : memref<4x200x64xf32, #tpu.memory_space<vmem>>, vector<1x1x16xf32>,
      %swap3A_1923 = vector.shape_cast %swap3A_1922 : vector<1x1x16xf32> to vector<16xf32>
      %swap3A_1924 = vector.shape_cast %add3A_1916 : vector<16xf32> to vector<1x1x16xf32>
      tpu.vector_store %arg12[%swap3A_1919, %swap3A_1920, %swap3A_1921], %swap3A_1924 {strides = array<i32>} : memref<4x200x64xf32, #tpu.memory_space<vmem>>, vector<1x1x16xf32>,
      %mul3A_1925 = arith.constant 5 : i32
      %mul3A_1926 = arith.muli %add3A_1353, %mul3A_1925 : i32
      %add3A_1927 = arith.constant 4 : i32
      %add3A_1928 = arith.addi %mul3A_1926, %add3A_1927 : i32
      %get3A_1929 = arith.index_cast %add3A_1928 : i32 to index
      %get3A_1930 = arith.constant 48 : index
      %get3A_1931 = tpu.vector_load %arg9[%get3A_1929, %get3A_1930] {strides = array<i32>} : memref<640x64xf32, #tpu.memory_space<vmem>>, vector<1x16xf32>,
      %get3A_1932 = vector.shape_cast %get3A_1931 : vector<1x16xf32> to vector<16xf32>
      %get3A_1933 = arith.constant 4 : i32
      %get3A_1934 = arith.index_cast %get3A_1933 : i32 to index
      %get3A_1935 = arith.constant 48 : index
      %get3A_1936 = tpu.vector_load %arg10[%get3A_1934, %get3A_1935] {strides = array<i32>} : memref<5x64xf32, #tpu.memory_space<vmem>>, vector<1x16xf32>,
      %get3A_1937 = vector.shape_cast %get3A_1936 : vector<1x16xf32> to vector<16xf32>
      %mul3A_1938 = arith.mulf %get3A_1932, %get3A_1937 : vector<16xf32>
      %get3A_1939 = arith.constant 4 : i32
      %get3A_1940 = arith.index_cast %get3A_1939 : i32 to index
      %get3A_1941 = arith.constant 48 : index
      %get3A_1942 = tpu.vector_load %arg11[%get3A_1940, %get3A_1941] {strides = array<i32>} : memref<5x64xf32, #tpu.memory_space<vmem>>, vector<1x16xf32>,
      %get3A_1943 = vector.shape_cast %get3A_1942 : vector<1x16xf32> to vector<16xf32>
      %add3A_1944 = arith.addf %mul3A_1938, %get3A_1943 : vector<16xf32>
      %swap3A_1945 = arith.constant 2 : i32
      %swap3A_1946 = arith.constant 4 : i32
      %swap3A_1947 = arith.index_cast %swap3A_1945 : i32 to index
      %swap3A_1948 = arith.index_cast %swap3A_1946 : i32 to index
      %swap3A_1949 = arith.constant 48 : index
      %swap3A_1950 = tpu.vector_load %arg12[%swap3A_1947, %swap3A_1948, %swap3A_1949] {strides = array<i32>} : memref<4x200x64xf32, #tpu.memory_space<vmem>>, vector<1x1x16xf32>,
      %swap3A_1951 = vector.shape_cast %swap3A_1950 : vector<1x1x16xf32> to vector<16xf32>
      %swap3A_1952 = vector.shape_cast %add3A_1944 : vector<16xf32> to vector<1x1x16xf32>
      tpu.vector_store %arg12[%swap3A_1947, %swap3A_1948, %swap3A_1949], %swap3A_1952 {strides = array<i32>} : memref<4x200x64xf32, #tpu.memory_space<vmem>>, vector<1x1x16xf32>,
      %add3A_1953 = arith.addi %mul3A_2, %add3A_1353 : i32
      %mul3A_1954 = arith.constant 200 : i32
      %mul3A_1955 = arith.muli %add3A_1953, %mul3A_1954 : i32
      %dma_start3A_1956 = arith.constant 2 : i32
      %dma_start3A_1957 = arith.constant 0 : i32
      %dma_start3A_1958 = arith.constant 0 : i32
      %dma_start3A_1959 = tpu.memref_slice %arg12[%dma_start3A_1956, %dma_start3A_1957, %dma_start3A_1958] : memref<4x200x64xf32, #tpu.memory_space<vmem>> -> memref<1x200x64xf32, #tpu.memory_space<vmem>>
      %dma_start3A_1960 = tpu.memref_squeeze %dma_start3A_1959 : memref<1x200x64xf32, #tpu.memory_space<vmem>> -> memref<200x64xf32, #tpu.memory_space<vmem>>
      %dma_start3A_1961 = arith.constant 0 : i32
      %dma_start3A_1962 = tpu.memref_slice %arg7[%mul3A_1955, %dma_start3A_1961] : memref<819200x64xf32, #tpu.memory_space<hbm>> -> memref<200x64xf32, #tpu.memory_space<hbm>>
      %dma_start3A_1963 = arith.constant 0 : i32
      %dma_start3A_1964 = tpu.memref_slice %arg7[%mul3A_1955, %dma_start3A_1963] : memref<819200x64xf32, #tpu.memory_space<hbm>> -> memref<200x64xf32, #tpu.memory_space<hbm>>
      %dma_start3A_1965 = arith.constant 0 : i32
      %dma_start3A_1966 = arith.constant 0 : i32
      %dma_start3A_1967 = tpu.memref_slice %arg12[%dma_start3A_1956, %dma_start3A_1965, %dma_start3A_1966] : memref<4x200x64xf32, #tpu.memory_space<vmem>> -> memref<1x200x64xf32, #tpu.memory_space<vmem>>
      %dma_start3A_1968 = tpu.memref_squeeze %dma_start3A_1967 : memref<1x200x64xf32, #tpu.memory_space<vmem>> -> memref<200x64xf32, #tpu.memory_space<vmem>>
      tpu.enqueue_dma source(%dma_start3A_1968 : memref<200x64xf32, #tpu.memory_space<vmem>>) target(%dma_start3A_1964 : memref<200x64xf32, #tpu.memory_space<hbm>>) target_semaphore(%arg19 : memref<!tpu.dma_semaphore, #tpu.memory_space<semaphore_mem>>)
      %mul3A_1969 = arith.constant 4 : i32
      %mul3A_1970 = arith.muli %scan3A_111, %mul3A_1969 : i32
      %add3A_1971 = arith.constant 3 : i32
      %add3A_1972 = arith.addi %mul3A_1970, %add3A_1971 : i32
      %dma_wait3A_1973 = arith.constant 2 : i32
      %dma_wait3A_1974 = arith.constant 0 : i32
      %dma_wait3A_1975 = arith.constant 0 : i32
      %dma_wait3A_1976 = tpu.memref_slice %arg12[%dma_wait3A_1973, %dma_wait3A_1974, %dma_wait3A_1975] : memref<4x200x64xf32, #tpu.memory_space<vmem>> -> memref<1x200x64xf32, #tpu.memory_space<vmem>>
      %dma_wait3A_1977 = tpu.memref_squeeze %dma_wait3A_1976 : memref<1x200x64xf32, #tpu.memory_space<vmem>> -> memref<200x64xf32, #tpu.memory_space<vmem>>
      %dma_wait3A_1978 = arith.constant 0 : i32
      %dma_wait3A_1979 = arith.constant 0 : i32
      %dma_wait3A_1980 = tpu.memref_slice %arg7[%dma_wait3A_1978, %dma_wait3A_1979] : memref<819200x64xf32, #tpu.memory_space<hbm>> -> memref<200x64xf32, #tpu.memory_space<hbm>>
      %dma_wait3A_1981 = arith.constant 0 : i32
      %dma_wait3A_1982 = arith.constant 0 : i32
      %dma_wait3A_1983 = tpu.memref_slice %arg7[%dma_wait3A_1981, %dma_wait3A_1982] : memref<819200x64xf32, #tpu.memory_space<hbm>> -> memref<200x64xf32, #tpu.memory_space<hbm>>
      %dma_wait3A_1984 = arith.constant 0 : i32
      %dma_wait3A_1985 = arith.constant 0 : i32
      %dma_wait3A_1986 = tpu.memref_slice %arg12[%dma_wait3A_1973, %dma_wait3A_1984, %dma_wait3A_1985] : memref<4x200x64xf32, #tpu.memory_space<vmem>> -> memref<1x200x64xf32, #tpu.memory_space<vmem>>
      %dma_wait3A_1987 = tpu.memref_squeeze %dma_wait3A_1986 : memref<1x200x64xf32, #tpu.memory_space<vmem>> -> memref<200x64xf32, #tpu.memory_space<vmem>>
      tpu.wait_dma2 semaphore(%arg19 : memref<!tpu.dma_semaphore, #tpu.memory_space<semaphore_mem>>) src(%dma_wait3A_1987 : memref<200x64xf32, #tpu.memory_space<vmem>>) dst(%dma_wait3A_1983 : memref<200x64xf32, #tpu.memory_space<hbm>>)
      %add3A_1988 = arith.constant 4 : i32
      %add3A_1989 = arith.addi %add3A_1972, %add3A_1988 : i32
      %sub3A_1990 = arith.constant 1 : i32
      %sub3A_1991 = arith.subi %add3A_1989, %sub3A_1990 : i32
      %lt3A_1992 = arith.constant 128 : i32
      %lt3A_1993 = arith.cmpi slt, %sub3A_1991, %lt3A_1992 : i32
      %convert_element_type3A_1994 = arith.extui %lt3A_1993 : i1 to i32
      %cond3A_1995 = arith.constant 0 : i32
      %cond3A_1996 = arith.cmpi ne, %convert_element_type3A_1994, %cond3A_1995 : i32
      scf.if %cond3A_1996 {
        %dma_start3A_2588 = arith.constant 2 : i32
        %dma_start3A_2589 = arith.constant 0 : i32
        %dma_start3A_2590 = arith.constant 0 : i32
        %dma_start3A_2591 = tpu.memref_slice %arg12[%dma_start3A_2588, %dma_start3A_2589, %dma_start3A_2590] : memref<4x200x64xf32, #tpu.memory_space<vmem>> -> memref<1x128x64xf32, #tpu.memory_space<vmem>>
        %dma_start3A_2592 = tpu.memref_squeeze %dma_start3A_2591 : memref<1x128x64xf32, #tpu.memory_space<vmem>> -> memref<128x64xf32, #tpu.memory_space<vmem>>
        %dma_start3A_2593 = arith.constant 0 : i32
        %dma_start3A_2594 = tpu.memref_slice %arg8[%sub3A_1991, %dma_start3A_2593] : memref<128x200xi32, #tpu.memory_space<vmem>> -> memref<1x128xi32, #tpu.memory_space<vmem>>
        %dma_start3A_2595 = tpu.memref_squeeze %dma_start3A_2594 : memref<1x128xi32, #tpu.memory_space<vmem>> -> memref<128xi32, #tpu.memory_space<vmem>>
        %dma_start3A_2596 = arith.constant 0 : i32
        %dma_start3A_2597 = arith.constant 0 : i32
        %dma_start3A_2598 = tpu.memref_slice %arg3[%dma_start3A_2596, %dma_start3A_2597] : memref<100000x64xf32, #tpu.memory_space<hbm>> -> memref<100000x64xf32, #tpu.memory_space<hbm>>
        tpu.enqueue_indirect_dma source(%dma_start3A_2598 : memref<100000x64xf32, #tpu.memory_space<hbm>>) target(%dma_start3A_2592 : memref<128x64xf32, #tpu.memory_space<vmem>>) offsets(%dma_start3A_2595 : memref<128xi32, #tpu.memory_space<vmem>>) semaphore(%arg15 : memref<!tpu.dma_semaphore, #tpu.memory_space<semaphore_mem>>)
        %dma_start3A_2599 = arith.constant 2 : i32
        %dma_start3A_2600 = arith.constant 128 : i32
        %dma_start3A_2601 = arith.constant 0 : i32
        %dma_start3A_2602 = tpu.memref_slice %arg12[%dma_start3A_2599, %dma_start3A_2600, %dma_start3A_2601] : memref<4x200x64xf32, #tpu.memory_space<vmem>> -> memref<1x72x64xf32, #tpu.memory_space<vmem>>
        %dma_start3A_2603 = tpu.memref_squeeze %dma_start3A_2602 : memref<1x72x64xf32, #tpu.memory_space<vmem>> -> memref<72x64xf32, #tpu.memory_space<vmem>>
        %dma_start3A_2604 = arith.constant 128 : i32
        %dma_start3A_2605 = tpu.memref_slice %arg8[%sub3A_1991, %dma_start3A_2604] : memref<128x200xi32, #tpu.memory_space<vmem>> -> memref<1x72xi32, #tpu.memory_space<vmem>>
        %dma_start3A_2606 = tpu.memref_squeeze %dma_start3A_2605 : memref<1x72xi32, #tpu.memory_space<vmem>> -> memref<72xi32, #tpu.memory_space<vmem>>
        %dma_start3A_2607 = arith.constant 0 : i32
        %dma_start3A_2608 = arith.constant 0 : i32
        %dma_start3A_2609 = tpu.memref_slice %arg3[%dma_start3A_2607, %dma_start3A_2608] : memref<100000x64xf32, #tpu.memory_space<hbm>> -> memref<100000x64xf32, #tpu.memory_space<hbm>>
        tpu.enqueue_indirect_dma source(%dma_start3A_2609 : memref<100000x64xf32, #tpu.memory_space<hbm>>) target(%dma_start3A_2603 : memref<72x64xf32, #tpu.memory_space<vmem>>) offsets(%dma_start3A_2606 : memref<72xi32, #tpu.memory_space<vmem>>) semaphore(%arg15 : memref<!tpu.dma_semaphore, #tpu.memory_space<semaphore_mem>>)
      } else {
      }
      %dma_wait3A_1997 = arith.constant 3 : i32
      %dma_wait3A_1998 = arith.constant 0 : i32
      %dma_wait3A_1999 = arith.constant 0 : i32
      %dma_wait3A_2000 = tpu.memref_slice %arg12[%dma_wait3A_1997, %dma_wait3A_1998, %dma_wait3A_1999] : memref<4x200x64xf32, #tpu.memory_space<vmem>> -> memref<1x200x64xf32, #tpu.memory_space<vmem>>
      %dma_wait3A_2001 = tpu.memref_squeeze %dma_wait3A_2000 : memref<1x200x64xf32, #tpu.memory_space<vmem>> -> memref<200x64xf32, #tpu.memory_space<vmem>>
      %dma_wait3A_2002 = arith.constant 0 : i32
      %dma_wait3A_2003 = arith.constant 0 : i32
      %dma_wait3A_2004 = tpu.memref_slice %arg3[%dma_wait3A_2002, %dma_wait3A_2003] : memref<100000x64xf32, #tpu.memory_space<hbm>> -> memref<200x64xf32, #tpu.memory_space<hbm>>
      %dma_wait3A_2005 = arith.constant 0 : i32
      %dma_wait3A_2006 = arith.constant 0 : i32
      %dma_wait3A_2007 = tpu.memref_slice %arg12[%dma_wait3A_1997, %dma_wait3A_2005, %dma_wait3A_2006] : memref<4x200x64xf32, #tpu.memory_space<vmem>> -> memref<1x200x64xf32, #tpu.memory_space<vmem>>
      %dma_wait3A_2008 = tpu.memref_squeeze %dma_wait3A_2007 : memref<1x200x64xf32, #tpu.memory_space<vmem>> -> memref<200x64xf32, #tpu.memory_space<vmem>>
      %dma_wait3A_2009 = arith.constant 0 : i32
      %dma_wait3A_2010 = arith.constant 0 : i32
      %dma_wait3A_2011 = tpu.memref_slice %arg3[%dma_wait3A_2009, %dma_wait3A_2010] : memref<100000x64xf32, #tpu.memory_space<hbm>> -> memref<200x64xf32, #tpu.memory_space<hbm>>
      tpu.wait_dma2 semaphore(%arg16 : memref<!tpu.dma_semaphore, #tpu.memory_space<semaphore_mem>>) src(%dma_wait3A_2011 : memref<200x64xf32, #tpu.memory_space<hbm>>) dst(%dma_wait3A_2008 : memref<200x64xf32, #tpu.memory_space<vmem>>)
      %mul3A_2012 = arith.constant 5 : i32
      %mul3A_2013 = arith.muli %add3A_1972, %mul3A_2012 : i32
      %add3A_2014 = arith.constant 0 : i32
      %add3A_2015 = arith.addi %mul3A_2013, %add3A_2014 : i32
      %get3A_2016 = arith.index_cast %add3A_2015 : i32 to index
      %get3A_2017 = arith.constant 0 : index
      %get3A_2018 = tpu.vector_load %arg9[%get3A_2016, %get3A_2017] {strides = array<i32>} : memref<640x64xf32, #tpu.memory_space<vmem>>, vector<1x16xf32>,
      %get3A_2019 = vector.shape_cast %get3A_2018 : vector<1x16xf32> to vector<16xf32>
      %get3A_2020 = arith.constant 0 : i32
      %get3A_2021 = arith.index_cast %get3A_2020 : i32 to index
      %get3A_2022 = arith.constant 0 : index
      %get3A_2023 = tpu.vector_load %arg10[%get3A_2021, %get3A_2022] {strides = array<i32>} : memref<5x64xf32, #tpu.memory_space<vmem>>, vector<1x16xf32>,
      %get3A_2024 = vector.shape_cast %get3A_2023 : vector<1x16xf32> to vector<16xf32>
      %mul3A_2025 = arith.mulf %get3A_2019, %get3A_2024 : vector<16xf32>
      %get3A_2026 = arith.constant 0 : i32
      %get3A_2027 = arith.index_cast %get3A_2026 : i32 to index
      %get3A_2028 = arith.constant 0 : index
      %get3A_2029 = tpu.vector_load %arg11[%get3A_2027, %get3A_2028] {strides = array<i32>} : memref<5x64xf32, #tpu.memory_space<vmem>>, vector<1x16xf32>,
      %get3A_2030 = vector.shape_cast %get3A_2029 : vector<1x16xf32> to vector<16xf32>
      %add3A_2031 = arith.addf %mul3A_2025, %get3A_2030 : vector<16xf32>
      %swap3A_2032 = arith.constant 3 : i32
      %swap3A_2033 = arith.constant 0 : i32
      %swap3A_2034 = arith.index_cast %swap3A_2032 : i32 to index
      %swap3A_2035 = arith.index_cast %swap3A_2033 : i32 to index
      %swap3A_2036 = arith.constant 0 : index
      %swap3A_2037 = tpu.vector_load %arg12[%swap3A_2034, %swap3A_2035, %swap3A_2036] {strides = array<i32>} : memref<4x200x64xf32, #tpu.memory_space<vmem>>, vector<1x1x16xf32>,
      %swap3A_2038 = vector.shape_cast %swap3A_2037 : vector<1x1x16xf32> to vector<16xf32>
      %swap3A_2039 = vector.shape_cast %add3A_2031 : vector<16xf32> to vector<1x1x16xf32>
      tpu.vector_store %arg12[%swap3A_2034, %swap3A_2035, %swap3A_2036], %swap3A_2039 {strides = array<i32>} : memref<4x200x64xf32, #tpu.memory_space<vmem>>, vector<1x1x16xf32>,
      %mul3A_2040 = arith.constant 5 : i32
      %mul3A_2041 = arith.muli %add3A_1972, %mul3A_2040 : i32
      %add3A_2042 = arith.constant 0 : i32
      %add3A_2043 = arith.addi %mul3A_2041, %add3A_2042 : i32
      %get3A_2044 = arith.index_cast %add3A_2043 : i32 to index
      %get3A_2045 = arith.constant 16 : index
      %get3A_2046 = tpu.vector_load %arg9[%get3A_2044, %get3A_2045] {strides = array<i32>} : memref<640x64xf32, #tpu.memory_space<vmem>>, vector<1x16xf32>,
      %get3A_2047 = vector.shape_cast %get3A_2046 : vector<1x16xf32> to vector<16xf32>
      %get3A_2048 = arith.constant 0 : i32
      %get3A_2049 = arith.index_cast %get3A_2048 : i32 to index
      %get3A_2050 = arith.constant 16 : index
      %get3A_2051 = tpu.vector_load %arg10[%get3A_2049, %get3A_2050] {strides = array<i32>} : memref<5x64xf32, #tpu.memory_space<vmem>>, vector<1x16xf32>,
      %get3A_2052 = vector.shape_cast %get3A_2051 : vector<1x16xf32> to vector<16xf32>
      %mul3A_2053 = arith.mulf %get3A_2047, %get3A_2052 : vector<16xf32>
      %get3A_2054 = arith.constant 0 : i32
      %get3A_2055 = arith.index_cast %get3A_2054 : i32 to index
      %get3A_2056 = arith.constant 16 : index
      %get3A_2057 = tpu.vector_load %arg11[%get3A_2055, %get3A_2056] {strides = array<i32>} : memref<5x64xf32, #tpu.memory_space<vmem>>, vector<1x16xf32>,
      %get3A_2058 = vector.shape_cast %get3A_2057 : vector<1x16xf32> to vector<16xf32>
      %add3A_2059 = arith.addf %mul3A_2053, %get3A_2058 : vector<16xf32>
      %swap3A_2060 = arith.constant 3 : i32
      %swap3A_2061 = arith.constant 0 : i32
      %swap3A_2062 = arith.index_cast %swap3A_2060 : i32 to index
      %swap3A_2063 = arith.index_cast %swap3A_2061 : i32 to index
      %swap3A_2064 = arith.constant 16 : index
      %swap3A_2065 = tpu.vector_load %arg12[%swap3A_2062, %swap3A_2063, %swap3A_2064] {strides = array<i32>} : memref<4x200x64xf32, #tpu.memory_space<vmem>>, vector<1x1x16xf32>,
      %swap3A_2066 = vector.shape_cast %swap3A_2065 : vector<1x1x16xf32> to vector<16xf32>
      %swap3A_2067 = vector.shape_cast %add3A_2059 : vector<16xf32> to vector<1x1x16xf32>
      tpu.vector_store %arg12[%swap3A_2062, %swap3A_2063, %swap3A_2064], %swap3A_2067 {strides = array<i32>} : memref<4x200x64xf32, #tpu.memory_space<vmem>>, vector<1x1x16xf32>,
      %mul3A_2068 = arith.constant 5 : i32
      %mul3A_2069 = arith.muli %add3A_1972, %mul3A_2068 : i32
      %add3A_2070 = arith.constant 0 : i32
      %add3A_2071 = arith.addi %mul3A_2069, %add3A_2070 : i32
      %get3A_2072 = arith.index_cast %add3A_2071 : i32 to index
      %get3A_2073 = arith.constant 32 : index
      %get3A_2074 = tpu.vector_load %arg9[%get3A_2072, %get3A_2073] {strides = array<i32>} : memref<640x64xf32, #tpu.memory_space<vmem>>, vector<1x16xf32>,
      %get3A_2075 = vector.shape_cast %get3A_2074 : vector<1x16xf32> to vector<16xf32>
      %get3A_2076 = arith.constant 0 : i32
      %get3A_2077 = arith.index_cast %get3A_2076 : i32 to index
      %get3A_2078 = arith.constant 32 : index
      %get3A_2079 = tpu.vector_load %arg10[%get3A_2077, %get3A_2078] {strides = array<i32>} : memref<5x64xf32, #tpu.memory_space<vmem>>, vector<1x16xf32>,
      %get3A_2080 = vector.shape_cast %get3A_2079 : vector<1x16xf32> to vector<16xf32>
      %mul3A_2081 = arith.mulf %get3A_2075, %get3A_2080 : vector<16xf32>
      %get3A_2082 = arith.constant 0 : i32
      %get3A_2083 = arith.index_cast %get3A_2082 : i32 to index
      %get3A_2084 = arith.constant 32 : index
      %get3A_2085 = tpu.vector_load %arg11[%get3A_2083, %get3A_2084] {strides = array<i32>} : memref<5x64xf32, #tpu.memory_space<vmem>>, vector<1x16xf32>,
      %get3A_2086 = vector.shape_cast %get3A_2085 : vector<1x16xf32> to vector<16xf32>
      %add3A_2087 = arith.addf %mul3A_2081, %get3A_2086 : vector<16xf32>
      %swap3A_2088 = arith.constant 3 : i32
      %swap3A_2089 = arith.constant 0 : i32
      %swap3A_2090 = arith.index_cast %swap3A_2088 : i32 to index
      %swap3A_2091 = arith.index_cast %swap3A_2089 : i32 to index
      %swap3A_2092 = arith.constant 32 : index
      %swap3A_2093 = tpu.vector_load %arg12[%swap3A_2090, %swap3A_2091, %swap3A_2092] {strides = array<i32>} : memref<4x200x64xf32, #tpu.memory_space<vmem>>, vector<1x1x16xf32>,
      %swap3A_2094 = vector.shape_cast %swap3A_2093 : vector<1x1x16xf32> to vector<16xf32>
      %swap3A_2095 = vector.shape_cast %add3A_2087 : vector<16xf32> to vector<1x1x16xf32>
      tpu.vector_store %arg12[%swap3A_2090, %swap3A_2091, %swap3A_2092], %swap3A_2095 {strides = array<i32>} : memref<4x200x64xf32, #tpu.memory_space<vmem>>, vector<1x1x16xf32>,
      %mul3A_2096 = arith.constant 5 : i32
      %mul3A_2097 = arith.muli %add3A_1972, %mul3A_2096 : i32
      %add3A_2098 = arith.constant 0 : i32
      %add3A_2099 = arith.addi %mul3A_2097, %add3A_2098 : i32
      %get3A_2100 = arith.index_cast %add3A_2099 : i32 to index
      %get3A_2101 = arith.constant 48 : index
      %get3A_2102 = tpu.vector_load %arg9[%get3A_2100, %get3A_2101] {strides = array<i32>} : memref<640x64xf32, #tpu.memory_space<vmem>>, vector<1x16xf32>,
      %get3A_2103 = vector.shape_cast %get3A_2102 : vector<1x16xf32> to vector<16xf32>
      %get3A_2104 = arith.constant 0 : i32
      %get3A_2105 = arith.index_cast %get3A_2104 : i32 to index
      %get3A_2106 = arith.constant 48 : index
      %get3A_2107 = tpu.vector_load %arg10[%get3A_2105, %get3A_2106] {strides = array<i32>} : memref<5x64xf32, #tpu.memory_space<vmem>>, vector<1x16xf32>,
      %get3A_2108 = vector.shape_cast %get3A_2107 : vector<1x16xf32> to vector<16xf32>
      %mul3A_2109 = arith.mulf %get3A_2103, %get3A_2108 : vector<16xf32>
      %get3A_2110 = arith.constant 0 : i32
      %get3A_2111 = arith.index_cast %get3A_2110 : i32 to index
      %get3A_2112 = arith.constant 48 : index
      %get3A_2113 = tpu.vector_load %arg11[%get3A_2111, %get3A_2112] {strides = array<i32>} : memref<5x64xf32, #tpu.memory_space<vmem>>, vector<1x16xf32>,
      %get3A_2114 = vector.shape_cast %get3A_2113 : vector<1x16xf32> to vector<16xf32>
      %add3A_2115 = arith.addf %mul3A_2109, %get3A_2114 : vector<16xf32>
      %swap3A_2116 = arith.constant 3 : i32
      %swap3A_2117 = arith.constant 0 : i32
      %swap3A_2118 = arith.index_cast %swap3A_2116 : i32 to index
      %swap3A_2119 = arith.index_cast %swap3A_2117 : i32 to index
      %swap3A_2120 = arith.constant 48 : index
      %swap3A_2121 = tpu.vector_load %arg12[%swap3A_2118, %swap3A_2119, %swap3A_2120] {strides = array<i32>} : memref<4x200x64xf32, #tpu.memory_space<vmem>>, vector<1x1x16xf32>,
      %swap3A_2122 = vector.shape_cast %swap3A_2121 : vector<1x1x16xf32> to vector<16xf32>
      %swap3A_2123 = vector.shape_cast %add3A_2115 : vector<16xf32> to vector<1x1x16xf32>
      tpu.vector_store %arg12[%swap3A_2118, %swap3A_2119, %swap3A_2120], %swap3A_2123 {strides = array<i32>} : memref<4x200x64xf32, #tpu.memory_space<vmem>>, vector<1x1x16xf32>,
      %mul3A_2124 = arith.constant 5 : i32
      %mul3A_2125 = arith.muli %add3A_1972, %mul3A_2124 : i32
      %add3A_2126 = arith.constant 1 : i32
      %add3A_2127 = arith.addi %mul3A_2125, %add3A_2126 : i32
      %get3A_2128 = arith.index_cast %add3A_2127 : i32 to index
      %get3A_2129 = arith.constant 0 : index
      %get3A_2130 = tpu.vector_load %arg9[%get3A_2128, %get3A_2129] {strides = array<i32>} : memref<640x64xf32, #tpu.memory_space<vmem>>, vector<1x16xf32>,
      %get3A_2131 = vector.shape_cast %get3A_2130 : vector<1x16xf32> to vector<16xf32>
      %get3A_2132 = arith.constant 1 : i32
      %get3A_2133 = arith.index_cast %get3A_2132 : i32 to index
      %get3A_2134 = arith.constant 0 : index
      %get3A_2135 = tpu.vector_load %arg10[%get3A_2133, %get3A_2134] {strides = array<i32>} : memref<5x64xf32, #tpu.memory_space<vmem>>, vector<1x16xf32>,
      %get3A_2136 = vector.shape_cast %get3A_2135 : vector<1x16xf32> to vector<16xf32>
      %mul3A_2137 = arith.mulf %get3A_2131, %get3A_2136 : vector<16xf32>
      %get3A_2138 = arith.constant 1 : i32
      %get3A_2139 = arith.index_cast %get3A_2138 : i32 to index
      %get3A_2140 = arith.constant 0 : index
      %get3A_2141 = tpu.vector_load %arg11[%get3A_2139, %get3A_2140] {strides = array<i32>} : memref<5x64xf32, #tpu.memory_space<vmem>>, vector<1x16xf32>,
      %get3A_2142 = vector.shape_cast %get3A_2141 : vector<1x16xf32> to vector<16xf32>
      %add3A_2143 = arith.addf %mul3A_2137, %get3A_2142 : vector<16xf32>
      %swap3A_2144 = arith.constant 3 : i32
      %swap3A_2145 = arith.constant 1 : i32
      %swap3A_2146 = arith.index_cast %swap3A_2144 : i32 to index
      %swap3A_2147 = arith.index_cast %swap3A_2145 : i32 to index
      %swap3A_2148 = arith.constant 0 : index
      %swap3A_2149 = tpu.vector_load %arg12[%swap3A_2146, %swap3A_2147, %swap3A_2148] {strides = array<i32>} : memref<4x200x64xf32, #tpu.memory_space<vmem>>, vector<1x1x16xf32>,
      %swap3A_2150 = vector.shape_cast %swap3A_2149 : vector<1x1x16xf32> to vector<16xf32>
      %swap3A_2151 = vector.shape_cast %add3A_2143 : vector<16xf32> to vector<1x1x16xf32>
      tpu.vector_store %arg12[%swap3A_2146, %swap3A_2147, %swap3A_2148], %swap3A_2151 {strides = array<i32>} : memref<4x200x64xf32, #tpu.memory_space<vmem>>, vector<1x1x16xf32>,
      %mul3A_2152 = arith.constant 5 : i32
      %mul3A_2153 = arith.muli %add3A_1972, %mul3A_2152 : i32
      %add3A_2154 = arith.constant 1 : i32
      %add3A_2155 = arith.addi %mul3A_2153, %add3A_2154 : i32
      %get3A_2156 = arith.index_cast %add3A_2155 : i32 to index
      %get3A_2157 = arith.constant 16 : index
      %get3A_2158 = tpu.vector_load %arg9[%get3A_2156, %get3A_2157] {strides = array<i32>} : memref<640x64xf32, #tpu.memory_space<vmem>>, vector<1x16xf32>,
      %get3A_2159 = vector.shape_cast %get3A_2158 : vector<1x16xf32> to vector<16xf32>
      %get3A_2160 = arith.constant 1 : i32
      %get3A_2161 = arith.index_cast %get3A_2160 : i32 to index
      %get3A_2162 = arith.constant 16 : index
      %get3A_2163 = tpu.vector_load %arg10[%get3A_2161, %get3A_2162] {strides = array<i32>} : memref<5x64xf32, #tpu.memory_space<vmem>>, vector<1x16xf32>,
      %get3A_2164 = vector.shape_cast %get3A_2163 : vector<1x16xf32> to vector<16xf32>
      %mul3A_2165 = arith.mulf %get3A_2159, %get3A_2164 : vector<16xf32>
      %get3A_2166 = arith.constant 1 : i32
      %get3A_2167 = arith.index_cast %get3A_2166 : i32 to index
      %get3A_2168 = arith.constant 16 : index
      %get3A_2169 = tpu.vector_load %arg11[%get3A_2167, %get3A_2168] {strides = array<i32>} : memref<5x64xf32, #tpu.memory_space<vmem>>, vector<1x16xf32>,
      %get3A_2170 = vector.shape_cast %get3A_2169 : vector<1x16xf32> to vector<16xf32>
      %add3A_2171 = arith.addf %mul3A_2165, %get3A_2170 : vector<16xf32>
      %swap3A_2172 = arith.constant 3 : i32
      %swap3A_2173 = arith.constant 1 : i32
      %swap3A_2174 = arith.index_cast %swap3A_2172 : i32 to index
      %swap3A_2175 = arith.index_cast %swap3A_2173 : i32 to index
      %swap3A_2176 = arith.constant 16 : index
      %swap3A_2177 = tpu.vector_load %arg12[%swap3A_2174, %swap3A_2175, %swap3A_2176] {strides = array<i32>} : memref<4x200x64xf32, #tpu.memory_space<vmem>>, vector<1x1x16xf32>,
      %swap3A_2178 = vector.shape_cast %swap3A_2177 : vector<1x1x16xf32> to vector<16xf32>
      %swap3A_2179 = vector.shape_cast %add3A_2171 : vector<16xf32> to vector<1x1x16xf32>
      tpu.vector_store %arg12[%swap3A_2174, %swap3A_2175, %swap3A_2176], %swap3A_2179 {strides = array<i32>} : memref<4x200x64xf32, #tpu.memory_space<vmem>>, vector<1x1x16xf32>,
      %mul3A_2180 = arith.constant 5 : i32
      %mul3A_2181 = arith.muli %add3A_1972, %mul3A_2180 : i32
      %add3A_2182 = arith.constant 1 : i32
      %add3A_2183 = arith.addi %mul3A_2181, %add3A_2182 : i32
      %get3A_2184 = arith.index_cast %add3A_2183 : i32 to index
      %get3A_2185 = arith.constant 32 : index
      %get3A_2186 = tpu.vector_load %arg9[%get3A_2184, %get3A_2185] {strides = array<i32>} : memref<640x64xf32, #tpu.memory_space<vmem>>, vector<1x16xf32>,
      %get3A_2187 = vector.shape_cast %get3A_2186 : vector<1x16xf32> to vector<16xf32>
      %get3A_2188 = arith.constant 1 : i32
      %get3A_2189 = arith.index_cast %get3A_2188 : i32 to index
      %get3A_2190 = arith.constant 32 : index
      %get3A_2191 = tpu.vector_load %arg10[%get3A_2189, %get3A_2190] {strides = array<i32>} : memref<5x64xf32, #tpu.memory_space<vmem>>, vector<1x16xf32>,
      %get3A_2192 = vector.shape_cast %get3A_2191 : vector<1x16xf32> to vector<16xf32>
      %mul3A_2193 = arith.mulf %get3A_2187, %get3A_2192 : vector<16xf32>
      %get3A_2194 = arith.constant 1 : i32
      %get3A_2195 = arith.index_cast %get3A_2194 : i32 to index
      %get3A_2196 = arith.constant 32 : index
      %get3A_2197 = tpu.vector_load %arg11[%get3A_2195, %get3A_2196] {strides = array<i32>} : memref<5x64xf32, #tpu.memory_space<vmem>>, vector<1x16xf32>,
      %get3A_2198 = vector.shape_cast %get3A_2197 : vector<1x16xf32> to vector<16xf32>
      %add3A_2199 = arith.addf %mul3A_2193, %get3A_2198 : vector<16xf32>
      %swap3A_2200 = arith.constant 3 : i32
      %swap3A_2201 = arith.constant 1 : i32
      %swap3A_2202 = arith.index_cast %swap3A_2200 : i32 to index
      %swap3A_2203 = arith.index_cast %swap3A_2201 : i32 to index
      %swap3A_2204 = arith.constant 32 : index
      %swap3A_2205 = tpu.vector_load %arg12[%swap3A_2202, %swap3A_2203, %swap3A_2204] {strides = array<i32>} : memref<4x200x64xf32, #tpu.memory_space<vmem>>, vector<1x1x16xf32>,
      %swap3A_2206 = vector.shape_cast %swap3A_2205 : vector<1x1x16xf32> to vector<16xf32>
      %swap3A_2207 = vector.shape_cast %add3A_2199 : vector<16xf32> to vector<1x1x16xf32>
      tpu.vector_store %arg12[%swap3A_2202, %swap3A_2203, %swap3A_2204], %swap3A_2207 {strides = array<i32>} : memref<4x200x64xf32, #tpu.memory_space<vmem>>, vector<1x1x16xf32>,
      %mul3A_2208 = arith.constant 5 : i32
      %mul3A_2209 = arith.muli %add3A_1972, %mul3A_2208 : i32
      %add3A_2210 = arith.constant 1 : i32
      %add3A_2211 = arith.addi %mul3A_2209, %add3A_2210 : i32
      %get3A_2212 = arith.index_cast %add3A_2211 : i32 to index
      %get3A_2213 = arith.constant 48 : index
      %get3A_2214 = tpu.vector_load %arg9[%get3A_2212, %get3A_2213] {strides = array<i32>} : memref<640x64xf32, #tpu.memory_space<vmem>>, vector<1x16xf32>,
      %get3A_2215 = vector.shape_cast %get3A_2214 : vector<1x16xf32> to vector<16xf32>
      %get3A_2216 = arith.constant 1 : i32
      %get3A_2217 = arith.index_cast %get3A_2216 : i32 to index
      %get3A_2218 = arith.constant 48 : index
      %get3A_2219 = tpu.vector_load %arg10[%get3A_2217, %get3A_2218] {strides = array<i32>} : memref<5x64xf32, #tpu.memory_space<vmem>>, vector<1x16xf32>,
      %get3A_2220 = vector.shape_cast %get3A_2219 : vector<1x16xf32> to vector<16xf32>
      %mul3A_2221 = arith.mulf %get3A_2215, %get3A_2220 : vector<16xf32>
      %get3A_2222 = arith.constant 1 : i32
      %get3A_2223 = arith.index_cast %get3A_2222 : i32 to index
      %get3A_2224 = arith.constant 48 : index
      %get3A_2225 = tpu.vector_load %arg11[%get3A_2223, %get3A_2224] {strides = array<i32>} : memref<5x64xf32, #tpu.memory_space<vmem>>, vector<1x16xf32>,
      %get3A_2226 = vector.shape_cast %get3A_2225 : vector<1x16xf32> to vector<16xf32>
      %add3A_2227 = arith.addf %mul3A_2221, %get3A_2226 : vector<16xf32>
      %swap3A_2228 = arith.constant 3 : i32
      %swap3A_2229 = arith.constant 1 : i32
      %swap3A_2230 = arith.index_cast %swap3A_2228 : i32 to index
      %swap3A_2231 = arith.index_cast %swap3A_2229 : i32 to index
      %swap3A_2232 = arith.constant 48 : index
      %swap3A_2233 = tpu.vector_load %arg12[%swap3A_2230, %swap3A_2231, %swap3A_2232] {strides = array<i32>} : memref<4x200x64xf32, #tpu.memory_space<vmem>>, vector<1x1x16xf32>,
      %swap3A_2234 = vector.shape_cast %swap3A_2233 : vector<1x1x16xf32> to vector<16xf32>
      %swap3A_2235 = vector.shape_cast %add3A_2227 : vector<16xf32> to vector<1x1x16xf32>
      tpu.vector_store %arg12[%swap3A_2230, %swap3A_2231, %swap3A_2232], %swap3A_2235 {strides = array<i32>} : memref<4x200x64xf32, #tpu.memory_space<vmem>>, vector<1x1x16xf32>,
      %mul3A_2236 = arith.constant 5 : i32
      %mul3A_2237 = arith.muli %add3A_1972, %mul3A_2236 : i32
      %add3A_2238 = arith.constant 2 : i32
      %add3A_2239 = arith.addi %mul3A_2237, %add3A_2238 : i32
      %get3A_2240 = arith.index_cast %add3A_2239 : i32 to index
      %get3A_2241 = arith.constant 0 : index
      %get3A_2242 = tpu.vector_load %arg9[%get3A_2240, %get3A_2241] {strides = array<i32>} : memref<640x64xf32, #tpu.memory_space<vmem>>, vector<1x16xf32>,
      %get3A_2243 = vector.shape_cast %get3A_2242 : vector<1x16xf32> to vector<16xf32>
      %get3A_2244 = arith.constant 2 : i32
      %get3A_2245 = arith.index_cast %get3A_2244 : i32 to index
      %get3A_2246 = arith.constant 0 : index
      %get3A_2247 = tpu.vector_load %arg10[%get3A_2245, %get3A_2246] {strides = array<i32>} : memref<5x64xf32, #tpu.memory_space<vmem>>, vector<1x16xf32>,
      %get3A_2248 = vector.shape_cast %get3A_2247 : vector<1x16xf32> to vector<16xf32>
      %mul3A_2249 = arith.mulf %get3A_2243, %get3A_2248 : vector<16xf32>
      %get3A_2250 = arith.constant 2 : i32
      %get3A_2251 = arith.index_cast %get3A_2250 : i32 to index
      %get3A_2252 = arith.constant 0 : index
      %get3A_2253 = tpu.vector_load %arg11[%get3A_2251, %get3A_2252] {strides = array<i32>} : memref<5x64xf32, #tpu.memory_space<vmem>>, vector<1x16xf32>,
      %get3A_2254 = vector.shape_cast %get3A_2253 : vector<1x16xf32> to vector<16xf32>
      %add3A_2255 = arith.addf %mul3A_2249, %get3A_2254 : vector<16xf32>
      %swap3A_2256 = arith.constant 3 : i32
      %swap3A_2257 = arith.constant 2 : i32
      %swap3A_2258 = arith.index_cast %swap3A_2256 : i32 to index
      %swap3A_2259 = arith.index_cast %swap3A_2257 : i32 to index
      %swap3A_2260 = arith.constant 0 : index
      %swap3A_2261 = tpu.vector_load %arg12[%swap3A_2258, %swap3A_2259, %swap3A_2260] {strides = array<i32>} : memref<4x200x64xf32, #tpu.memory_space<vmem>>, vector<1x1x16xf32>,
      %swap3A_2262 = vector.shape_cast %swap3A_2261 : vector<1x1x16xf32> to vector<16xf32>
      %swap3A_2263 = vector.shape_cast %add3A_2255 : vector<16xf32> to vector<1x1x16xf32>
      tpu.vector_store %arg12[%swap3A_2258, %swap3A_2259, %swap3A_2260], %swap3A_2263 {strides = array<i32>} : memref<4x200x64xf32, #tpu.memory_space<vmem>>, vector<1x1x16xf32>,
      %mul3A_2264 = arith.constant 5 : i32
      %mul3A_2265 = arith.muli %add3A_1972, %mul3A_2264 : i32
      %add3A_2266 = arith.constant 2 : i32
      %add3A_2267 = arith.addi %mul3A_2265, %add3A_2266 : i32
      %get3A_2268 = arith.index_cast %add3A_2267 : i32 to index
      %get3A_2269 = arith.constant 16 : index
      %get3A_2270 = tpu.vector_load %arg9[%get3A_2268, %get3A_2269] {strides = array<i32>} : memref<640x64xf32, #tpu.memory_space<vmem>>, vector<1x16xf32>,
      %get3A_2271 = vector.shape_cast %get3A_2270 : vector<1x16xf32> to vector<16xf32>
      %get3A_2272 = arith.constant 2 : i32
      %get3A_2273 = arith.index_cast %get3A_2272 : i32 to index
      %get3A_2274 = arith.constant 16 : index
      %get3A_2275 = tpu.vector_load %arg10[%get3A_2273, %get3A_2274] {strides = array<i32>} : memref<5x64xf32, #tpu.memory_space<vmem>>, vector<1x16xf32>,
      %get3A_2276 = vector.shape_cast %get3A_2275 : vector<1x16xf32> to vector<16xf32>
      %mul3A_2277 = arith.mulf %get3A_2271, %get3A_2276 : vector<16xf32>
      %get3A_2278 = arith.constant 2 : i32
      %get3A_2279 = arith.index_cast %get3A_2278 : i32 to index
      %get3A_2280 = arith.constant 16 : index
      %get3A_2281 = tpu.vector_load %arg11[%get3A_2279, %get3A_2280] {strides = array<i32>} : memref<5x64xf32, #tpu.memory_space<vmem>>, vector<1x16xf32>,
      %get3A_2282 = vector.shape_cast %get3A_2281 : vector<1x16xf32> to vector<16xf32>
      %add3A_2283 = arith.addf %mul3A_2277, %get3A_2282 : vector<16xf32>
      %swap3A_2284 = arith.constant 3 : i32
      %swap3A_2285 = arith.constant 2 : i32
      %swap3A_2286 = arith.index_cast %swap3A_2284 : i32 to index
      %swap3A_2287 = arith.index_cast %swap3A_2285 : i32 to index
      %swap3A_2288 = arith.constant 16 : index
      %swap3A_2289 = tpu.vector_load %arg12[%swap3A_2286, %swap3A_2287, %swap3A_2288] {strides = array<i32>} : memref<4x200x64xf32, #tpu.memory_space<vmem>>, vector<1x1x16xf32>,
      %swap3A_2290 = vector.shape_cast %swap3A_2289 : vector<1x1x16xf32> to vector<16xf32>
      %swap3A_2291 = vector.shape_cast %add3A_2283 : vector<16xf32> to vector<1x1x16xf32>
      tpu.vector_store %arg12[%swap3A_2286, %swap3A_2287, %swap3A_2288], %swap3A_2291 {strides = array<i32>} : memref<4x200x64xf32, #tpu.memory_space<vmem>>, vector<1x1x16xf32>,
      %mul3A_2292 = arith.constant 5 : i32
      %mul3A_2293 = arith.muli %add3A_1972, %mul3A_2292 : i32
      %add3A_2294 = arith.constant 2 : i32
      %add3A_2295 = arith.addi %mul3A_2293, %add3A_2294 : i32
      %get3A_2296 = arith.index_cast %add3A_2295 : i32 to index
      %get3A_2297 = arith.constant 32 : index
      %get3A_2298 = tpu.vector_load %arg9[%get3A_2296, %get3A_2297] {strides = array<i32>} : memref<640x64xf32, #tpu.memory_space<vmem>>, vector<1x16xf32>,
      %get3A_2299 = vector.shape_cast %get3A_2298 : vector<1x16xf32> to vector<16xf32>
      %get3A_2300 = arith.constant 2 : i32
      %get3A_2301 = arith.index_cast %get3A_2300 : i32 to index
      %get3A_2302 = arith.constant 32 : index
      %get3A_2303 = tpu.vector_load %arg10[%get3A_2301, %get3A_2302] {strides = array<i32>} : memref<5x64xf32, #tpu.memory_space<vmem>>, vector<1x16xf32>,
      %get3A_2304 = vector.shape_cast %get3A_2303 : vector<1x16xf32> to vector<16xf32>
      %mul3A_2305 = arith.mulf %get3A_2299, %get3A_2304 : vector<16xf32>
      %get3A_2306 = arith.constant 2 : i32
      %get3A_2307 = arith.index_cast %get3A_2306 : i32 to index
      %get3A_2308 = arith.constant 32 : index
      %get3A_2309 = tpu.vector_load %arg11[%get3A_2307, %get3A_2308] {strides = array<i32>} : memref<5x64xf32, #tpu.memory_space<vmem>>, vector<1x16xf32>,
      %get3A_2310 = vector.shape_cast %get3A_2309 : vector<1x16xf32> to vector<16xf32>
      %add3A_2311 = arith.addf %mul3A_2305, %get3A_2310 : vector<16xf32>
      %swap3A_2312 = arith.constant 3 : i32
      %swap3A_2313 = arith.constant 2 : i32
      %swap3A_2314 = arith.index_cast %swap3A_2312 : i32 to index
      %swap3A_2315 = arith.index_cast %swap3A_2313 : i32 to index
      %swap3A_2316 = arith.constant 32 : index
      %swap3A_2317 = tpu.vector_load %arg12[%swap3A_2314, %swap3A_2315, %swap3A_2316] {strides = array<i32>} : memref<4x200x64xf32, #tpu.memory_space<vmem>>, vector<1x1x16xf32>,
      %swap3A_2318 = vector.shape_cast %swap3A_2317 : vector<1x1x16xf32> to vector<16xf32>
      %swap3A_2319 = vector.shape_cast %add3A_2311 : vector<16xf32> to vector<1x1x16xf32>
      tpu.vector_store %arg12[%swap3A_2314, %swap3A_2315, %swap3A_2316], %swap3A_2319 {strides = array<i32>} : memref<4x200x64xf32, #tpu.memory_space<vmem>>, vector<1x1x16xf32>,
      %mul3A_2320 = arith.constant 5 : i32
      %mul3A_2321 = arith.muli %add3A_1972, %mul3A_2320 : i32
      %add3A_2322 = arith.constant 2 : i32
      %add3A_2323 = arith.addi %mul3A_2321, %add3A_2322 : i32
      %get3A_2324 = arith.index_cast %add3A_2323 : i32 to index
      %get3A_2325 = arith.constant 48 : index
      %get3A_2326 = tpu.vector_load %arg9[%get3A_2324, %get3A_2325] {strides = array<i32>} : memref<640x64xf32, #tpu.memory_space<vmem>>, vector<1x16xf32>,
      %get3A_2327 = vector.shape_cast %get3A_2326 : vector<1x16xf32> to vector<16xf32>
      %get3A_2328 = arith.constant 2 : i32
      %get3A_2329 = arith.index_cast %get3A_2328 : i32 to index
      %get3A_2330 = arith.constant 48 : index
      %get3A_2331 = tpu.vector_load %arg10[%get3A_2329, %get3A_2330] {strides = array<i32>} : memref<5x64xf32, #tpu.memory_space<vmem>>, vector<1x16xf32>,
      %get3A_2332 = vector.shape_cast %get3A_2331 : vector<1x16xf32> to vector<16xf32>
      %mul3A_2333 = arith.mulf %get3A_2327, %get3A_2332 : vector<16xf32>
      %get3A_2334 = arith.constant 2 : i32
      %get3A_2335 = arith.index_cast %get3A_2334 : i32 to index
      %get3A_2336 = arith.constant 48 : index
      %get3A_2337 = tpu.vector_load %arg11[%get3A_2335, %get3A_2336] {strides = array<i32>} : memref<5x64xf32, #tpu.memory_space<vmem>>, vector<1x16xf32>,
      %get3A_2338 = vector.shape_cast %get3A_2337 : vector<1x16xf32> to vector<16xf32>
      %add3A_2339 = arith.addf %mul3A_2333, %get3A_2338 : vector<16xf32>
      %swap3A_2340 = arith.constant 3 : i32
      %swap3A_2341 = arith.constant 2 : i32
      %swap3A_2342 = arith.index_cast %swap3A_2340 : i32 to index
      %swap3A_2343 = arith.index_cast %swap3A_2341 : i32 to index
      %swap3A_2344 = arith.constant 48 : index
      %swap3A_2345 = tpu.vector_load %arg12[%swap3A_2342, %swap3A_2343, %swap3A_2344] {strides = array<i32>} : memref<4x200x64xf32, #tpu.memory_space<vmem>>, vector<1x1x16xf32>,
      %swap3A_2346 = vector.shape_cast %swap3A_2345 : vector<1x1x16xf32> to vector<16xf32>
      %swap3A_2347 = vector.shape_cast %add3A_2339 : vector<16xf32> to vector<1x1x16xf32>
      tpu.vector_store %arg12[%swap3A_2342, %swap3A_2343, %swap3A_2344], %swap3A_2347 {strides = array<i32>} : memref<4x200x64xf32, #tpu.memory_space<vmem>>, vector<1x1x16xf32>,
      %mul3A_2348 = arith.constant 5 : i32
      %mul3A_2349 = arith.muli %add3A_1972, %mul3A_2348 : i32
      %add3A_2350 = arith.constant 3 : i32
      %add3A_2351 = arith.addi %mul3A_2349, %add3A_2350 : i32
      %get3A_2352 = arith.index_cast %add3A_2351 : i32 to index
      %get3A_2353 = arith.constant 0 : index
      %get3A_2354 = tpu.vector_load %arg9[%get3A_2352, %get3A_2353] {strides = array<i32>} : memref<640x64xf32, #tpu.memory_space<vmem>>, vector<1x16xf32>,
      %get3A_2355 = vector.shape_cast %get3A_2354 : vector<1x16xf32> to vector<16xf32>
      %get3A_2356 = arith.constant 3 : i32
      %get3A_2357 = arith.index_cast %get3A_2356 : i32 to index
      %get3A_2358 = arith.constant 0 : index
      %get3A_2359 = tpu.vector_load %arg10[%get3A_2357, %get3A_2358] {strides = array<i32>} : memref<5x64xf32, #tpu.memory_space<vmem>>, vector<1x16xf32>,
      %get3A_2360 = vector.shape_cast %get3A_2359 : vector<1x16xf32> to vector<16xf32>
      %mul3A_2361 = arith.mulf %get3A_2355, %get3A_2360 : vector<16xf32>
      %get3A_2362 = arith.constant 3 : i32
      %get3A_2363 = arith.index_cast %get3A_2362 : i32 to index
      %get3A_2364 = arith.constant 0 : index
      %get3A_2365 = tpu.vector_load %arg11[%get3A_2363, %get3A_2364] {strides = array<i32>} : memref<5x64xf32, #tpu.memory_space<vmem>>, vector<1x16xf32>,
      %get3A_2366 = vector.shape_cast %get3A_2365 : vector<1x16xf32> to vector<16xf32>
      %add3A_2367 = arith.addf %mul3A_2361, %get3A_2366 : vector<16xf32>
      %swap3A_2368 = arith.constant 3 : i32
      %swap3A_2369 = arith.constant 3 : i32
      %swap3A_2370 = arith.index_cast %swap3A_2368 : i32 to index
      %swap3A_2371 = arith.index_cast %swap3A_2369 : i32 to index
      %swap3A_2372 = arith.constant 0 : index
      %swap3A_2373 = tpu.vector_load %arg12[%swap3A_2370, %swap3A_2371, %swap3A_2372] {strides = array<i32>} : memref<4x200x64xf32, #tpu.memory_space<vmem>>, vector<1x1x16xf32>,
      %swap3A_2374 = vector.shape_cast %swap3A_2373 : vector<1x1x16xf32> to vector<16xf32>
      %swap3A_2375 = vector.shape_cast %add3A_2367 : vector<16xf32> to vector<1x1x16xf32>
      tpu.vector_store %arg12[%swap3A_2370, %swap3A_2371, %swap3A_2372], %swap3A_2375 {strides = array<i32>} : memref<4x200x64xf32, #tpu.memory_space<vmem>>, vector<1x1x16xf32>,
      %mul3A_2376 = arith.constant 5 : i32
      %mul3A_2377 = arith.muli %add3A_1972, %mul3A_2376 : i32
      %add3A_2378 = arith.constant 3 : i32
      %add3A_2379 = arith.addi %mul3A_2377, %add3A_2378 : i32
      %get3A_2380 = arith.index_cast %add3A_2379 : i32 to index
      %get3A_2381 = arith.constant 16 : index
      %get3A_2382 = tpu.vector_load %arg9[%get3A_2380, %get3A_2381] {strides = array<i32>} : memref<640x64xf32, #tpu.memory_space<vmem>>, vector<1x16xf32>,
      %get3A_2383 = vector.shape_cast %get3A_2382 : vector<1x16xf32> to vector<16xf32>
      %get3A_2384 = arith.constant 3 : i32
      %get3A_2385 = arith.index_cast %get3A_2384 : i32 to index
      %get3A_2386 = arith.constant 16 : index
      %get3A_2387 = tpu.vector_load %arg10[%get3A_2385, %get3A_2386] {strides = array<i32>} : memref<5x64xf32, #tpu.memory_space<vmem>>, vector<1x16xf32>,
      %get3A_2388 = vector.shape_cast %get3A_2387 : vector<1x16xf32> to vector<16xf32>
      %mul3A_2389 = arith.mulf %get3A_2383, %get3A_2388 : vector<16xf32>
      %get3A_2390 = arith.constant 3 : i32
      %get3A_2391 = arith.index_cast %get3A_2390 : i32 to index
      %get3A_2392 = arith.constant 16 : index
      %get3A_2393 = tpu.vector_load %arg11[%get3A_2391, %get3A_2392] {strides = array<i32>} : memref<5x64xf32, #tpu.memory_space<vmem>>, vector<1x16xf32>,
      %get3A_2394 = vector.shape_cast %get3A_2393 : vector<1x16xf32> to vector<16xf32>
      %add3A_2395 = arith.addf %mul3A_2389, %get3A_2394 : vector<16xf32>
      %swap3A_2396 = arith.constant 3 : i32
      %swap3A_2397 = arith.constant 3 : i32
      %swap3A_2398 = arith.index_cast %swap3A_2396 : i32 to index
      %swap3A_2399 = arith.index_cast %swap3A_2397 : i32 to index
      %swap3A_2400 = arith.constant 16 : index
      %swap3A_2401 = tpu.vector_load %arg12[%swap3A_2398, %swap3A_2399, %swap3A_2400] {strides = array<i32>} : memref<4x200x64xf32, #tpu.memory_space<vmem>>, vector<1x1x16xf32>,
      %swap3A_2402 = vector.shape_cast %swap3A_2401 : vector<1x1x16xf32> to vector<16xf32>
      %swap3A_2403 = vector.shape_cast %add3A_2395 : vector<16xf32> to vector<1x1x16xf32>
      tpu.vector_store %arg12[%swap3A_2398, %swap3A_2399, %swap3A_2400], %swap3A_2403 {strides = array<i32>} : memref<4x200x64xf32, #tpu.memory_space<vmem>>, vector<1x1x16xf32>,
      %mul3A_2404 = arith.constant 5 : i32
      %mul3A_2405 = arith.muli %add3A_1972, %mul3A_2404 : i32
      %add3A_2406 = arith.constant 3 : i32
      %add3A_2407 = arith.addi %mul3A_2405, %add3A_2406 : i32
      %get3A_2408 = arith.index_cast %add3A_2407 : i32 to index
      %get3A_2409 = arith.constant 32 : index
      %get3A_2410 = tpu.vector_load %arg9[%get3A_2408, %get3A_2409] {strides = array<i32>} : memref<640x64xf32, #tpu.memory_space<vmem>>, vector<1x16xf32>,
      %get3A_2411 = vector.shape_cast %get3A_2410 : vector<1x16xf32> to vector<16xf32>
      %get3A_2412 = arith.constant 3 : i32
      %get3A_2413 = arith.index_cast %get3A_2412 : i32 to index
      %get3A_2414 = arith.constant 32 : index
      %get3A_2415 = tpu.vector_load %arg10[%get3A_2413, %get3A_2414] {strides = array<i32>} : memref<5x64xf32, #tpu.memory_space<vmem>>, vector<1x16xf32>,
      %get3A_2416 = vector.shape_cast %get3A_2415 : vector<1x16xf32> to vector<16xf32>
      %mul3A_2417 = arith.mulf %get3A_2411, %get3A_2416 : vector<16xf32>
      %get3A_2418 = arith.constant 3 : i32
      %get3A_2419 = arith.index_cast %get3A_2418 : i32 to index
      %get3A_2420 = arith.constant 32 : index
      %get3A_2421 = tpu.vector_load %arg11[%get3A_2419, %get3A_2420] {strides = array<i32>} : memref<5x64xf32, #tpu.memory_space<vmem>>, vector<1x16xf32>,
      %get3A_2422 = vector.shape_cast %get3A_2421 : vector<1x16xf32> to vector<16xf32>
      %add3A_2423 = arith.addf %mul3A_2417, %get3A_2422 : vector<16xf32>
      %swap3A_2424 = arith.constant 3 : i32
      %swap3A_2425 = arith.constant 3 : i32
      %swap3A_2426 = arith.index_cast %swap3A_2424 : i32 to index
      %swap3A_2427 = arith.index_cast %swap3A_2425 : i32 to index
      %swap3A_2428 = arith.constant 32 : index
      %swap3A_2429 = tpu.vector_load %arg12[%swap3A_2426, %swap3A_2427, %swap3A_2428] {strides = array<i32>} : memref<4x200x64xf32, #tpu.memory_space<vmem>>, vector<1x1x16xf32>,
      %swap3A_2430 = vector.shape_cast %swap3A_2429 : vector<1x1x16xf32> to vector<16xf32>
      %swap3A_2431 = vector.shape_cast %add3A_2423 : vector<16xf32> to vector<1x1x16xf32>
      tpu.vector_store %arg12[%swap3A_2426, %swap3A_2427, %swap3A_2428], %swap3A_2431 {strides = array<i32>} : memref<4x200x64xf32, #tpu.memory_space<vmem>>, vector<1x1x16xf32>,
      %mul3A_2432 = arith.constant 5 : i32
      %mul3A_2433 = arith.muli %add3A_1972, %mul3A_2432 : i32
      %add3A_2434 = arith.constant 3 : i32
      %add3A_2435 = arith.addi %mul3A_2433, %add3A_2434 : i32
      %get3A_2436 = arith.index_cast %add3A_2435 : i32 to index
      %get3A_2437 = arith.constant 48 : index
      %get3A_2438 = tpu.vector_load %arg9[%get3A_2436, %get3A_2437] {strides = array<i32>} : memref<640x64xf32, #tpu.memory_space<vmem>>, vector<1x16xf32>,
      %get3A_2439 = vector.shape_cast %get3A_2438 : vector<1x16xf32> to vector<16xf32>
      %get3A_2440 = arith.constant 3 : i32
      %get3A_2441 = arith.index_cast %get3A_2440 : i32 to index
      %get3A_2442 = arith.constant 48 : index
      %get3A_2443 = tpu.vector_load %arg10[%get3A_2441, %get3A_2442] {strides = array<i32>} : memref<5x64xf32, #tpu.memory_space<vmem>>, vector<1x16xf32>,
      %get3A_2444 = vector.shape_cast %get3A_2443 : vector<1x16xf32> to vector<16xf32>
      %mul3A_2445 = arith.mulf %get3A_2439, %get3A_2444 : vector<16xf32>
      %get3A_2446 = arith.constant 3 : i32
      %get3A_2447 = arith.index_cast %get3A_2446 : i32 to index
      %get3A_2448 = arith.constant 48 : index
      %get3A_2449 = tpu.vector_load %arg11[%get3A_2447, %get3A_2448] {strides = array<i32>} : memref<5x64xf32, #tpu.memory_space<vmem>>, vector<1x16xf32>,
      %get3A_2450 = vector.shape_cast %get3A_2449 : vector<1x16xf32> to vector<16xf32>
      %add3A_2451 = arith.addf %mul3A_2445, %get3A_2450 : vector<16xf32>
      %swap3A_2452 = arith.constant 3 : i32
      %swap3A_2453 = arith.constant 3 : i32
      %swap3A_2454 = arith.index_cast %swap3A_2452 : i32 to index
      %swap3A_2455 = arith.index_cast %swap3A_2453 : i32 to index
      %swap3A_2456 = arith.constant 48 : index
      %swap3A_2457 = tpu.vector_load %arg12[%swap3A_2454, %swap3A_2455, %swap3A_2456] {strides = array<i32>} : memref<4x200x64xf32, #tpu.memory_space<vmem>>, vector<1x1x16xf32>,
      %swap3A_2458 = vector.shape_cast %swap3A_2457 : vector<1x1x16xf32> to vector<16xf32>
      %swap3A_2459 = vector.shape_cast %add3A_2451 : vector<16xf32> to vector<1x1x16xf32>
      tpu.vector_store %arg12[%swap3A_2454, %swap3A_2455, %swap3A_2456], %swap3A_2459 {strides = array<i32>} : memref<4x200x64xf32, #tpu.memory_space<vmem>>, vector<1x1x16xf32>,
      %mul3A_2460 = arith.constant 5 : i32
      %mul3A_2461 = arith.muli %add3A_1972, %mul3A_2460 : i32
      %add3A_2462 = arith.constant 4 : i32
      %add3A_2463 = arith.addi %mul3A_2461, %add3A_2462 : i32
      %get3A_2464 = arith.index_cast %add3A_2463 : i32 to index
      %get3A_2465 = arith.constant 0 : index
      %get3A_2466 = tpu.vector_load %arg9[%get3A_2464, %get3A_2465] {strides = array<i32>} : memref<640x64xf32, #tpu.memory_space<vmem>>, vector<1x16xf32>,
      %get3A_2467 = vector.shape_cast %get3A_2466 : vector<1x16xf32> to vector<16xf32>
      %get3A_2468 = arith.constant 4 : i32
      %get3A_2469 = arith.index_cast %get3A_2468 : i32 to index
      %get3A_2470 = arith.constant 0 : index
      %get3A_2471 = tpu.vector_load %arg10[%get3A_2469, %get3A_2470] {strides = array<i32>} : memref<5x64xf32, #tpu.memory_space<vmem>>, vector<1x16xf32>,
      %get3A_2472 = vector.shape_cast %get3A_2471 : vector<1x16xf32> to vector<16xf32>
      %mul3A_2473 = arith.mulf %get3A_2467, %get3A_2472 : vector<16xf32>
      %get3A_2474 = arith.constant 4 : i32
      %get3A_2475 = arith.index_cast %get3A_2474 : i32 to index
      %get3A_2476 = arith.constant 0 : index
      %get3A_2477 = tpu.vector_load %arg11[%get3A_2475, %get3A_2476] {strides = array<i32>} : memref<5x64xf32, #tpu.memory_space<vmem>>, vector<1x16xf32>,
      %get3A_2478 = vector.shape_cast %get3A_2477 : vector<1x16xf32> to vector<16xf32>
      %add3A_2479 = arith.addf %mul3A_2473, %get3A_2478 : vector<16xf32>
      %swap3A_2480 = arith.constant 3 : i32
      %swap3A_2481 = arith.constant 4 : i32
      %swap3A_2482 = arith.index_cast %swap3A_2480 : i32 to index
      %swap3A_2483 = arith.index_cast %swap3A_2481 : i32 to index
      %swap3A_2484 = arith.constant 0 : index
      %swap3A_2485 = tpu.vector_load %arg12[%swap3A_2482, %swap3A_2483, %swap3A_2484] {strides = array<i32>} : memref<4x200x64xf32, #tpu.memory_space<vmem>>, vector<1x1x16xf32>,
      %swap3A_2486 = vector.shape_cast %swap3A_2485 : vector<1x1x16xf32> to vector<16xf32>
      %swap3A_2487 = vector.shape_cast %add3A_2479 : vector<16xf32> to vector<1x1x16xf32>
      tpu.vector_store %arg12[%swap3A_2482, %swap3A_2483, %swap3A_2484], %swap3A_2487 {strides = array<i32>} : memref<4x200x64xf32, #tpu.memory_space<vmem>>, vector<1x1x16xf32>,
      %mul3A_2488 = arith.constant 5 : i32
      %mul3A_2489 = arith.muli %add3A_1972, %mul3A_2488 : i32
      %add3A_2490 = arith.constant 4 : i32
      %add3A_2491 = arith.addi %mul3A_2489, %add3A_2490 : i32
      %get3A_2492 = arith.index_cast %add3A_2491 : i32 to index
      %get3A_2493 = arith.constant 16 : index
      %get3A_2494 = tpu.vector_load %arg9[%get3A_2492, %get3A_2493] {strides = array<i32>} : memref<640x64xf32, #tpu.memory_space<vmem>>, vector<1x16xf32>,
      %get3A_2495 = vector.shape_cast %get3A_2494 : vector<1x16xf32> to vector<16xf32>
      %get3A_2496 = arith.constant 4 : i32
      %get3A_2497 = arith.index_cast %get3A_2496 : i32 to index
      %get3A_2498 = arith.constant 16 : index
      %get3A_2499 = tpu.vector_load %arg10[%get3A_2497, %get3A_2498] {strides = array<i32>} : memref<5x64xf32, #tpu.memory_space<vmem>>, vector<1x16xf32>,
      %get3A_2500 = vector.shape_cast %get3A_2499 : vector<1x16xf32> to vector<16xf32>
      %mul3A_2501 = arith.mulf %get3A_2495, %get3A_2500 : vector<16xf32>
      %get3A_2502 = arith.constant 4 : i32
      %get3A_2503 = arith.index_cast %get3A_2502 : i32 to index
      %get3A_2504 = arith.constant 16 : index
      %get3A_2505 = tpu.vector_load %arg11[%get3A_2503, %get3A_2504] {strides = array<i32>} : memref<5x64xf32, #tpu.memory_space<vmem>>, vector<1x16xf32>,
      %get3A_2506 = vector.shape_cast %get3A_2505 : vector<1x16xf32> to vector<16xf32>
      %add3A_2507 = arith.addf %mul3A_2501, %get3A_2506 : vector<16xf32>
      %swap3A_2508 = arith.constant 3 : i32
      %swap3A_2509 = arith.constant 4 : i32
      %swap3A_2510 = arith.index_cast %swap3A_2508 : i32 to index
      %swap3A_2511 = arith.index_cast %swap3A_2509 : i32 to index
      %swap3A_2512 = arith.constant 16 : index
      %swap3A_2513 = tpu.vector_load %arg12[%swap3A_2510, %swap3A_2511, %swap3A_2512] {strides = array<i32>} : memref<4x200x64xf32, #tpu.memory_space<vmem>>, vector<1x1x16xf32>,
      %swap3A_2514 = vector.shape_cast %swap3A_2513 : vector<1x1x16xf32> to vector<16xf32>
      %swap3A_2515 = vector.shape_cast %add3A_2507 : vector<16xf32> to vector<1x1x16xf32>
      tpu.vector_store %arg12[%swap3A_2510, %swap3A_2511, %swap3A_2512], %swap3A_2515 {strides = array<i32>} : memref<4x200x64xf32, #tpu.memory_space<vmem>>, vector<1x1x16xf32>,
      %mul3A_2516 = arith.constant 5 : i32
      %mul3A_2517 = arith.muli %add3A_1972, %mul3A_2516 : i32
      %add3A_2518 = arith.constant 4 : i32
      %add3A_2519 = arith.addi %mul3A_2517, %add3A_2518 : i32
      %get3A_2520 = arith.index_cast %add3A_2519 : i32 to index
      %get3A_2521 = arith.constant 32 : index
      %get3A_2522 = tpu.vector_load %arg9[%get3A_2520, %get3A_2521] {strides = array<i32>} : memref<640x64xf32, #tpu.memory_space<vmem>>, vector<1x16xf32>,
      %get3A_2523 = vector.shape_cast %get3A_2522 : vector<1x16xf32> to vector<16xf32>
      %get3A_2524 = arith.constant 4 : i32
      %get3A_2525 = arith.index_cast %get3A_2524 : i32 to index
      %get3A_2526 = arith.constant 32 : index
      %get3A_2527 = tpu.vector_load %arg10[%get3A_2525, %get3A_2526] {strides = array<i32>} : memref<5x64xf32, #tpu.memory_space<vmem>>, vector<1x16xf32>,
      %get3A_2528 = vector.shape_cast %get3A_2527 : vector<1x16xf32> to vector<16xf32>
      %mul3A_2529 = arith.mulf %get3A_2523, %get3A_2528 : vector<16xf32>
      %get3A_2530 = arith.constant 4 : i32
      %get3A_2531 = arith.index_cast %get3A_2530 : i32 to index
      %get3A_2532 = arith.constant 32 : index
      %get3A_2533 = tpu.vector_load %arg11[%get3A_2531, %get3A_2532] {strides = array<i32>} : memref<5x64xf32, #tpu.memory_space<vmem>>, vector<1x16xf32>,
      %get3A_2534 = vector.shape_cast %get3A_2533 : vector<1x16xf32> to vector<16xf32>
      %add3A_2535 = arith.addf %mul3A_2529, %get3A_2534 : vector<16xf32>
      %swap3A_2536 = arith.constant 3 : i32
      %swap3A_2537 = arith.constant 4 : i32
      %swap3A_2538 = arith.index_cast %swap3A_2536 : i32 to index
      %swap3A_2539 = arith.index_cast %swap3A_2537 : i32 to index
      %swap3A_2540 = arith.constant 32 : index
      %swap3A_2541 = tpu.vector_load %arg12[%swap3A_2538, %swap3A_2539, %swap3A_2540] {strides = array<i32>} : memref<4x200x64xf32, #tpu.memory_space<vmem>>, vector<1x1x16xf32>,
      %swap3A_2542 = vector.shape_cast %swap3A_2541 : vector<1x1x16xf32> to vector<16xf32>
      %swap3A_2543 = vector.shape_cast %add3A_2535 : vector<16xf32> to vector<1x1x16xf32>
      tpu.vector_store %arg12[%swap3A_2538, %swap3A_2539, %swap3A_2540], %swap3A_2543 {strides = array<i32>} : memref<4x200x64xf32, #tpu.memory_space<vmem>>, vector<1x1x16xf32>,
      %mul3A_2544 = arith.constant 5 : i32
      %mul3A_2545 = arith.muli %add3A_1972, %mul3A_2544 : i32
      %add3A_2546 = arith.constant 4 : i32
      %add3A_2547 = arith.addi %mul3A_2545, %add3A_2546 : i32
      %get3A_2548 = arith.index_cast %add3A_2547 : i32 to index
      %get3A_2549 = arith.constant 48 : index
      %get3A_2550 = tpu.vector_load %arg9[%get3A_2548, %get3A_2549] {strides = array<i32>} : memref<640x64xf32, #tpu.memory_space<vmem>>, vector<1x16xf32>,
      %get3A_2551 = vector.shape_cast %get3A_2550 : vector<1x16xf32> to vector<16xf32>
      %get3A_2552 = arith.constant 4 : i32
      %get3A_2553 = arith.index_cast %get3A_2552 : i32 to index
      %get3A_2554 = arith.constant 48 : index
      %get3A_2555 = tpu.vector_load %arg10[%get3A_2553, %get3A_2554] {strides = array<i32>} : memref<5x64xf32, #tpu.memory_space<vmem>>, vector<1x16xf32>,
      %get3A_2556 = vector.shape_cast %get3A_2555 : vector<1x16xf32> to vector<16xf32>
      %mul3A_2557 = arith.mulf %get3A_2551, %get3A_2556 : vector<16xf32>
      %get3A_2558 = arith.constant 4 : i32
      %get3A_2559 = arith.index_cast %get3A_2558 : i32 to index
      %get3A_2560 = arith.constant 48 : index
      %get3A_2561 = tpu.vector_load %arg11[%get3A_2559, %get3A_2560] {strides = array<i32>} : memref<5x64xf32, #tpu.memory_space<vmem>>, vector<1x16xf32>,
      %get3A_2562 = vector.shape_cast %get3A_2561 : vector<1x16xf32> to vector<16xf32>
      %add3A_2563 = arith.addf %mul3A_2557, %get3A_2562 : vector<16xf32>
      %swap3A_2564 = arith.constant 3 : i32
      %swap3A_2565 = arith.constant 4 : i32
      %swap3A_2566 = arith.index_cast %swap3A_2564 : i32 to index
      %swap3A_2567 = arith.index_cast %swap3A_2565 : i32 to index
      %swap3A_2568 = arith.constant 48 : index
      %swap3A_2569 = tpu.vector_load %arg12[%swap3A_2566, %swap3A_2567, %swap3A_2568] {strides = array<i32>} : memref<4x200x64xf32, #tpu.memory_space<vmem>>, vector<1x1x16xf32>,
      %swap3A_2570 = vector.shape_cast %swap3A_2569 : vector<1x1x16xf32> to vector<16xf32>
      %swap3A_2571 = vector.shape_cast %add3A_2563 : vector<16xf32> to vector<1x1x16xf32>
      tpu.vector_store %arg12[%swap3A_2566, %swap3A_2567, %swap3A_2568], %swap3A_2571 {strides = array<i32>} : memref<4x200x64xf32, #tpu.memory_space<vmem>>, vector<1x1x16xf32>,
      %add3A_2572 = arith.addi %mul3A_2, %add3A_1972 : i32
      %mul3A_2573 = arith.constant 200 : i32
      %mul3A_2574 = arith.muli %add3A_2572, %mul3A_2573 : i32
      %dma_start3A_2575 = arith.constant 3 : i32
      %dma_start3A_2576 = arith.constant 0 : i32
      %dma_start3A_2577 = arith.constant 0 : i32
      %dma_start3A_2578 = tpu.memref_slice %arg12[%dma_start3A_2575, %dma_start3A_2576, %dma_start3A_2577] : memref<4x200x64xf32, #tpu.memory_space<vmem>> -> memref<1x200x64xf32, #tpu.memory_space<vmem>>
      %dma_start3A_2579 = tpu.memref_squeeze %dma_start3A_2578 : memref<1x200x64xf32, #tpu.memory_space<vmem>> -> memref<200x64xf32, #tpu.memory_space<vmem>>
      %dma_start3A_2580 = arith.constant 0 : i32
      %dma_start3A_2581 = tpu.memref_slice %arg7[%mul3A_2574, %dma_start3A_2580] : memref<819200x64xf32, #tpu.memory_space<hbm>> -> memref<200x64xf32, #tpu.memory_space<hbm>>
      %dma_start3A_2582 = arith.constant 0 : i32
      %dma_start3A_2583 = tpu.memref_slice %arg7[%mul3A_2574, %dma_start3A_2582] : memref<819200x64xf32, #tpu.memory_space<hbm>> -> memref<200x64xf32, #tpu.memory_space<hbm>>
      %dma_start3A_2584 = arith.constant 0 : i32
      %dma_start3A_2585 = arith.constant 0 : i32
      %dma_start3A_2586 = tpu.memref_slice %arg12[%dma_start3A_2575, %dma_start3A_2584, %dma_start3A_2585] : memref<4x200x64xf32, #tpu.memory_space<vmem>> -> memref<1x200x64xf32, #tpu.memory_space<vmem>>
      %dma_start3A_2587 = tpu.memref_squeeze %dma_start3A_2586 : memref<1x200x64xf32, #tpu.memory_space<vmem>> -> memref<200x64xf32, #tpu.memory_space<vmem>>
      tpu.enqueue_dma source(%dma_start3A_2587 : memref<200x64xf32, #tpu.memory_space<vmem>>) target(%dma_start3A_2583 : memref<200x64xf32, #tpu.memory_space<hbm>>) target_semaphore(%arg20 : memref<!tpu.dma_semaphore, #tpu.memory_space<semaphore_mem>>)
    }
    %scan3A_95 = arith.constant 32 : i32
    %dma_wait3A_96 = arith.constant 3 : i32
    %dma_wait3A_97 = arith.constant 0 : i32
    %dma_wait3A_98 = arith.constant 0 : i32
    %dma_wait3A_99 = tpu.memref_slice %arg12[%dma_wait3A_96, %dma_wait3A_97, %dma_wait3A_98] : memref<4x200x64xf32, #tpu.memory_space<vmem>> -> memref<1x200x64xf32, #tpu.memory_space<vmem>>
    %dma_wait3A_100 = tpu.memref_squeeze %dma_wait3A_99 : memref<1x200x64xf32, #tpu.memory_space<vmem>> -> memref<200x64xf32, #tpu.memory_space<vmem>>
    %dma_wait3A_101 = arith.constant 0 : i32
    %dma_wait3A_102 = arith.constant 0 : i32
    %dma_wait3A_103 = tpu.memref_slice %arg7[%dma_wait3A_101, %dma_wait3A_102] : memref<819200x64xf32, #tpu.memory_space<hbm>> -> memref<200x64xf32, #tpu.memory_space<hbm>>
    %dma_wait3A_104 = arith.constant 0 : i32
    %dma_wait3A_105 = arith.constant 0 : i32
    %dma_wait3A_106 = tpu.memref_slice %arg7[%dma_wait3A_104, %dma_wait3A_105] : memref<819200x64xf32, #tpu.memory_space<hbm>> -> memref<200x64xf32, #tpu.memory_space<hbm>>
    %dma_wait3A_107 = arith.constant 0 : i32
    %dma_wait3A_108 = arith.constant 0 : i32
    %dma_wait3A_109 = tpu.memref_slice %arg12[%dma_wait3A_96, %dma_wait3A_107, %dma_wait3A_108] : memref<4x200x64xf32, #tpu.memory_space<vmem>> -> memref<1x200x64xf32, #tpu.memory_space<vmem>>
    %dma_wait3A_110 = tpu.memref_squeeze %dma_wait3A_109 : memref<1x200x64xf32, #tpu.memory_space<vmem>> -> memref<200x64xf32, #tpu.memory_space<vmem>>
    tpu.wait_dma2 semaphore(%arg20 : memref<!tpu.dma_semaphore, #tpu.memory_space<semaphore_mem>>) src(%dma_wait3A_110 : memref<200x64xf32, #tpu.memory_space<vmem>>) dst(%dma_wait3A_106 : memref<200x64xf32, #tpu.memory_space<hbm>>)
    return
  }
}

</mosaic_0001>

<sc_bundles>
// kernel: kernel.3.cloned.1.call-start
scs
__scs_entry_jumppad:
0x0: {  	(pc) =	sbr.rel $0x88, $3  }
0x1: {  	(tag) =	ssettag $0x0;
	lr =	simm.s32 $0x1  }
0x2: {  	[smem:$0x3F9D] =	sst lr;
	_ =	strace $0xD0000000  }
0x3: {  	_ = 	snop  }
0x4: {  	_ = 	snop  }
0x5: {  	_ = 	snop  }
0x6: {  	_ = 	snop  }
0x7: {  	_ = 	snop  }
__scs_overlays_trampoline_lowered:
0x8: {  	[smem:$0x3FAC] =	sst s0  }
0x9: {  	[smem:$0x3FAD] =	sst s1  }
0xa: {  	[smem:$0x3FAE] =	sst s2  }
0xb: {  	[smem:$0x3FAF] =	sst s3  }
0xc: {  	[smem:$0x3FB0] =	sst s4  }
0xd: {  	[smem:$0x3FB1] =	sst s5  }
0xe: {  	[smem:$0x3FB2] =	sst s6  }
0xf: {  	[smem:$0x3FB3] =	sst s7  }
0x10: {  	[smem:$0x3FB4] =	sst s8  }
0x11: {  	[smem:$0x3FB5] =	sst s9;
	s0 =	simm.s32 @!p0 $0x0  }
0x12: {  	s1 =	sld [smem:$0x3F9B];
	s0 =	simm.s32 @p0 $0x1  }
0x13: {  	[smem:$0x3FB6] =	sst s0;
	s0 =	simm.s32 @!p1 $0x0  }
0x14: {  	s2 =	sld [smem:$0x3F9A];
	s0 =	simm.s32 @p1 $0x1  }
0x15: {  	[smem:$0x3FB7] =	sst s0;
	s0 =	simm.s32 @!p2 $0x0  }
0x16: {  	s3 =	sld [smem:$0x3FDB];
	s0 =	simm.s32 @p2 $0x1  }
0x17: {  	s4 =	simm.s32 $0x1BF5;
	[smem:$0x3FB9] =	sst s0  }
0x18: {  	s0 =	sld [smem:$0x3F9C];
	_ =	swait.ge [sflag:s4], $0x0  }
0x19: {  	s7 =	sld [smem:$0x3F9D]  }
0x1a: {  	s8 =	sadd.s32 $0xFFFFE003, lr  }
0x1b: {  	s9 =	sadd.s32 $0xFFFFFEF7, lr;
	s5 =	simm.s32 $0xFFFFFFFF;
	p2 =	slt.u32 s8, $0xFFFFF086  }
0x1c: {  	p1 =	slt.u32 s9, $0xF7A;
	s5 =	simm.s32 @!p2 $0x0  }
0x1d: {  	s5 =	simm.s32 @p1 $0x1;
	p0 =	seq.s32 s7, s2  }
0x1e: {  	s7 =	smul.u32 @!p0 $0xF7A, s2;
	p2 =	seq.s32 @!p0 s5, $0x0  }
0x1f: {  	s9 =	smul.u32 $0xF7A, s1;
	s8 =	simm.s32 @!p0 $0x1BF5;
	p2 =	por !p2, p0  }
0x20: {  	[sflag:s8] =	ssyncset.s32 @!p0 $0xFFFFF086;
	s6 =	sadd.s32 @!p0 s3, s7;
	s7 =	simm.s32 @!p0 $0x108  }
0x21: {  	s3 =	sadd.s32 s3, s9;
	s6 =	sadd.s32 @!p0 $0x88, s6;
	s7 =	simm.s32 @p2 $0x1082  }
0x22: {  	[simem:s7], [sflag:s8] =	dma.local @!p0 [hbm:s6], $0xF7A  }
0x23: {  	s9 =	sor.u32 $0xD0000000, s2;
	s6 =	simm.s32 $0x108;
	_ =	swait.ge @!p0 [sflag:s8], $0x0  }
0x24: {  	s3 =	sadd.s32 $0x88, s3;
	s6 =	simm.s32 @!p1 $0x1082;
	[sflag:s4] =	ssyncset.s32 $0xFFFFF086  }
0x25: {  	[simem:s6], [sflag:s4] =	dma.local [hbm:s3], $0xF7A  }
0x26: {  	[smem:$0x3F9D] =	sst s1;
	(tag) =	ssettag s2;
	_ =	strace s9  }
0x27: {  	s1 =	sld [smem:$0x3FAD]  }
0x28: {  	s2 =	sld [smem:$0x3FAE]  }
0x29: {  	s4 =	sld [smem:$0x3FB0]  }
0x2a: {  	p0 =	seq.s32 s5, $0x0;
	s5 =	sld [smem:$0x3FB1]  }
0x2b: {  	s6 =	sld [smem:$0x3FB2]  }
0x2c: {  	s7 =	sld [smem:$0x3FB3]  }
0x2d: {  	s3 =	simm.s32 $0x108;
	s8 =	sld [smem:$0x3FB4]  }
0x2e: {  	s3 =	simm.s32 @!p0 $0x1082;
	s9 =	sld [smem:$0x3FB5]  }
0x2f: {  	lr =	sadd.s32 s0, s3;
	s0 =	sld [smem:$0x3FAC]  }
0x30: {  	s3 =	sld [smem:$0x3FAF]  }
0x31: {  	[smem:$0x3FB8] =	sst s10  }
0x32: {  	s10 =	sld [smem:$0x3FB6];
	_ =	sdelay $0x3  }
0x33: {  	p0 =	seq.s32 s10, $0x1;
	s10 =	sld [smem:$0x3FB8];
	_ =	sdelay $0x3  }
0x34: {  	[smem:$0x3FB8] =	sst s10  }
0x35: {  	s10 =	sld [smem:$0x3FB7];
	_ =	sdelay $0x3  }
0x36: {  	p1 =	seq.s32 s10, $0x1;
	s10 =	sld [smem:$0x3FB8];
	_ =	sdelay $0x3  }
0x37: {  	[smem:$0x3FB8] =	sst s10  }
0x38: {  	s10 =	sld [smem:$0x3FB9]  }
0x39: {  	_ = 	snop;
	(pc) =	sbr.ind lr, $3  }
0x3a: {  	_ = 	snop  }
0x3b: {  	_ = 	snop  }
0x3c: {  	p2 =	seq.s32 s10, $0x1;
	s10 =	sld [smem:$0x3FB8]  }
0x3d: {  	_ =	shalt  }
0x3e: {  	_ =	shalt  }
0x3f: {  	_ =	shalt  }
0x40: {  	_ =	shalt  }
0x41: {  	_ =	shalt  }
0x42: {  	_ =	shalt  }
0x43: {  	_ =	shalt  }
0x44: {  	_ =	shalt  }
0x45: {  	_ =	shalt  }
0x46: {  	_ =	shalt  }
0x47: {  	_ =	shalt  }
0x48: {  	_ =	shalt  }
0x49: {  	_ =	shalt  }
0x4a: {  	_ =	shalt  }
0x4b: {  	_ =	shalt  }
0x4c: {  	_ =	shalt  }
0x4d: {  	_ =	shalt  }
0x4e: {  	_ =	shalt  }
0x4f: {  	_ =	shalt  }
0x50: {  	_ =	shalt  }
0x51: {  	_ =	shalt  }
0x52: {  	_ =	shalt  }
0x53: {  	_ =	shalt  }
0x54: {  	_ =	shalt  }
0x55: {  	_ =	shalt  }
0x56: {  	_ =	shalt  }
0x57: {  	_ =	shalt  }
0x58: {  	_ =	shalt  }
0x59: {  	_ =	shalt  }
0x5a: {  	_ =	shalt  }
0x5b: {  	_ =	shalt  }
0x5c: {  	_ =	shalt  }
0x5d: {  	_ =	shalt  }
0x5e: {  	_ =	shalt  }
0x5f: {  	_ =	shalt  }
0x60: {  	_ =	shalt  }
0x61: {  	_ =	shalt  }
0x62: {  	_ =	shalt  }
0x63: {  	_ =	shalt  }
0x64: {  	_ =	shalt  }
0x65: {  	_ =	shalt  }
0x66: {  	_ =	shalt  }
0x67: {  	_ =	shalt  }
0x68: {  	_ =	shalt  }
0x69: {  	_ =	shalt  }
0x6a: {  	_ =	shalt  }
0x6b: {  	_ =	shalt  }
0x6c: {  	_ =	shalt  }
0x6d: {  	_ =	shalt  }
0x6e: {  	_ =	shalt  }
0x6f: {  	_ =	shalt  }
0x70: {  	_ =	shalt  }
0x71: {  	_ =	shalt  }
0x72: {  	_ =	shalt  }
0x73: {  	_ =	shalt  }
0x74: {  	_ =	shalt  }
0x75: {  	_ =	shalt  }
0x76: {  	_ =	shalt  }
0x77: {  	_ =	shalt  }
0x78: {  	_ =	shalt  }
0x79: {  	_ =	shalt  }
0x7a: {  	_ =	shalt  }
0x7b: {  	_ =	shalt  }
0x7c: {  	_ =	shalt  }
0x7d: {  	_ =	shalt  }
0x7e: {  	_ =	shalt  }
0x7f: {  	_ =	shalt  }
0x80: {  	_ =	shalt  }
0x81: {  	_ =	shalt  }
0x82: {  	_ =	shalt  }
0x83: {  	_ =	shalt  }
0x84: {  	_ =	shalt  }
0x85: {  	_ =	shalt  }
0x86: {  	_ =	shalt  }
0x87: {  	_ =	shalt  }
.Lfunc_end0:
.L_simem_size_0:
called_computation.1_lowered:
.L_overlay_start_0:
0x88: {  	s2 =	sld [smem:$0x3FD9]  }
0x89: {  	s3 =	sld [smem:$0x3FFE];
	_ =	sdelay $0x1  }
0x8a: {  	s1 =	srdreg.scid  }
0x8b: {  	s0 =	sand.u32 $0x1, s1  }
0x8c: {  	s17 =	sshll.u32 s0, $0xA;
	s2 =	sadd.s32 s3, s2  }
0x8d: {  	s2 =	sadd.s32 s2, s17  }
0x8e: {  	[smem:$0x3FC4] =	sst s2  }
0x8f: {  	_ = 	snop  }
0x90: {  	s2 =	sld [smem:$0x3FD0];
	(tm) =	ssettm $0x1  }
0x91: {  	s18 =	sld [smem:$0x3FFB];
	_ =	sdelay $0x3  }
0x92: {  	_ =	strace s18  }
0x93: {  	s3 =	sld [smem:$0x3FFC];
	_ =	sdelay $0x3  }
0x94: {  	_ =	strace s3  }
0x95: {  	s3 =	sld [smem:$0x3FFD];
	_ =	sdelay $0x3  }
0x96: {  	_ =	strace s3  }
0x97: {  	_ =	strace $0x8FFFFFFF  }
0x98: {  	s19 =	sld [smem:$0x3FDB];
	_ =	sdelay $0x1  }
0x99: {  	s4 =	simm.s32 $_scs_section_size  }
0x9a: {  	s5 =	simm.s32 $_size__tile_overlayer_lowered;
	s6 =	simm.s32 $_tile_overlayer_lowered  }
0x9b: {  	s22 =	simm.s32 $0x1BFF;
	s21 =	sshll.u32 s6, $0x1;
	s3 =	sadd.s32 s4, s19  }
0x9c: {  	s7 =	simm.s32 $0x0;
	s20 =	sshll.u32 s5, $0x1;
	s5 =	sadd.s32 s21, s3  }
0x9d: {  	[timem:s7], [sflag:s22] =	dma.local [hbm:s5], s20  }
0x9e: {  	_ =	swait.ge [sflag:s22], s20  }
0x9f: {  	s4 =	ssub.s32 $0x0, s20;
	[sflag:s22] =	ssyncset.done $0x0  }
0xa0: {  	[sflag:s22] =	ssyncadd.s32 s4;
	_ =	sdelay $0x1  }
0xa1: {  	s23 =	simm.s32 $0x1B8B  }
0xa2: {  	_ =	swait.ge [sflag:s23], $0x1  }
0xa3: {  	[sflag:s23] =	ssyncset.done $0x0  }
0xa4: {  	s25 =	simm.s32 $0x1B8E;
	s24 =	sld [smem:$0x3FFE];
	[sflag:s23] =	ssyncadd.s32 $0xFFFFFFFF  }
0xa5: {  	s26 =	simm.s32 $execute0_lowered;
	[smem:$0x3FD2] =	sst s25  }
0xa6: {  	s5 =	sshll.u32 s26, $0x1;
	_ =	strace $0x80000046;
	[dreg:$0x1] =	wrdreg $0xFFFFFFFF  }
0xa7: {  	s28 =	simm.s32 $_size_execute0_lowered;
	s3 =	sadd.s32 s3, s5;
	[dreg:$0x0] =	wrdreg $0x0  }
0xa8: {  	s5 =	sshll.u32 s28, $0x1;
	[dreg:$0x2] =	wrdreg s3  }
0xa9: {  	[dreg:$0x3] =	wrdreg s5  }
0xaa: {  	[dreg:$0x4] =	wrdreg $0xC0  }
0xab: {  	_ =	task [dreg:s7], $0x5FFFF  }
0xac: {  	[dreg:$0x1] =	wrdreg $0xFFFFFFFF  }
0xad: {  	[dreg:$0x0] =	wrdreg $0x60  }
0xae: {  	[dreg:$0x2] =	wrdreg s24  }
0xaf: {  	[dreg:$0x3] =	wrdreg s2  }
0xb0: {  	[dreg:$0x4] =	wrdreg $0x9  }
0xb1: {  	_ =	task.clear_ibuf [dreg:s7], $0x5FFFF;
	_ =	strace $0x90000046  }
0xb2: {  	s29 =	simm.s32 $0x9;
	_ =	strace $0x80000048  }
0xb3: {  	_ =	swait.ge [sflag:s29], $0x1  }
0xb4: {  	[sflag:s29] =	ssyncadd.s32 $0xFFFFFFFF  }
0xb5: {  	_ =	strace $0x90000048  }
0xb6: {  	_ =	sfence  }
0xb7: {  	s30 =	sld [smem:$0x0];
	_ =	sdelay $0x2  }
0xb8: {  	s31 =	sshll.u32 s1, $0xD;
	s1 =	sshrl.u32 s1, $0x2  }
0xb9: {  	s3 =	sand.u32 $0x4000, s31;
	s1 =	sadd.s32 s1, s30  }
0xba: {  	s0 =	sor.u32 s3, s0;
	s1 =	sshll.u32 s1, $0x11  }
0xbb: {  	s0 =	sor.u32 s1, s0  }
0xbc: {  	s0 =	sadd.s32 $0x8F2B, s0  }
0xbd: {  	[sflag:s0] =	ssyncadd.remote.s32 $0x1  }
0xbe: {  	_ =	sfence.sel $0xFFFF  }
0xbf: {  	[dreg:$0x0] =	wrdreg $0xFFFFFFFF;
	(pc) =	sbr.abs _section_cstart, $3  }
0xc0: {  	[dreg:$0x1] =	wrdreg $0xFFFFFFFF  }
0xc1: {  	_ =	task.clear_ibuf [dreg:s7], $0x2FFFF;
	_ =	strace $0x9FFFFFFF  }
0xc2: {  	(tm) =	ssettm $0x7FFFFFFF  }
0xc3: {  	_ =	shalt  }
tec
execute0_lowered:
.L_overlay_start_1:
0x0: {  	(tag) =	ssettag $0x1  }
0x1: {  	s0 =	srdreg.scid;
	s1 =	rddreg [dreg:$0x0]  }
0x2: {  	s11 =	stileid.u32;
	s8 =	rddreg [dreg:$0x1]  }
0x3: {  	s13 =	simm.s32 $0x9;
	s14 =	simm.s32 $0x80;
	s15 =	simm.s32 $0x10680  }
0x4: {  	s16 =	simm.s32 $0x48;
	s19 =	simm.s32 $0x13880;
	s26 =	simm.s32 $0x1BC80  }
0x5: {  	s28 =	simm.s32 $0x1;
	s29 =	simm.s32 $0x5;
	s30 =	simm.s32 $0x2  }
0x6: {  	s31 =	simm.s32 $0x6;
	s0 =	sand.u32 $0x1, s0;
	s2 =	sshll.u32 s11, $0x1  }
0x7: {  	s12 =	simm.s32 $0x0;
	s11 =	smul.u32 $0x64000, s11;
	s3 =	sor.u32 s0, s2  }
0x8: {  	s2 =	simm.s32 $0x0;
	s9 =	ssub.s32 $0x2, s0;
	s0 =	smul.u32 $0x32000, s0  }
0x9: {  	s23 =	sadd.s32 $0xA00, s1;
	s4 =	smul.u32 $0xC80, s3;
	[smem:$0x7FF] =	sst s2  }
0xa: {  	s5 =	smul.u32 $0x1400, s3;
	s3 =	sadd.s32 $0x41E00, s1;
	s10 =	sshrl.u32 s9, $0x1  }
0xb: {  	s25 =	sadd.s32 s11, s8;
	s11 =	simm.s32 $0x8;
	_ =	strace $0x80000047  }
0xc: {  	[dreg:$0x4] =	wrdreg s23;
	s24 =	ssub.s32 s9, s10;
	s18 =	sadd.s32 s0, s25  }
0xd: {  	s23 =	simm.s32 $0x16A80;
	[dreg:$0x3] =	wrdreg s26;
	s26 =	simm.s32 $0x19C80  }
0xe: {  	s0 =	simm.s32 $0x7;
	s10 =	simm.s32 $0x4;
	s6 =	sadd.s32 s4, s1  }
0xf: {  	s7 =	sadd.s32 s5, s1;
	s5 =	sadd.s32 $0xC00, s1;
	s8 =	smax.u32 s24, $0x1  }
0x10: {  	s1 =	simm.s32 $0x3;
	s6 =	sadd.s32 $0xE00, s6;
	s7 =	sadd.s32 $0x19E00, s7  }
.LBB2_1:
0x11: {  	[tilespmem:s2], [sflag:$0x9] =	stream.linear.gather [hbm4b:s6+s2], $0x6400, $0x38;
	[tilespmem:$0x1CE80] =	vst v63  }
0x12: {  	s4 =	simm.s32 $0x6400  }
0x13: {  	[tilespmem:s4], [sflag:$0x9] =	stream.linear.gather [hbm4b:s7+s2], $0xA000, $0x38;
	[tilespmem:$0x1CE80] =	vst v63  }
0x14: {  	s24 =	rddreg [dreg:$0x4];
	s9 =	simm.s32 $0x10400  }
0x15: {  	[tilespmem:s9], [sflag:$0x9] =	stream.linear.gather [hbm4b:s24+s2], $0x140, $0x38;
	[tilespmem:$0x1CE80] =	vst v63  }
0x16: {  	s25 =	simm.s32 $0x10540  }
0x17: {  	[tilespmem:s25], [sflag:$0x9] =	stream.linear.gather [hbm4b:s5+s2], $0x140, $0x38;
	[tilespmem:$0x1CE80] =	vst v63  }
0x18: {  	_ =	swait.ge [sflag:s13], $0x6400  }
0x19: {  	[sflag:s13] =	ssyncset.done $0x0  }
0x1a: {  	[sflag:s13] =	ssyncadd.s32 $0xFFFF9C00  }
0x1b: {  	_ =	swait.ge [sflag:s13], $0xA000  }
0x1c: {  	[sflag:s13] =	ssyncset.done $0x0  }
0x1d: {  	[sflag:s13] =	ssyncadd.s32 $0xFFFF6000  }
0x1e: {  	_ =	swait.ge [sflag:s13], $0x140  }
0x1f: {  	[sflag:s13] =	ssyncset.done $0x0  }
0x20: {  	[sflag:s13] =	ssyncadd.s32 $0xFFFFFEC0  }
0x21: {  	_ =	swait.ge [sflag:s13], $0x140  }
0x22: {  	[sflag:s13] =	ssyncset.done $0x0  }
0x23: {  	[sflag:s13] =	ssyncadd.s32 $0xFFFFFEC0  }
0x24: {  	[tilespmem:s15], [sflag:$0x1] =	stream.indirect.gather [hbm4b:s3+s14], $0x40, s2, s14, $0xb8;
	[tilespmem:$0x1CE80] =	vst v63  }
0x25: {  	s9 =	simm.s32 $0x12680  }
0x26: {  	[tilespmem:s9], [sflag:$0x1] =	stream.indirect.gather [hbm4b:s3+s16], $0x40, s14, s16, $0xb8;
	[tilespmem:$0x1CE80] =	vst v63  }
0x27: {  	s17 =	simm.s32 $0xC8  }
0x28: {  	[tilespmem:s19], [sflag:$0x2] =	stream.indirect.gather [hbm4b:s3+s14], $0x40, s17, s14, $0xb8;
	[tilespmem:$0x1CE80] =	vst v63  }
0x29: {  	s20 =	simm.s32 $0x148;
	s21 =	simm.s32 $0x15880  }
0x2a: {  	[tilespmem:s21], [sflag:$0x2] =	stream.indirect.gather [hbm4b:s3+s16], $0x40, s20, s16, $0xb8;
	[tilespmem:$0x1CE80] =	vst v63  }
0x2b: {  	s22 =	simm.s32 $0x190;
	s24 =	simm.s32 $0x210;
	s25 =	simm.s32 $0x18A80  }
0x2c: {  	[tilespmem:s23], [sflag:$0x3] =	stream.indirect.gather [hbm4b:s3+s14], $0x40, s22, s14, $0xb8;
	[tilespmem:$0x1CE80] =	vst v63  }
0x2d: {  	s9 =	smov.u32 s18;
	s17 =	simm.s32 $0x6680;
	s20 =	simm.s32 $0x0  }
0x2e: {  	[tilespmem:s25], [sflag:$0x3] =	stream.indirect.gather [hbm4b:s3+s16], $0x40, s24, s16, $0xb8;
	[tilespmem:$0x1CE80] =	vst v63  }
.LBB2_2:
0x2f: {  	p0 =	seq.s32 s20, $0x0  }
0x30: {  	s21 =	simm.s32 @!p0 $0x8  }
0x31: {  	_ =	swait.ge @!p0 [sflag:s21], $0x3200  }
0x32: {  	s22 =	sshra.s32 s20, $0x2;
	[sflag:s21] =	ssyncset.done @!p0 $0x0  }
0x33: {  	s4 =	sadd.s32 $0x258, s22;
	[sflag:s21] =	ssyncadd.s32 @!p0 $0xFFFFCE00  }
0x34: {  	[tilespmem:s26], [sflag:$0x4] =	stream.indirect.gather [hbm4b:s3+s14], $0x40, s4, s14, $0xb8;
	[tilespmem:$0x1CE80] =	vst v63  }
0x35: {  	s22 =	sadd.s32 $0x2D8, s22;
	s24 =	rddreg [dreg:$0x3]  }
0x36: {  	[tilespmem:s24], [sflag:$0x4] =	stream.indirect.gather [hbm4b:s3+s16], $0x40, s22, s16, $0xb8;
	[tilespmem:$0x1CE80] =	vst v63  }
0x37: {  	_ =	swait.ge [sflag:s28], $0x3200  }
0x38: {  	[sflag:s28] =	ssyncset.done $0x0  }
0x39: {  	[sflag:s28] =	ssyncadd.s32 $0xFFFFCE00  }
0x3a: {  	v0 =	vld [tilespmem:s17+$0xFFFFFD80]  }
0x3b: {  	v1 =	vld [tilespmem:$0x10400];
	_ =	sdelay $0x1  }
0x3c: {  	v2 =	vld [tilespmem:$0x10540];
	_ =	sdelay $0x2  }
0x3d: {  	v0 =	vmul.f32 v1, v0;
	_ =	sdelay $0x1  }
0x3e: {  	v0 =	vadd.f32 v2, v0;
	_ =	sdelay $0x1  }
0x3f: {  	v23 =	vld [tilespmem:$0x10410];
	[tilespmem:$0x10680] =	vst v0  }
0x40: {  	v0 =	vld [tilespmem:s17+$0xFFFFFD90];
	_ =	sdelay $0x1  }
0x41: {  	v24 =	vld [tilespmem:$0x10550];
	_ =	sdelay $0x2  }
0x42: {  	v0 =	vmul.f32 v23, v0;
	_ =	sdelay $0x1  }
0x43: {  	v0 =	vadd.f32 v24, v0;
	_ =	sdelay $0x1  }
0x44: {  	v25 =	vld [tilespmem:$0x10420];
	[tilespmem:$0x10690] =	vst v0  }
0x45: {  	v0 =	vld [tilespmem:s17+$0xFFFFFDA0];
	_ =	sdelay $0x1  }
0x46: {  	v26 =	vld [tilespmem:$0x10560];
	_ =	sdelay $0x2  }
0x47: {  	v0 =	vmul.f32 v25, v0;
	_ =	sdelay $0x1  }
0x48: {  	v0 =	vadd.f32 v26, v0;
	_ =	sdelay $0x1  }
0x49: {  	v27 =	vld [tilespmem:$0x10430];
	[tilespmem:$0x106A0] =	vst v0  }
0x4a: {  	v0 =	vld [tilespmem:s17+$0xFFFFFDB0];
	_ =	sdelay $0x1  }
0x4b: {  	v28 =	vld [tilespmem:$0x10570];
	_ =	sdelay $0x2  }
0x4c: {  	v0 =	vmul.f32 v27, v0;
	_ =	sdelay $0x1  }
0x4d: {  	v0 =	vadd.f32 v28, v0;
	_ =	sdelay $0x1  }
0x4e: {  	v29 =	vld [tilespmem:$0x10440];
	[tilespmem:$0x106B0] =	vst v0  }
0x4f: {  	v0 =	vld [tilespmem:s17+$0xFFFFFDC0];
	_ =	sdelay $0x1  }
0x50: {  	v30 =	vld [tilespmem:$0x10580];
	_ =	sdelay $0x2  }
0x51: {  	v0 =	vmul.f32 v29, v0;
	_ =	sdelay $0x1  }
0x52: {  	v0 =	vadd.f32 v30, v0;
	_ =	sdelay $0x1  }
0x53: {  	v31 =	vld [tilespmem:$0x10450];
	[tilespmem:$0x106C0] =	vst v0  }
0x54: {  	v0 =	vld [tilespmem:s17+$0xFFFFFDD0];
	_ =	sdelay $0x1  }
0x55: {  	v32 =	vld [tilespmem:$0x10590];
	_ =	sdelay $0x2  }
0x56: {  	v0 =	vmul.f32 v31, v0;
	_ =	sdelay $0x1  }
0x57: {  	v0 =	vadd.f32 v32, v0;
	_ =	sdelay $0x1  }
0x58: {  	v33 =	vld [tilespmem:$0x10460];
	[tilespmem:$0x106D0] =	vst v0  }
0x59: {  	v0 =	vld [tilespmem:s17+$0xFFFFFDE0];
	_ =	sdelay $0x1  }
0x5a: {  	v34 =	vld [tilespmem:$0x105A0];
	_ =	sdelay $0x2  }
0x5b: {  	v0 =	vmul.f32 v33, v0;
	_ =	sdelay $0x1  }
0x5c: {  	v0 =	vadd.f32 v34, v0;
	_ =	sdelay $0x1  }
0x5d: {  	v35 =	vld [tilespmem:$0x10470];
	[tilespmem:$0x106E0] =	vst v0  }
0x5e: {  	v0 =	vld [tilespmem:s17+$0xFFFFFDF0];
	_ =	sdelay $0x1  }
0x5f: {  	v36 =	vld [tilespmem:$0x105B0];
	_ =	sdelay $0x2  }
0x60: {  	v0 =	vmul.f32 v35, v0;
	_ =	sdelay $0x1  }
0x61: {  	v0 =	vadd.f32 v36, v0;
	_ =	sdelay $0x1  }
0x62: {  	v37 =	vld [tilespmem:$0x10480];
	[tilespmem:$0x106F0] =	vst v0  }
0x63: {  	v0 =	vld [tilespmem:s17+$0xFFFFFE00];
	_ =	sdelay $0x1  }
0x64: {  	v38 =	vld [tilespmem:$0x105C0];
	_ =	sdelay $0x2  }
0x65: {  	v0 =	vmul.f32 v37, v0;
	_ =	sdelay $0x1  }
0x66: {  	v0 =	vadd.f32 v38, v0;
	_ =	sdelay $0x1  }
0x67: {  	v39 =	vld [tilespmem:$0x10490];
	[tilespmem:$0x10700] =	vst v0  }
0x68: {  	v0 =	vld [tilespmem:s17+$0xFFFFFE10];
	_ =	sdelay $0x1  }
0x69: {  	v40 =	vld [tilespmem:$0x105D0];
	_ =	sdelay $0x2  }
0x6a: {  	v0 =	vmul.f32 v39, v0;
	_ =	sdelay $0x1  }
0x6b: {  	v0 =	vadd.f32 v40, v0;
	_ =	sdelay $0x1  }
0x6c: {  	v41 =	vld [tilespmem:$0x104A0];
	[tilespmem:$0x10710] =	vst v0  }
0x6d: {  	v0 =	vld [tilespmem:s17+$0xFFFFFE20];
	_ =	sdelay $0x1  }
0x6e: {  	v42 =	vld [tilespmem:$0x105E0];
	_ =	sdelay $0x2  }
0x6f: {  	v0 =	vmul.f32 v41, v0;
	_ =	sdelay $0x1  }
0x70: {  	v0 =	vadd.f32 v42, v0;
	_ =	sdelay $0x1  }
0x71: {  	v43 =	vld [tilespmem:$0x104B0];
	[tilespmem:$0x10720] =	vst v0  }
0x72: {  	v0 =	vld [tilespmem:s17+$0xFFFFFE30];
	_ =	sdelay $0x1  }
0x73: {  	v44 =	vld [tilespmem:$0x105F0];
	_ =	sdelay $0x2  }
0x74: {  	v0 =	vmul.f32 v43, v0;
	_ =	sdelay $0x1  }
0x75: {  	v0 =	vadd.f32 v44, v0;
	_ =	sdelay $0x1  }
0x76: {  	v45 =	vld [tilespmem:$0x104C0];
	[tilespmem:$0x10730] =	vst v0  }
0x77: {  	v0 =	vld [tilespmem:s17+$0xFFFFFE40];
	_ =	sdelay $0x1  }
0x78: {  	v46 =	vld [tilespmem:$0x10600];
	_ =	sdelay $0x2  }
0x79: {  	v0 =	vmul.f32 v45, v0;
	_ =	sdelay $0x1  }
0x7a: {  	v0 =	vadd.f32 v46, v0;
	_ =	sdelay $0x1  }
0x7b: {  	v47 =	vld [tilespmem:$0x104D0];
	[tilespmem:$0x10740] =	vst v0  }
0x7c: {  	v0 =	vld [tilespmem:s17+$0xFFFFFE50];
	_ =	sdelay $0x1  }
0x7d: {  	v48 =	vld [tilespmem:$0x10610];
	_ =	sdelay $0x2  }
0x7e: {  	v0 =	vmul.f32 v47, v0;
	_ =	sdelay $0x1  }
0x7f: {  	v0 =	vadd.f32 v48, v0;
	_ =	sdelay $0x1  }
0x80: {  	v49 =	vld [tilespmem:$0x104E0];
	[tilespmem:$0x10750] =	vst v0  }
0x81: {  	v0 =	vld [tilespmem:s17+$0xFFFFFE60];
	_ =	sdelay $0x1  }
0x82: {  	v50 =	vld [tilespmem:$0x10620];
	_ =	sdelay $0x2  }
0x83: {  	v0 =	vmul.f32 v49, v0;
	_ =	sdelay $0x1  }
0x84: {  	v0 =	vadd.f32 v50, v0;
	_ =	sdelay $0x1  }
0x85: {  	v51 =	vld [tilespmem:$0x104F0];
	[tilespmem:$0x10760] =	vst v0  }
0x86: {  	v0 =	vld [tilespmem:s17+$0xFFFFFE70];
	_ =	sdelay $0x1  }
0x87: {  	v52 =	vld [tilespmem:$0x10630];
	_ =	sdelay $0x2  }
0x88: {  	v0 =	vmul.f32 v51, v0;
	_ =	sdelay $0x1  }
0x89: {  	v0 =	vadd.f32 v52, v0;
	_ =	sdelay $0x1  }
0x8a: {  	v53 =	vld [tilespmem:$0x10500];
	[tilespmem:$0x10770] =	vst v0  }
0x8b: {  	v0 =	vld [tilespmem:s17+$0xFFFFFE80];
	_ =	sdelay $0x1  }
0x8c: {  	v54 =	vld [tilespmem:$0x10640];
	_ =	sdelay $0x2  }
0x8d: {  	v0 =	vmul.f32 v53, v0;
	_ =	sdelay $0x1  }
0x8e: {  	v0 =	vadd.f32 v54, v0;
	_ =	sdelay $0x1  }
0x8f: {  	v55 =	vld [tilespmem:$0x10510];
	[tilespmem:$0x10780] =	vst v0  }
0x90: {  	v0 =	vld [tilespmem:s17+$0xFFFFFE90];
	_ =	sdelay $0x1  }
0x91: {  	v56 =	vld [tilespmem:$0x10650];
	_ =	sdelay $0x2  }
0x92: {  	v0 =	vmul.f32 v55, v0;
	_ =	sdelay $0x1  }
0x93: {  	v0 =	vadd.f32 v56, v0;
	_ =	sdelay $0x1  }
0x94: {  	v57 =	vld [tilespmem:$0x10520];
	[tilespmem:$0x10790] =	vst v0  }
0x95: {  	v0 =	vld [tilespmem:s17+$0xFFFFFEA0];
	_ =	sdelay $0x1  }
0x96: {  	v58 =	vld [tilespmem:$0x10660];
	_ =	sdelay $0x2  }
0x97: {  	v0 =	vmul.f32 v57, v0;
	_ =	sdelay $0x1  }
0x98: {  	v0 =	vadd.f32 v58, v0;
	_ =	sdelay $0x1  }
0x99: {  	v59 =	vld [tilespmem:$0x10530];
	[tilespmem:$0x107A0] =	vst v0  }
0x9a: {  	v0 =	vld [tilespmem:s17+$0xFFFFFEB0];
	_ =	sdelay $0x1  }
0x9b: {  	v60 =	vld [tilespmem:$0x10670];
	_ =	sdelay $0x2  }
0x9c: {  	v0 =	vmul.f32 v59, v0;
	_ =	sdelay $0x1  }
0x9d: {  	v0 =	vadd.f32 v60, v0;
	_ =	sdelay $0x1  }
0x9e: {  	[tilespmem:$0x107B0] =	vst v0  }
0x9f: {  	[hbm4b:s9+s2] =	stream.linear.scatter [tilespmem:s15], [sflag:$0x5], $0x3200, $0x38;
	[tilespmem:$0x1CE80] =	vst v63  }
0xa0: {  	p0 =	seq.s32 s20, $0x18380;
	_ =	swait.ge [sflag:s29], $0x3200  }
0xa1: {  	s21 =	sshra.s32 @!p0 s20, $0x2;
	s25 =	simm.s32 @!p0 $0x10680;
	[sflag:s29] =	ssyncset.done $0x0  }
0xa2: {  	s24 =	sadd.s32 @!p0 $0x320, s21;
	s22 =	simm.s32 @!p0 $0x80;
	[sflag:s29] =	ssyncadd.s32 $0xFFFFCE00  }
0xa3: {  	[tilespmem:s25], [sflag:$0x1] =	stream.indirect.gather @!p0 [hbm4b:s3+s22], $0x40, s24, s22, $0xb8;
	[tilespmem:$0x1CE80] =	vst v63  }
0xa4: {  	s4 =	simm.s32 @!p0 $0x12680;
	s25 =	sadd.s32 @!p0 $0x3A0, s21;
	s24 =	simm.s32 @!p0 $0x48  }
0xa5: {  	[tilespmem:s4], [sflag:$0x1] =	stream.indirect.gather @!p0 [hbm4b:s3+s24], $0x40, s25, s24, $0xb8;
	[tilespmem:$0x1CE80] =	vst v63  }
0xa6: {  	_ =	swait.ge [sflag:s30], $0x3200  }
0xa7: {  	[sflag:s30] =	ssyncset.done $0x0  }
0xa8: {  	[sflag:s30] =	ssyncadd.s32 $0xFFFFCE00  }
0xa9: {  	v61 =	vld [tilespmem:s17+$0xFFFFFEC0]  }
0xaa: {  	v62 =	vld [tilespmem:$0x10400];
	_ =	sdelay $0x1  }
0xab: {  	v63 =	vld [tilespmem:$0x10540];
	_ =	sdelay $0x2  }
0xac: {  	v0 =	vmul.f32 v62, v61;
	_ =	sdelay $0x1  }
0xad: {  	v0 =	vadd.f32 v63, v0;
	_ =	sdelay $0x1  }
0xae: {  	v4 =	vld [tilespmem:$0x10410];
	[tilespmem:$0x13880] =	vst v0  }
0xaf: {  	v0 =	vld [tilespmem:s17+$0xFFFFFED0];
	_ =	sdelay $0x1  }
0xb0: {  	v5 =	vld [tilespmem:$0x10550];
	_ =	sdelay $0x2  }
0xb1: {  	v0 =	vmul.f32 v4, v0;
	_ =	sdelay $0x1  }
0xb2: {  	v0 =	vadd.f32 v5, v0;
	_ =	sdelay $0x1  }
0xb3: {  	v6 =	vld [tilespmem:$0x10420];
	[tilespmem:$0x13890] =	vst v0  }
0xb4: {  	v0 =	vld [tilespmem:s17+$0xFFFFFEE0];
	_ =	sdelay $0x1  }
0xb5: {  	v7 =	vld [tilespmem:$0x10560];
	_ =	sdelay $0x2  }
0xb6: {  	v0 =	vmul.f32 v6, v0;
	_ =	sdelay $0x1  }
0xb7: {  	v0 =	vadd.f32 v7, v0;
	_ =	sdelay $0x1  }
0xb8: {  	v8 =	vld [tilespmem:$0x10430];
	[tilespmem:$0x138A0] =	vst v0  }
0xb9: {  	v0 =	vld [tilespmem:s17+$0xFFFFFEF0];
	_ =	sdelay $0x1  }
0xba: {  	v9 =	vld [tilespmem:$0x10570];
	_ =	sdelay $0x2  }
0xbb: {  	v0 =	vmul.f32 v8, v0;
	_ =	sdelay $0x1  }
0xbc: {  	v0 =	vadd.f32 v9, v0;
	_ =	sdelay $0x1  }
0xbd: {  	v10 =	vld [tilespmem:$0x10440];
	[tilespmem:$0x138B0] =	vst v0  }
0xbe: {  	v0 =	vld [tilespmem:s17+$0xFFFFFF00];
	_ =	sdelay $0x1  }
0xbf: {  	v11 =	vld [tilespmem:$0x10580];
	_ =	sdelay $0x2  }
0xc0: {  	v0 =	vmul.f32 v10, v0;
	_ =	sdelay $0x1  }
0xc1: {  	v0 =	vadd.f32 v11, v0;
	_ =	sdelay $0x1  }
0xc2: {  	v12 =	vld [tilespmem:$0x10450];
	[tilespmem:$0x138C0] =	vst v0  }
0xc3: {  	v0 =	vld [tilespmem:s17+$0xFFFFFF10];
	_ =	sdelay $0x1  }
0xc4: {  	v13 =	vld [tilespmem:$0x10590];
	_ =	sdelay $0x2  }
0xc5: {  	v0 =	vmul.f32 v12, v0;
	_ =	sdelay $0x1  }
0xc6: {  	v0 =	vadd.f32 v13, v0;
	_ =	sdelay $0x1  }
0xc7: {  	v14 =	vld [tilespmem:$0x10460];
	[tilespmem:$0x138D0] =	vst v0  }
0xc8: {  	v0 =	vld [tilespmem:s17+$0xFFFFFF20];
	_ =	sdelay $0x1  }
0xc9: {  	v15 =	vld [tilespmem:$0x105A0];
	_ =	sdelay $0x2  }
0xca: {  	v0 =	vmul.f32 v14, v0;
	_ =	sdelay $0x1  }
0xcb: {  	v0 =	vadd.f32 v15, v0;
	_ =	sdelay $0x1  }
0xcc: {  	v16 =	vld [tilespmem:$0x10470];
	[tilespmem:$0x138E0] =	vst v0  }
0xcd: {  	v0 =	vld [tilespmem:s17+$0xFFFFFF30];
	_ =	sdelay $0x1  }
0xce: {  	v17 =	vld [tilespmem:$0x105B0];
	_ =	sdelay $0x2  }
0xcf: {  	v0 =	vmul.f32 v16, v0;
	_ =	sdelay $0x1  }
0xd0: {  	v0 =	vadd.f32 v17, v0;
	_ =	sdelay $0x1  }
0xd1: {  	v18 =	vld [tilespmem:$0x10480];
	[tilespmem:$0x138F0] =	vst v0  }
0xd2: {  	v0 =	vld [tilespmem:s17+$0xFFFFFF40];
	_ =	sdelay $0x1  }
0xd3: {  	v19 =	vld [tilespmem:$0x105C0];
	_ =	sdelay $0x2  }
0xd4: {  	v0 =	vmul.f32 v18, v0;
	_ =	sdelay $0x1  }
0xd5: {  	v0 =	vadd.f32 v19, v0;
	_ =	sdelay $0x1  }
0xd6: {  	v20 =	vld [tilespmem:$0x10490];
	[tilespmem:$0x13900] =	vst v0  }
0xd7: {  	v0 =	vld [tilespmem:s17+$0xFFFFFF50];
	_ =	sdelay $0x1  }
0xd8: {  	v21 =	vld [tilespmem:$0x105D0];
	_ =	sdelay $0x2  }
0xd9: {  	v0 =	vmul.f32 v20, v0;
	_ =	sdelay $0x1  }
0xda: {  	v0 =	vadd.f32 v21, v0;
	_ =	sdelay $0x1  }
0xdb: {  	v22 =	vld [tilespmem:$0x104A0];
	[tilespmem:$0x13910] =	vst v0  }
0xdc: {  	v0 =	vld [tilespmem:s17+$0xFFFFFF60];
	_ =	sdelay $0x1  }
0xdd: {  	v23 =	vld [tilespmem:$0x105E0];
	_ =	sdelay $0x2  }
0xde: {  	v0 =	vmul.f32 v22, v0;
	_ =	sdelay $0x1  }
0xdf: {  	v0 =	vadd.f32 v23, v0;
	_ =	sdelay $0x1  }
0xe0: {  	v24 =	vld [tilespmem:$0x104B0];
	[tilespmem:$0x13920] =	vst v0  }
0xe1: {  	v0 =	vld [tilespmem:s17+$0xFFFFFF70];
	_ =	sdelay $0x1  }
0xe2: {  	v25 =	vld [tilespmem:$0x105F0];
	_ =	sdelay $0x2  }
0xe3: {  	v0 =	vmul.f32 v24, v0;
	_ =	sdelay $0x1  }
0xe4: {  	v0 =	vadd.f32 v25, v0;
	_ =	sdelay $0x1  }
0xe5: {  	v26 =	vld [tilespmem:$0x104C0];
	[tilespmem:$0x13930] =	vst v0  }
0xe6: {  	v0 =	vld [tilespmem:s17+$0xFFFFFF80];
	_ =	sdelay $0x1  }
0xe7: {  	v27 =	vld [tilespmem:$0x10600];
	_ =	sdelay $0x2  }
0xe8: {  	v0 =	vmul.f32 v26, v0;
	_ =	sdelay $0x1  }
0xe9: {  	v0 =	vadd.f32 v27, v0;
	_ =	sdelay $0x1  }
0xea: {  	v28 =	vld [tilespmem:$0x104D0];
	[tilespmem:$0x13940] =	vst v0  }
0xeb: {  	v0 =	vld [tilespmem:s17+$0xFFFFFF90];
	_ =	sdelay $0x1  }
0xec: {  	v29 =	vld [tilespmem:$0x10610];
	_ =	sdelay $0x2  }
0xed: {  	v0 =	vmul.f32 v28, v0;
	_ =	sdelay $0x1  }
0xee: {  	v0 =	vadd.f32 v29, v0;
	_ =	sdelay $0x1  }
0xef: {  	v30 =	vld [tilespmem:$0x104E0];
	[tilespmem:$0x13950] =	vst v0  }
0xf0: {  	v0 =	vld [tilespmem:s17+$0xFFFFFFA0];
	_ =	sdelay $0x1  }
0xf1: {  	v31 =	vld [tilespmem:$0x10620];
	_ =	sdelay $0x2  }
0xf2: {  	v0 =	vmul.f32 v30, v0;
	_ =	sdelay $0x1  }
0xf3: {  	v0 =	vadd.f32 v31, v0;
	_ =	sdelay $0x1  }
0xf4: {  	v32 =	vld [tilespmem:$0x104F0];
	[tilespmem:$0x13960] =	vst v0  }
0xf5: {  	v0 =	vld [tilespmem:s17+$0xFFFFFFB0];
	_ =	sdelay $0x1  }
0xf6: {  	v33 =	vld [tilespmem:$0x10630];
	_ =	sdelay $0x2  }
0xf7: {  	v0 =	vmul.f32 v32, v0;
	_ =	sdelay $0x1  }
0xf8: {  	v0 =	vadd.f32 v33, v0;
	_ =	sdelay $0x1  }
0xf9: {  	v34 =	vld [tilespmem:$0x10500];
	[tilespmem:$0x13970] =	vst v0  }
0xfa: {  	v0 =	vld [tilespmem:s17+$0xFFFFFFC0];
	_ =	sdelay $0x1  }
0xfb: {  	v35 =	vld [tilespmem:$0x10640];
	_ =	sdelay $0x2  }
0xfc: {  	v0 =	vmul.f32 v34, v0;
	_ =	sdelay $0x1  }
0xfd: {  	v0 =	vadd.f32 v35, v0;
	_ =	sdelay $0x1  }
0xfe: {  	v36 =	vld [tilespmem:$0x10510];
	[tilespmem:$0x13980] =	vst v0  }
0xff: {  	v0 =	vld [tilespmem:s17+$0xFFFFFFD0];
	_ =	sdelay $0x1  }
0x100: {  	v37 =	vld [tilespmem:$0x10650];
	_ =	sdelay $0x2  }
0x101: {  	v0 =	vmul.f32 v36, v0;
	_ =	sdelay $0x1  }
0x102: {  	v0 =	vadd.f32 v37, v0;
	_ =	sdelay $0x1  }
0x103: {  	v38 =	vld [tilespmem:$0x10520];
	[tilespmem:$0x13990] =	vst v0  }
0x104: {  	v0 =	vld [tilespmem:s17+$0xFFFFFFE0];
	_ =	sdelay $0x1  }
0x105: {  	v39 =	vld [tilespmem:$0x10660];
	_ =	sdelay $0x2  }
0x106: {  	v0 =	vmul.f32 v38, v0;
	_ =	sdelay $0x1  }
0x107: {  	v0 =	vadd.f32 v39, v0;
	_ =	sdelay $0x1  }
0x108: {  	v40 =	vld [tilespmem:$0x10530];
	[tilespmem:$0x139A0] =	vst v0  }
0x109: {  	v0 =	vld [tilespmem:s17+$0xFFFFFFF0];
	_ =	sdelay $0x1  }
0x10a: {  	v41 =	vld [tilespmem:$0x10670];
	_ =	sdelay $0x2  }
0x10b: {  	v0 =	vmul.f32 v40, v0;
	_ =	sdelay $0x1  }
0x10c: {  	v0 =	vadd.f32 v41, v0;
	_ =	sdelay $0x1  }
0x10d: {  	s25 =	sadd.s32 $0x640, s9;
	[tilespmem:$0x139B0] =	vst v0  }
0x10e: {  	[hbm4b:s25+s2] =	stream.linear.scatter [tilespmem:s19], [sflag:$0x6], $0x3200, $0x38;
	[tilespmem:$0x1CE80] =	vst v63  }
0x10f: {  	_ =	swait.ge [sflag:s31], $0x3200  }
0x110: {  	[sflag:s31] =	ssyncset.done $0x0  }
0x111: {  	s4 =	sadd.s32 @!p0 $0x3E8, s21;
	s25 =	simm.s32 @!p0 $0x13880;
	[sflag:s31] =	ssyncadd.s32 $0xFFFFCE00  }
0x112: {  	[tilespmem:s25], [sflag:$0x2] =	stream.indirect.gather @!p0 [hbm4b:s3+s22], $0x40, s4, s22, $0xb8;
	[tilespmem:$0x1CE80] =	vst v63  }
0x113: {  	s4 =	sadd.s32 @!p0 $0x468, s21;
	s25 =	simm.s32 @!p0 $0x15880  }
0x114: {  	[tilespmem:s25], [sflag:$0x2] =	stream.indirect.gather @!p0 [hbm4b:s3+s24], $0x40, s4, s24, $0xb8;
	[tilespmem:$0x1CE80] =	vst v63  }
0x115: {  	_ =	swait.ge [sflag:s1], $0x3200  }
0x116: {  	[sflag:s1] =	ssyncset.done $0x0  }
0x117: {  	[sflag:s1] =	ssyncadd.s32 $0xFFFFCE00  }
0x118: {  	v42 =	vld [tilespmem:s17+$0x0]  }
0x119: {  	v43 =	vld [tilespmem:$0x10400];
	_ =	sdelay $0x1  }
0x11a: {  	v44 =	vld [tilespmem:$0x10540];
	_ =	sdelay $0x2  }
0x11b: {  	v0 =	vmul.f32 v43, v42;
	_ =	sdelay $0x1  }
0x11c: {  	v0 =	vadd.f32 v44, v0;
	_ =	sdelay $0x1  }
0x11d: {  	v45 =	vld [tilespmem:$0x10410];
	[tilespmem:$0x16A80] =	vst v0  }
0x11e: {  	v0 =	vld [tilespmem:s17+$0x10];
	_ =	sdelay $0x1  }
0x11f: {  	v46 =	vld [tilespmem:$0x10550];
	_ =	sdelay $0x2  }
0x120: {  	v0 =	vmul.f32 v45, v0;
	_ =	sdelay $0x1  }
0x121: {  	v0 =	vadd.f32 v46, v0;
	_ =	sdelay $0x1  }
0x122: {  	v47 =	vld [tilespmem:$0x10420];
	[tilespmem:$0x16A90] =	vst v0  }
0x123: {  	v0 =	vld [tilespmem:s17+$0x20];
	_ =	sdelay $0x1  }
0x124: {  	v48 =	vld [tilespmem:$0x10560];
	_ =	sdelay $0x2  }
0x125: {  	v0 =	vmul.f32 v47, v0;
	_ =	sdelay $0x1  }
0x126: {  	v0 =	vadd.f32 v48, v0;
	_ =	sdelay $0x1  }
0x127: {  	v49 =	vld [tilespmem:$0x10430];
	[tilespmem:$0x16AA0] =	vst v0  }
0x128: {  	v0 =	vld [tilespmem:s17+$0x30];
	_ =	sdelay $0x1  }
0x129: {  	v50 =	vld [tilespmem:$0x10570];
	_ =	sdelay $0x2  }
0x12a: {  	v0 =	vmul.f32 v49, v0;
	_ =	sdelay $0x1  }
0x12b: {  	v0 =	vadd.f32 v50, v0;
	_ =	sdelay $0x1  }
0x12c: {  	v51 =	vld [tilespmem:$0x10440];
	[tilespmem:$0x16AB0] =	vst v0  }
0x12d: {  	v0 =	vld [tilespmem:s17+$0x40];
	_ =	sdelay $0x1  }
0x12e: {  	v52 =	vld [tilespmem:$0x10580];
	_ =	sdelay $0x2  }
0x12f: {  	v0 =	vmul.f32 v51, v0;
	_ =	sdelay $0x1  }
0x130: {  	v0 =	vadd.f32 v52, v0;
	_ =	sdelay $0x1  }
0x131: {  	v53 =	vld [tilespmem:$0x10450];
	[tilespmem:$0x16AC0] =	vst v0  }
0x132: {  	v0 =	vld [tilespmem:s17+$0x50];
	_ =	sdelay $0x1  }
0x133: {  	v54 =	vld [tilespmem:$0x10590];
	_ =	sdelay $0x2  }
0x134: {  	v0 =	vmul.f32 v53, v0;
	_ =	sdelay $0x1  }
0x135: {  	v0 =	vadd.f32 v54, v0;
	_ =	sdelay $0x1  }
0x136: {  	v55 =	vld [tilespmem:$0x10460];
	[tilespmem:$0x16AD0] =	vst v0  }
0x137: {  	v0 =	vld [tilespmem:s17+$0x60];
	_ =	sdelay $0x1  }
0x138: {  	v56 =	vld [tilespmem:$0x105A0];
	_ =	sdelay $0x2  }
0x139: {  	v0 =	vmul.f32 v55, v0;
	_ =	sdelay $0x1  }
0x13a: {  	v0 =	vadd.f32 v56, v0;
	_ =	sdelay $0x1  }
0x13b: {  	v57 =	vld [tilespmem:$0x10470];
	[tilespmem:$0x16AE0] =	vst v0  }
0x13c: {  	v0 =	vld [tilespmem:s17+$0x70];
	_ =	sdelay $0x1  }
0x13d: {  	v58 =	vld [tilespmem:$0x105B0];
	_ =	sdelay $0x2  }
0x13e: {  	v0 =	vmul.f32 v57, v0;
	_ =	sdelay $0x1  }
0x13f: {  	v0 =	vadd.f32 v58, v0;
	_ =	sdelay $0x1  }
0x140: {  	v59 =	vld [tilespmem:$0x10480];
	[tilespmem:$0x16AF0] =	vst v0  }
0x141: {  	v0 =	vld [tilespmem:s17+$0x80];
	_ =	sdelay $0x1  }
0x142: {  	v60 =	vld [tilespmem:$0x105C0];
	_ =	sdelay $0x2  }
0x143: {  	v0 =	vmul.f32 v59, v0;
	_ =	sdelay $0x1  }
0x144: {  	v0 =	vadd.f32 v60, v0;
	_ =	sdelay $0x1  }
0x145: {  	v61 =	vld [tilespmem:$0x10490];
	[tilespmem:$0x16B00] =	vst v0  }
0x146: {  	v0 =	vld [tilespmem:s17+$0x90];
	_ =	sdelay $0x1  }
0x147: {  	v62 =	vld [tilespmem:$0x105D0];
	_ =	sdelay $0x2  }
0x148: {  	v0 =	vmul.f32 v61, v0;
	_ =	sdelay $0x1  }
0x149: {  	v0 =	vadd.f32 v62, v0;
	_ =	sdelay $0x1  }
0x14a: {  	v63 =	vld [tilespmem:$0x104A0];
	[tilespmem:$0x16B10] =	vst v0  }
0x14b: {  	v0 =	vld [tilespmem:s17+$0xA0];
	_ =	sdelay $0x1  }
0x14c: {  	v4 =	vld [tilespmem:$0x105E0];
	_ =	sdelay $0x2  }
0x14d: {  	v0 =	vmul.f32 v63, v0;
	_ =	sdelay $0x1  }
0x14e: {  	v0 =	vadd.f32 v4, v0;
	_ =	sdelay $0x1  }
0x14f: {  	v5 =	vld [tilespmem:$0x104B0];
	[tilespmem:$0x16B20] =	vst v0  }
0x150: {  	v0 =	vld [tilespmem:s17+$0xB0];
	_ =	sdelay $0x1  }
0x151: {  	v6 =	vld [tilespmem:$0x105F0];
	_ =	sdelay $0x2  }
0x152: {  	v0 =	vmul.f32 v5, v0;
	_ =	sdelay $0x1  }
0x153: {  	v0 =	vadd.f32 v6, v0;
	_ =	sdelay $0x1  }
0x154: {  	v7 =	vld [tilespmem:$0x104C0];
	[tilespmem:$0x16B30] =	vst v0  }
0x155: {  	v0 =	vld [tilespmem:s17+$0xC0];
	_ =	sdelay $0x1  }
0x156: {  	v8 =	vld [tilespmem:$0x10600];
	_ =	sdelay $0x2  }
0x157: {  	v0 =	vmul.f32 v7, v0;
	_ =	sdelay $0x1  }
0x158: {  	v0 =	vadd.f32 v8, v0;
	_ =	sdelay $0x1  }
0x159: {  	v9 =	vld [tilespmem:$0x104D0];
	[tilespmem:$0x16B40] =	vst v0  }
0x15a: {  	v0 =	vld [tilespmem:s17+$0xD0];
	_ =	sdelay $0x1  }
0x15b: {  	v10 =	vld [tilespmem:$0x10610];
	_ =	sdelay $0x2  }
0x15c: {  	v0 =	vmul.f32 v9, v0;
	_ =	sdelay $0x1  }
0x15d: {  	v0 =	vadd.f32 v10, v0;
	_ =	sdelay $0x1  }
0x15e: {  	v11 =	vld [tilespmem:$0x104E0];
	[tilespmem:$0x16B50] =	vst v0  }
0x15f: {  	v0 =	vld [tilespmem:s17+$0xE0];
	_ =	sdelay $0x1  }
0x160: {  	v12 =	vld [tilespmem:$0x10620];
	_ =	sdelay $0x2  }
0x161: {  	v0 =	vmul.f32 v11, v0;
	_ =	sdelay $0x1  }
0x162: {  	v0 =	vadd.f32 v12, v0;
	_ =	sdelay $0x1  }
0x163: {  	v13 =	vld [tilespmem:$0x104F0];
	[tilespmem:$0x16B60] =	vst v0  }
0x164: {  	v0 =	vld [tilespmem:s17+$0xF0];
	_ =	sdelay $0x1  }
0x165: {  	v14 =	vld [tilespmem:$0x10630];
	_ =	sdelay $0x2  }
0x166: {  	v0 =	vmul.f32 v13, v0;
	_ =	sdelay $0x1  }
0x167: {  	v0 =	vadd.f32 v14, v0;
	_ =	sdelay $0x1  }
0x168: {  	v15 =	vld [tilespmem:$0x10500];
	[tilespmem:$0x16B70] =	vst v0  }
0x169: {  	v0 =	vld [tilespmem:s17+$0x100];
	_ =	sdelay $0x1  }
0x16a: {  	v16 =	vld [tilespmem:$0x10640];
	_ =	sdelay $0x2  }
0x16b: {  	v0 =	vmul.f32 v15, v0;
	_ =	sdelay $0x1  }
0x16c: {  	v0 =	vadd.f32 v16, v0;
	_ =	sdelay $0x1  }
0x16d: {  	v17 =	vld [tilespmem:$0x10510];
	[tilespmem:$0x16B80] =	vst v0  }
0x16e: {  	v0 =	vld [tilespmem:s17+$0x110];
	_ =	sdelay $0x1  }
0x16f: {  	v18 =	vld [tilespmem:$0x10650];
	_ =	sdelay $0x2  }
0x170: {  	v0 =	vmul.f32 v17, v0;
	_ =	sdelay $0x1  }
0x171: {  	v0 =	vadd.f32 v18, v0;
	_ =	sdelay $0x1  }
0x172: {  	v19 =	vld [tilespmem:$0x10520];
	[tilespmem:$0x16B90] =	vst v0  }
0x173: {  	v0 =	vld [tilespmem:s17+$0x120];
	_ =	sdelay $0x1  }
0x174: {  	v20 =	vld [tilespmem:$0x10660];
	_ =	sdelay $0x2  }
0x175: {  	v0 =	vmul.f32 v19, v0;
	_ =	sdelay $0x1  }
0x176: {  	v0 =	vadd.f32 v20, v0;
	_ =	sdelay $0x1  }
0x177: {  	v21 =	vld [tilespmem:$0x10530];
	[tilespmem:$0x16BA0] =	vst v0  }
0x178: {  	v0 =	vld [tilespmem:s17+$0x130];
	_ =	sdelay $0x1  }
0x179: {  	v22 =	vld [tilespmem:$0x10670];
	_ =	sdelay $0x2  }
0x17a: {  	v0 =	vmul.f32 v21, v0;
	_ =	sdelay $0x1  }
0x17b: {  	v0 =	vadd.f32 v22, v0;
	_ =	sdelay $0x1  }
0x17c: {  	s25 =	sadd.s32 $0xC80, s9;
	[tilespmem:$0x16BB0] =	vst v0  }
0x17d: {  	[hbm4b:s25+s2] =	stream.linear.scatter [tilespmem:s23], [sflag:$0x7], $0x3200, $0x38;
	[tilespmem:$0x1CE80] =	vst v63  }
0x17e: {  	_ =	swait.ge [sflag:s0], $0x3200  }
0x17f: {  	[sflag:s0] =	ssyncset.done $0x0  }
0x180: {  	s4 =	sadd.s32 @!p0 $0x4B0, s21;
	s25 =	simm.s32 @!p0 $0x16A80;
	[sflag:s0] =	ssyncadd.s32 $0xFFFFCE00  }
0x181: {  	[tilespmem:s25], [sflag:$0x3] =	stream.indirect.gather @!p0 [hbm4b:s3+s22], $0x40, s4, s22, $0xb8;
	[tilespmem:$0x1CE80] =	vst v63  }
0x182: {  	s4 =	sadd.s32 @!p0 $0x530, s21;
	s21 =	simm.s32 @!p0 $0x18A80  }
0x183: {  	[tilespmem:s21], [sflag:$0x3] =	stream.indirect.gather @!p0 [hbm4b:s3+s24], $0x40, s4, s24, $0xb8;
	[tilespmem:$0x1CE80] =	vst v63  }
0x184: {  	_ =	swait.ge [sflag:s10], $0x3200  }
0x185: {  	[sflag:s10] =	ssyncset.done $0x0  }
0x186: {  	[sflag:s10] =	ssyncadd.s32 $0xFFFFCE00  }
0x187: {  	v23 =	vld [tilespmem:s17+$0x140]  }
0x188: {  	v24 =	vld [tilespmem:$0x10400];
	_ =	sdelay $0x1  }
0x189: {  	v25 =	vld [tilespmem:$0x10540];
	_ =	sdelay $0x2  }
0x18a: {  	v0 =	vmul.f32 v24, v23;
	_ =	sdelay $0x1  }
0x18b: {  	v0 =	vadd.f32 v25, v0;
	_ =	sdelay $0x1  }
0x18c: {  	v26 =	vld [tilespmem:$0x10410];
	[tilespmem:$0x19C80] =	vst v0  }
0x18d: {  	v0 =	vld [tilespmem:s17+$0x150];
	_ =	sdelay $0x1  }
0x18e: {  	v27 =	vld [tilespmem:$0x10550];
	_ =	sdelay $0x2  }
0x18f: {  	v0 =	vmul.f32 v26, v0;
	_ =	sdelay $0x1  }
0x190: {  	v0 =	vadd.f32 v27, v0;
	_ =	sdelay $0x1  }
0x191: {  	v28 =	vld [tilespmem:$0x10420];
	[tilespmem:$0x19C90] =	vst v0  }
0x192: {  	v0 =	vld [tilespmem:s17+$0x160];
	_ =	sdelay $0x1  }
0x193: {  	v29 =	vld [tilespmem:$0x10560];
	_ =	sdelay $0x2  }
0x194: {  	v0 =	vmul.f32 v28, v0;
	_ =	sdelay $0x1  }
0x195: {  	v0 =	vadd.f32 v29, v0;
	_ =	sdelay $0x1  }
0x196: {  	v30 =	vld [tilespmem:$0x10430];
	[tilespmem:$0x19CA0] =	vst v0  }
0x197: {  	v0 =	vld [tilespmem:s17+$0x170];
	_ =	sdelay $0x1  }
0x198: {  	v31 =	vld [tilespmem:$0x10570];
	_ =	sdelay $0x2  }
0x199: {  	v0 =	vmul.f32 v30, v0;
	_ =	sdelay $0x1  }
0x19a: {  	v0 =	vadd.f32 v31, v0;
	_ =	sdelay $0x1  }
0x19b: {  	v32 =	vld [tilespmem:$0x10440];
	[tilespmem:$0x19CB0] =	vst v0  }
0x19c: {  	v0 =	vld [tilespmem:s17+$0x180];
	_ =	sdelay $0x1  }
0x19d: {  	v33 =	vld [tilespmem:$0x10580];
	_ =	sdelay $0x2  }
0x19e: {  	v0 =	vmul.f32 v32, v0;
	_ =	sdelay $0x1  }
0x19f: {  	v0 =	vadd.f32 v33, v0;
	_ =	sdelay $0x1  }
0x1a0: {  	v34 =	vld [tilespmem:$0x10450];
	[tilespmem:$0x19CC0] =	vst v0  }
0x1a1: {  	v0 =	vld [tilespmem:s17+$0x190];
	_ =	sdelay $0x1  }
0x1a2: {  	v35 =	vld [tilespmem:$0x10590];
	_ =	sdelay $0x2  }
0x1a3: {  	v0 =	vmul.f32 v34, v0;
	_ =	sdelay $0x1  }
0x1a4: {  	v0 =	vadd.f32 v35, v0;
	_ =	sdelay $0x1  }
0x1a5: {  	v36 =	vld [tilespmem:$0x10460];
	[tilespmem:$0x19CD0] =	vst v0  }
0x1a6: {  	v0 =	vld [tilespmem:s17+$0x1A0];
	_ =	sdelay $0x1  }
0x1a7: {  	v37 =	vld [tilespmem:$0x105A0];
	_ =	sdelay $0x2  }
0x1a8: {  	v0 =	vmul.f32 v36, v0;
	_ =	sdelay $0x1  }
0x1a9: {  	v0 =	vadd.f32 v37, v0;
	_ =	sdelay $0x1  }
0x1aa: {  	v38 =	vld [tilespmem:$0x10470];
	[tilespmem:$0x19CE0] =	vst v0  }
0x1ab: {  	v0 =	vld [tilespmem:s17+$0x1B0];
	_ =	sdelay $0x1  }
0x1ac: {  	v39 =	vld [tilespmem:$0x105B0];
	_ =	sdelay $0x2  }
0x1ad: {  	v0 =	vmul.f32 v38, v0;
	_ =	sdelay $0x1  }
0x1ae: {  	v0 =	vadd.f32 v39, v0;
	_ =	sdelay $0x1  }
0x1af: {  	v40 =	vld [tilespmem:$0x10480];
	[tilespmem:$0x19CF0] =	vst v0  }
0x1b0: {  	v0 =	vld [tilespmem:s17+$0x1C0];
	_ =	sdelay $0x1  }
0x1b1: {  	v41 =	vld [tilespmem:$0x105C0];
	_ =	sdelay $0x2  }
0x1b2: {  	v0 =	vmul.f32 v40, v0;
	_ =	sdelay $0x1  }
0x1b3: {  	v0 =	vadd.f32 v41, v0;
	_ =	sdelay $0x1  }
0x1b4: {  	v42 =	vld [tilespmem:$0x10490];
	[tilespmem:$0x19D00] =	vst v0  }
0x1b5: {  	v0 =	vld [tilespmem:s17+$0x1D0];
	_ =	sdelay $0x1  }
0x1b6: {  	v43 =	vld [tilespmem:$0x105D0];
	_ =	sdelay $0x2  }
0x1b7: {  	v0 =	vmul.f32 v42, v0;
	_ =	sdelay $0x1  }
0x1b8: {  	v0 =	vadd.f32 v43, v0;
	_ =	sdelay $0x1  }
0x1b9: {  	v44 =	vld [tilespmem:$0x104A0];
	[tilespmem:$0x19D10] =	vst v0  }
0x1ba: {  	v0 =	vld [tilespmem:s17+$0x1E0];
	_ =	sdelay $0x1  }
0x1bb: {  	v45 =	vld [tilespmem:$0x105E0];
	_ =	sdelay $0x2  }
0x1bc: {  	v0 =	vmul.f32 v44, v0;
	_ =	sdelay $0x1  }
0x1bd: {  	v0 =	vadd.f32 v45, v0;
	_ =	sdelay $0x1  }
0x1be: {  	v46 =	vld [tilespmem:$0x104B0];
	[tilespmem:$0x19D20] =	vst v0  }
0x1bf: {  	v0 =	vld [tilespmem:s17+$0x1F0];
	_ =	sdelay $0x1  }
0x1c0: {  	v47 =	vld [tilespmem:$0x105F0];
	_ =	sdelay $0x2  }
0x1c1: {  	v0 =	vmul.f32 v46, v0;
	_ =	sdelay $0x1  }
0x1c2: {  	v0 =	vadd.f32 v47, v0;
	_ =	sdelay $0x1  }
0x1c3: {  	v48 =	vld [tilespmem:$0x104C0];
	[tilespmem:$0x19D30] =	vst v0  }
0x1c4: {  	v0 =	vld [tilespmem:s17+$0x200];
	_ =	sdelay $0x1  }
0x1c5: {  	v49 =	vld [tilespmem:$0x10600];
	_ =	sdelay $0x2  }
0x1c6: {  	v0 =	vmul.f32 v48, v0;
	_ =	sdelay $0x1  }
0x1c7: {  	v0 =	vadd.f32 v49, v0;
	_ =	sdelay $0x1  }
0x1c8: {  	v50 =	vld [tilespmem:$0x104D0];
	[tilespmem:$0x19D40] =	vst v0  }
0x1c9: {  	v0 =	vld [tilespmem:s17+$0x210];
	_ =	sdelay $0x1  }
0x1ca: {  	v51 =	vld [tilespmem:$0x10610];
	_ =	sdelay $0x2  }
0x1cb: {  	v0 =	vmul.f32 v50, v0;
	_ =	sdelay $0x1  }
0x1cc: {  	v0 =	vadd.f32 v51, v0;
	_ =	sdelay $0x1  }
0x1cd: {  	v52 =	vld [tilespmem:$0x104E0];
	[tilespmem:$0x19D50] =	vst v0  }
0x1ce: {  	v0 =	vld [tilespmem:s17+$0x220];
	_ =	sdelay $0x1  }
0x1cf: {  	v53 =	vld [tilespmem:$0x10620];
	_ =	sdelay $0x2  }
0x1d0: {  	v0 =	vmul.f32 v52, v0;
	_ =	sdelay $0x1  }
0x1d1: {  	v0 =	vadd.f32 v53, v0;
	_ =	sdelay $0x1  }
0x1d2: {  	v54 =	vld [tilespmem:$0x104F0];
	[tilespmem:$0x19D60] =	vst v0  }
0x1d3: {  	v0 =	vld [tilespmem:s17+$0x230];
	_ =	sdelay $0x1  }
0x1d4: {  	v55 =	vld [tilespmem:$0x10630];
	_ =	sdelay $0x2  }
0x1d5: {  	v0 =	vmul.f32 v54, v0;
	_ =	sdelay $0x1  }
0x1d6: {  	v0 =	vadd.f32 v55, v0;
	_ =	sdelay $0x1  }
0x1d7: {  	v56 =	vld [tilespmem:$0x10500];
	[tilespmem:$0x19D70] =	vst v0  }
0x1d8: {  	v0 =	vld [tilespmem:s17+$0x240];
	_ =	sdelay $0x1  }
0x1d9: {  	v57 =	vld [tilespmem:$0x10640];
	_ =	sdelay $0x2  }
0x1da: {  	v0 =	vmul.f32 v56, v0;
	_ =	sdelay $0x1  }
0x1db: {  	v0 =	vadd.f32 v57, v0;
	_ =	sdelay $0x1  }
0x1dc: {  	v58 =	vld [tilespmem:$0x10510];
	[tilespmem:$0x19D80] =	vst v0  }
0x1dd: {  	v0 =	vld [tilespmem:s17+$0x250];
	_ =	sdelay $0x1  }
0x1de: {  	v59 =	vld [tilespmem:$0x10650];
	_ =	sdelay $0x2  }
0x1df: {  	v0 =	vmul.f32 v58, v0;
	_ =	sdelay $0x1  }
0x1e0: {  	v0 =	vadd.f32 v59, v0;
	_ =	sdelay $0x1  }
0x1e1: {  	v60 =	vld [tilespmem:$0x10520];
	[tilespmem:$0x19D90] =	vst v0  }
0x1e2: {  	v0 =	vld [tilespmem:s17+$0x260];
	_ =	sdelay $0x1  }
0x1e3: {  	v61 =	vld [tilespmem:$0x10660];
	_ =	sdelay $0x2  }
0x1e4: {  	v0 =	vmul.f32 v60, v0;
	_ =	sdelay $0x1  }
0x1e5: {  	v0 =	vadd.f32 v61, v0;
	_ =	sdelay $0x1  }
0x1e6: {  	v62 =	vld [tilespmem:$0x10530];
	[tilespmem:$0x19DA0] =	vst v0  }
0x1e7: {  	v0 =	vld [tilespmem:s17+$0x270];
	_ =	sdelay $0x1  }
0x1e8: {  	v63 =	vld [tilespmem:$0x10670];
	_ =	sdelay $0x1  }
0x1e9: {  	s20 =	sadd.s32 $0xC80, s20  }
0x1ea: {  	p0 =	sne.s32 s20, $0x19000;
	v0 =	vmul.f32 v62, v0  }
.Ltmp0:
0x1eb: {  	_ = 	snop;
	(pc) =	sbr.rel @p0 .LBB2_2-.Ltmp0, $3  }
0x1ec: {  	v0 =	vadd.f32 v63, v0;
	_ =	sdelay $0x1  }
0x1ed: {  	s25 =	sadd.s32 $0x12C0, s9;
	s9 =	sadd.s32 $0x1900, s9;
	s17 =	sadd.s32 $0x500, s17;
	[tilespmem:$0x19DB0] =	vst v0  }
0x1ee: {  	[hbm4b:s25+s2] =	stream.linear.scatter [tilespmem:s26], [sflag:$0x8], $0x3200, $0x38;
	[tilespmem:$0x1CE80] =	vst v63  }
0x1ef: {  	s12 =	sadd.s32 $0x1, s12  }
0x1f0: {  	p0 =	sne.s32 s12, s8  }
.Ltmp1:
0x1f1: {  	_ = 	snop;
	(pc) =	sbr.rel @p0 .LBB2_1-.Ltmp1, $4  }
0x1f2: {  	_ = 	snop  }
0x1f3: {  	_ =	swait.ge [sflag:s11], $0x3200  }
0x1f4: {  	[sflag:s11] =	ssyncset.done $0x0  }
0x1f5: {  	[sflag:s11] =	ssyncadd.s32 $0xFFFFCE00  }
0x1f6: {  	_ =	sfence.sel $0x180000  }
0x1f7: {  	[bflag:$0x0] =	sbarrier.arrive $0xFFFF  }
0x1f8: {  	_ =	strace $0x90000047  }
0x1f9: {  	s0 =	stileid.u32;
	[bflag:$0x2] =	sbarrier.arrive $0xFFFF  }
0x1fa: {  	p0 =	sne.s32 s0, $0x0;
	s0 =	rddreg [dreg:$0x2]  }
0x1fb: {  	s0 =	sadd.s32 @!p0 $0x100000, s0  }
0x1fc: {  	[sflag:s0] =	ssyncadd.tile.s32 @!p0 $0x1;
	_ =	shalt  }
.Lfunc_end2:
_tile_overlayer_lowered:
.L_overlay_start_2:
0x1fd: {  	(tag) =	ssettag $0x2  }
0x1fe: {  	s0 =	rddreg [dreg:$0x0];
	s2 =	stileid.u32  }
0x1ff: {  	s1 =	rddreg [dreg:$0x1];
	p0 =	sne.s32 s2, $0x0  }
0x200: {  	s3 =	rddreg [dreg:$0x2];
	[bflag:$0x3] =	sbarrier.arrive $0xFFFF;
	s2 =	simm.s32 @!p0 $0x1C0A  }
0x201: {  	[timem:s3], [sflag:s2] =	dma.local @!p0 [hbm:s0], s1  }
0x202: {  	s0 =	simm.s32 @!p0 $0xA  }
0x203: {  	_ =	swait.ge @!p0 [sflag:s0], s1  }
0x204: {  	s1 =	ssub.s32 @!p0 $0x0, s1;
	[sflag:s0] =	ssyncset.done @!p0 $0x0  }
0x205: {  	[sflag:s0] =	ssyncadd.s32 @!p0 s1  }
0x206: {  	[bflag:$0x3] =	sbarrier.arrive $0xFFFF  }
0x207: {  	_ =	shalt  }

// kernel: sparse-core-data-format-call.cloned.1.call-start
scs
called_computation_lowered:
.L_overlay_start_0:
0x0: {  	s2 =	sld [smem:$0x3FD9]  }
0x1: {  	s3 =	sld [smem:$0x3FFE];
	_ =	sdelay $0x1  }
0x2: {  	s1 =	srdreg.scid  }
0x3: {  	s0 =	sand.u32 $0x1, s1  }
0x4: {  	s18 =	sshll.u32 s0, $0xA;
	s2 =	sadd.s32 s3, s2  }
0x5: {  	s2 =	sadd.s32 s2, s18  }
0x6: {  	[smem:$0x3FC4] =	sst s2  }
0x7: {  	_ = 	snop  }
0x8: {  	s2 =	sld [smem:$0x3FD0];
	(tm) =	ssettm $0x1  }
0x9: {  	s19 =	sld [smem:$0x3FFB];
	_ =	sdelay $0x3  }
0xa: {  	_ =	strace s19  }
0xb: {  	s3 =	sld [smem:$0x3FFC];
	_ =	sdelay $0x3  }
0xc: {  	_ =	strace s3  }
0xd: {  	s3 =	sld [smem:$0x3FFD];
	_ =	sdelay $0x3  }
0xe: {  	_ =	strace s3  }
0xf: {  	_ =	strace $0x8FFFFFFF  }
0x10: {  	s20 =	sld [smem:$0x3FDB];
	_ =	sdelay $0x1  }
0x11: {  	s4 =	simm.s32 $_scs_section_size  }
0x12: {  	s5 =	simm.s32 $_size__tile_overlayer_lowered;
	s6 =	simm.s32 $_tile_overlayer_lowered  }
0x13: {  	s23 =	simm.s32 $0x1BFF;
	s22 =	sshll.u32 s6, $0x1;
	s3 =	sadd.s32 s4, s20  }
0x14: {  	s7 =	simm.s32 $0x0;
	s21 =	sshll.u32 s5, $0x1;
	s5 =	sadd.s32 s22, s3  }
0x15: {  	[timem:s7], [sflag:s23] =	dma.local [hbm:s5], s21  }
0x16: {  	_ =	swait.ge [sflag:s23], s21  }
0x17: {  	s4 =	ssub.s32 $0x0, s21;
	[sflag:s23] =	ssyncset.done $0x0  }
0x18: {  	[sflag:s23] =	ssyncadd.s32 s4;
	_ =	sdelay $0x1  }
0x19: {  	s24 =	simm.s32 $0x1B8B  }
0x1a: {  	_ =	swait.ge [sflag:s24], $0x1  }
0x1b: {  	[sflag:s24] =	ssyncset.done $0x0  }
0x1c: {  	s26 =	simm.s32 $0x1B8E;
	s25 =	sld [smem:$0x3FFE];
	[sflag:s24] =	ssyncadd.s32 $0xFFFFFFFF  }
0x1d: {  	s27 =	simm.s32 $execute0_lowered;
	[smem:$0x3FD2] =	sst s26  }
0x1e: {  	s5 =	sshll.u32 s27, $0x1;
	_ =	strace $0x80000049;
	[dreg:$0x1] =	wrdreg $0xFFFFFFFF  }
0x1f: {  	s28 =	simm.s32 $_size_execute0_lowered;
	s3 =	sadd.s32 s3, s5;
	[dreg:$0x0] =	wrdreg $0x0  }
0x20: {  	s5 =	sshll.u32 s28, $0x1;
	[dreg:$0x2] =	wrdreg s3  }
0x21: {  	[dreg:$0x3] =	wrdreg s5  }
0x22: {  	[dreg:$0x4] =	wrdreg $0xC0  }
0x23: {  	_ =	task [dreg:s7], $0x5FFFF  }
0x24: {  	[dreg:$0x1] =	wrdreg $0xFFFFFFFF  }
0x25: {  	[dreg:$0x0] =	wrdreg $0x60  }
0x26: {  	[dreg:$0x2] =	wrdreg s25  }
0x27: {  	[dreg:$0x3] =	wrdreg s2  }
0x28: {  	[dreg:$0x4] =	wrdreg $0x9  }
0x29: {  	_ =	task.clear_ibuf [dreg:s7], $0x5FFFF;
	_ =	strace $0x90000049  }
0x2a: {  	s29 =	simm.s32 $0x9;
	_ =	strace $0x8000004B  }
0x2b: {  	_ =	swait.ge [sflag:s29], $0x1  }
0x2c: {  	[sflag:s29] =	ssyncadd.s32 $0xFFFFFFFF  }
0x2d: {  	_ =	strace $0x9000004B  }
0x2e: {  	_ =	sfence  }
0x2f: {  	s30 =	sld [smem:$0x0];
	_ =	sdelay $0x2  }
0x30: {  	s31 =	sshll.u32 s1, $0xD;
	s1 =	sshrl.u32 s1, $0x2  }
0x31: {  	s3 =	sand.u32 $0x4000, s31;
	s1 =	sadd.s32 s1, s30  }
0x32: {  	s0 =	sor.u32 s3, s0;
	s1 =	sshll.u32 s1, $0x11  }
0x33: {  	s0 =	sor.u32 s1, s0  }
0x34: {  	s0 =	sadd.s32 $0x8F2B, s0  }
0x35: {  	[sflag:s0] =	ssyncadd.remote.s32 $0x1  }
0x36: {  	_ =	sfence.sel $0xFFFF  }
0x37: {  	[dreg:$0x0] =	wrdreg $0xFFFFFFFF;
	(pc) =	sbr.abs _section_cstart, $3  }
0x38: {  	[dreg:$0x1] =	wrdreg $0xFFFFFFFF  }
0x39: {  	_ =	task.clear_ibuf [dreg:s7], $0x2FFFF;
	_ =	strace $0x9FFFFFFF  }
0x3a: {  	(tm) =	ssettm $0x7FFFFFFF  }
0x3b: {  	_ =	shalt  }
tec
execute0_lowered:
.L_overlay_start_1:
0x0: {  	(tag) =	ssettag $0x1  }
0x1: {  	s0 =	srdreg.scid  }
0x2: {  	s1 =	sshll.u32 s0, $0x4  }
0x3: {  	s0 =	stileid.u32;
	s1 =	sand.u32 $0x10, s1  }
0x4: {  	s1 =	sor.u32 s0, s1  }
0x5: {  	s6 =	rddreg [dreg:$0x0];
	s4 =	simm.s32 $0x1;
	s2 =	sshll.u32 s1, $0x7  }
0x6: {  	s7 =	simm.s32 $0x2;
	s12 =	simm.s32 $0x0;
	s1 =	ssub.s32 $0x1000, s2  }
0x7: {  	s8 =	simm.s32 $0x8000;
	s13 =	simm.s32 $0x0;
	s3 =	sand.u32 $0xF80, s1  }
0x8: {  	s9 =	simm.s32 $0x0;
	s5 =	sshrl.u32 s1, $0xC;
	p0 =	sne.s32 s3, $0x0  }
.Ltmp0:
0x9: {  	s1 =	rddreg [dreg:$0x2];
	s4 =	simm.s32 @!p0 $0x0;
	(pc) =	sbr.rel .LBB1_1-.Ltmp0, $4  }
0xa: {  	s11 =	simm.s32 $0x0;
	s3 =	rddreg [dreg:$0x1];
	s5 =	sadd.s32 s4, s5  }
0xb: {  	_ =	strace $0x8000004A;
	s4 =	simm.s32 $0x1;
	s5 =	smul.u32 $0xC8, s5  }
0xc: {  	s6 =	sadd.s32 $0xA00, s6;
	s10 =	smov.u32 s2;
	[sflag:s4] =	ssyncpa.u1 $0x0  }
0xd: {  	p0 =	por $0x0, $0x0;
	[sflag:s7] =	ssyncpa.u1 $0x0;
	s7 =	sor.u32 $0x1, s5  }
.LBB1_4:
0xe: {  	s16 =	sshll.u32 s13, $0x3;
	s17 =	sand.u32 $0x78, s13  }
0xf: {  	s30 =	sand.u32 $0x7E00, s13;
	s12 =	sshll.u32 s12, $0xF;
	s16 =	sand.u32 $0xC00, s16  }
0x10: {  	[tilespmem:s15+$0x810 ss:$0x81] =	vst.msk $0xffff, v2;
	s31 =	sand.u32 $0x7, s13;
	s16 =	sor.u32 s17, s16;
	s17 =	sadd.s32 s3, s30  }
0x11: {  	[tilespmem:s15+$0x1020 ss:$0x81] =	vst.msk $0xffff, v0;
	s13 =	sshll.u32 s31, $0x12;
	s12 =	sadd.s32 s12, s17;
	s16 =	sshrl.u32 s16, $0x3  }
0x12: {  	[tilespmem:s15+$0x0 ss:$0x81] =	vst.msk $0xffff, v1;
	s13 =	sor.u32 $0x400, s13;
	s12 =	sadd.s32 s16, s12  }
0x13: {  	[hbm4b:s12+s13] =	stream.strided.scatter [tilespmem:s14], [sflag:$0x2], $0x2000, s8, s13, $0x20;
	[tilespmem:$0x8080] =	vst v63  }
.LBB1_5:
0x14: {  	s14 =	sadd.s32 $0x1, s9  }
0x15: {  	s12 =	sadd.s32 $0x1000, s10;
	s16 =	smov.u32 s10;
	p2 =	sgt.s32 s14, $0xC7  }
0x16: {  	s16 =	smov.u32 @p2 s12  }
0x17: {  	s14 =	simm.s32 @p2 $0x0;
	p2 =	sgt.s32 s16, $0xFFF  }
0x18: {  	s16 =	smov.u32 @p2 s2;
	p2 =	sne.s32 s11, s7  }
.Ltmp1:
0x19: {  	p1 =	slt.u32 s11, $0x2;
	(pc) =	sbr.rel @!p2 .LBB1_6-.Ltmp1, $4  }
0x1a: {  	s15 =	simm.s32 @!p1 $0x2  }
0x1b: {  	s13 =	smov.u32 s10;
	p0 =	por !p0, !p0;
	_ =	swait.ge @!p1 [sflag:s15], $0x2000  }
0x1c: {  	s12 =	smov.u32 s9;
	[sflag:s15] =	ssyncset.done @!p1 $0x0;
	s9 =	smov.u32 s14  }
0x1d: {  	s11 =	sadd.s32 $0x1, s11;
	[sflag:s15] =	ssyncadd.s32 @!p1 $0xFFFFE000;
	s10 =	smov.u32 s16  }
.LBB1_1:
0x1e: {  	p1 =	sge.u32 s11, s5  }
0x1f: {  	s14 =	sand.u32 @!p1 $0x1FFFFFF, s9  }
0x20: {  	s15 =	smulhi.u32 @!p1 $0x147AE15, s14;
	_ =	sdelay $0x1  }
0x21: {  	s15 =	smul.u32 @!p1 $0xC8, s15  }
0x22: {  	s16 =	sxor.u32 @!p1 $0xFFFFFFFF, s11;
	s17 =	smul.u32 @!p1 $0xC80, s10  }
0x23: {  	s31 =	sadd.s32 $0xFFFFFFFF, s11;
	s16 =	sshll.u32 @!p1 s16, $0xD;
	s14 =	ssub.s32 @!p1 s14, s15  }
0x24: {  	s15 =	sand.u32 @!p1 $0x2000, s16;
	s16 =	sadd.s32 @!p1 s6, s17;
	s14 =	sshll.u32 @!p1 s14, $0x4  }
0x25: {  	s17 =	simm.s32 @!p1 $0x6400;
	s14 =	sadd.s32 @!p1 s14, s16;
	s16 =	simm.s32 @!p1 $0x40  }
0x26: {  	[tilespmem:s15], [sflag:$0x1] =	stream.strided.gather @!p1 [hbm4b:s14+s16], $0x2000, s17, s16, $0x38;
	[tilespmem:$0x8080] =	vst v63  }
0x27: {  	p1 =	sge.u32 s31, s5  }
.Ltmp2:
0x28: {  	_ = 	snop;
	(pc) =	sbr.rel @p1 .LBB1_5-.Ltmp2, $1  }
0x29: {  	_ =	sdelay $0x3  }
0x2a: {  	s14 =	simm.s32 $0x1  }
0x2b: {  	_ =	swait.ge [sflag:s4], $0x2000;
	s14 =	simm.s32 @!p0 $0x0  }
0x2c: {  	[sflag:s4] =	ssyncset.done $0x0;
	s15 =	sshll.u32 s14, $0xD  }
0x2d: {  	[sflag:s4] =	ssyncadd.s32 $0xFFFFE000;
	s18 =	sor.u32 $0x20, s15  }
0x2e: {  	s14 =	smul.u32 $0x8100, s14;
	v3 =	vld [tilespmem:s18+$0x10]  }
0x2f: {  	s30 =	sand.u32 $0x1, s11;
	v2 =	vld [tilespmem:s18+$0xFFFFFFF0]  }
0x30: {  	s15 =	smul.u32 $0x8100, s30;
	s14 =	sshrl.u32 s14, $0x2;
	v0 =	vld [tilespmem:s18+$0x0]  }
0x31: {  	v1 =	vld [tilespmem:s18+$0xFFFFFFE0];
	s16 =	sor.u32 $0x4000, s14  }
0x32: {  	s31 =	sshrl.u32 s15, $0x2;
	s15 =	sadd.s32 $0x0, s16  }
0x33: {  	s17 =	simm.s32 $0x4;
	s18 =	sadd.s32 $0x40, s18;
	s14 =	sor.u32 $0x4000, s31;
	[tilespmem:s15+$0x1830 ss:$0x81] =	vst.msk $0xffff, v3  }
.LBB1_3:
0x34: {  	v3 =	vld [tilespmem:s18+$0x10];
	p1 =	sne.s32 s17, $0x1FC;
	[tilespmem:s15+$0x810 ss:$0x81] =	vst.msk $0xffff, v2;
	s19 =	smov.u32 s17;
	s17 =	sadd.s32 $0x4, s17  }
.Ltmp3:
0x35: {  	v2 =	vld [tilespmem:s18+$0xFFFFFFF0];
	[tilespmem:s15+$0x1020 ss:$0x81] =	vst.msk $0xffff, v0;
	(pc) =	sbr.rel @p1 .LBB1_3-.Ltmp3, $4  }
0x36: {  	v0 =	vld [tilespmem:s18+$0x0];
	[tilespmem:s15+$0x0 ss:$0x81] =	vst.msk $0xffff, v1  }
0x37: {  	s15 =	sshra.s32 s19, $0x2;
	v1 =	vld [tilespmem:s18+$0xFFFFFFE0]  }
0x38: {  	s15 =	sadd.s32 s15, s16  }
0x39: {  	s18 =	sadd.s32 $0x40, s18;
	[tilespmem:s15+$0x1830 ss:$0x81] =	vst.msk $0xffff, v3  }
.Ltmp4:
0x3a: {  	_ = 	snop;
	(pc) =	sbr.rel .LBB1_4-.Ltmp4, $1  }
0x3b: {  	_ =	sdelay $0x3  }
.LBB1_6:
0x3c: {  	_ =	sfence.sel $0x180000  }
0x3d: {  	s2 =	simm.s32 $0x1;
	[bflag:$0x0] =	sbarrier.arrive $0xFFFF  }
0x3e: {  	s31 =	simm.s32 $0x2;
	[sflag:s2] =	ssyncpa.u1 $0x1  }
0x3f: {  	[sflag:s31] =	ssyncpa.u1 $0x1  }
0x40: {  	p0 =	sne.s32 s0, $0x0;
	_ =	strace $0x9000004A  }
0x41: {  	s0 =	sadd.s32 @!p0 $0x100000, s1;
	[bflag:$0x2] =	sbarrier.arrive $0xFFFF  }
0x42: {  	[sflag:s0] =	ssyncadd.tile.s32 @!p0 $0x1;
	_ =	shalt  }
.Lfunc_end1:
_tile_overlayer_lowered:
.L_overlay_start_2:
0x43: {  	(tag) =	ssettag $0x2  }
0x44: {  	s0 =	rddreg [dreg:$0x0];
	s2 =	stileid.u32  }
0x45: {  	s1 =	rddreg [dreg:$0x1];
	p0 =	sne.s32 s2, $0x0  }
0x46: {  	s3 =	rddreg [dreg:$0x2];
	[bflag:$0x3] =	sbarrier.arrive $0xFFFF;
	s2 =	simm.s32 @!p0 $0x1C01  }
0x47: {  	[timem:s3], [sflag:s2] =	dma.local @!p0 [hbm:s0], s1  }
0x48: {  	s0 =	simm.s32 @!p0 $0x1  }
0x49: {  	_ =	swait.ge @!p0 [sflag:s0], s1  }
0x4a: {  	s1 =	ssub.s32 @!p0 $0x0, s1;
	[sflag:s0] =	ssyncset.done @!p0 $0x0  }
0x4b: {  	[sflag:s0] =	ssyncadd.s32 @!p0 s1  }
0x4c: {  	[bflag:$0x3] =	sbarrier.arrive $0xFFFF  }
0x4d: {  	_ =	shalt  }

</sc_bundles>
